<compile_context>
chip_gen: v7x
topology: tpu7x:2x2x1
jax: 0.10.2.dev20260603
libtpu: 0.0.44.dev20260713+nightly
codegen_flags: <defaults>
</compile_context>

<pallas_src>
import functools

import jax
import jax.numpy as jnp
from jax import lax
from jax.experimental import pallas as pl
from jax.experimental.pallas import tpu as pltpu
from jax.experimental.pallas import tpu_sc as plsc

NDIM = 768
NCLASS = 16
NBIN = 100
NTOK = 4096
NBIN_PAD = 128
NROWS = NCLASS * NDIM

NWORKER = 32
DPW = NDIM // NWORKER
TCHUNK = 64
NCHUNK = NTOK // TCHUNK

_MM_T = 512
_SROWS = NCLASS * DPW


def _sort_exp_body(kx_ref, ky_ref, ld_ref, sx_ref, sy_ref, dd_ref):
    ids = lax.broadcasted_iota(jnp.int32, (2 * _SROWS, NBIN_PAD), 1)
    fill = jnp.full((2 * _SROWS, NBIN_PAD - NBIN), jnp.inf, jnp.float32)

    x = jnp.concatenate([kx_ref[...].reshape(_SROWS, NBIN),
                         ky_ref[...].reshape(_SROWS, NBIN)], axis=0)
    x = jnp.concatenate([x, fill], axis=1)
    for k in (2, 4, 8, 16, 32, 64, 128):
        j = k // 2
        while j >= 1:
            pj = pltpu.roll(x, NBIN_PAD - j, axis=1)
            mj = pltpu.roll(x, j, axis=1)
            low = (ids & j) == 0
            partner = jnp.where(low, pj, mj)
            keep_min = low == ((ids & k) == 0)
            x = jnp.where(keep_min, jnp.minimum(x, partner),
                          jnp.maximum(x, partner))
            j //= 2
    res = x[:, :NBIN]
    sx_ref[...] = res[:_SROWS].reshape(1, NCLASS, DPW, NBIN)
    sy_ref[...] = res[_SROWS:].reshape(1, NCLASS, DPW, NBIN)
    dd_ref[...] = jnp.exp(ld_ref[...]).reshape(1, NCLASS, DPW, NBIN)


def _mm_body(w_ref, a_ref, o_ref):
    o_ref[...] = lax.dot_general(
        w_ref[...], a_ref[...], (((0,), (1,)), ((), ())),
        preferred_element_type=jnp.float32)


def _final_body(data_ref, yt_ref, d0t_ref, dvt_ref, w_ref, o_ref, lj_ref):
    diff = yt_ref[...] - d0t_ref[...]
    o_ref[...] = data_ref[...] + lax.dot_general(
        diff, w_ref[...], (((0,), (1,)), ((), ())),
        preferred_element_type=jnp.float32)
    lj_ref[...] = jnp.sum(jnp.log(dvt_ref[...]), axis=0)[None, None, :]


def _spline_sc_body(d0_hbm, par_hbm, sx_hbm, sy_hbm, dd_hbm, y_hbm, dv_hbm,
                    sx_v, sy_v, dd_v, par_v, x_a, x_b, yo_a, yo_b, dv_a, dv_b,
                    in_a, in_b, out_a, out_b):
    wid = lax.axis_index("s") * 2 + lax.axis_index("c")
    dbase = wid * DPW
    pltpu.sync_copy(par_hbm, par_v)
    pltpu.sync_copy(sx_hbm.at[wid], sx_v.at[pl.ds(0, NCLASS * DPW * NBIN)])
    pltpu.sync_copy(sy_hbm.at[wid], sy_v)
    pltpu.sync_copy(dd_hbm.at[wid], dd_v)
    ngrp = (TCHUNK // 16) * DPW

    def start_in(t0, x_v, sem):
        pltpu.async_copy(d0_hbm.at[pl.ds(dbase, DPW), pl.ds(t0, TCHUNK)],
                         x_v, sem)

    def wait_in(x_v, sem):
        pltpu.make_async_copy(d0_hbm.at[pl.ds(dbase, DPW), pl.ds(0, TCHUNK)],
                              x_v, sem).wait()

    def start_out(t0, yo_v, dv_v, sem):
        pltpu.async_copy(yo_v, y_hbm.at[pl.ds(dbase, DPW), pl.ds(t0, TCHUNK)],
                         sem)
        pltpu.async_copy(dv_v, dv_hbm.at[pl.ds(dbase, DPW), pl.ds(t0, TCHUNK)],
                         sem)

    def wait_out(yo_v, dv_v, sem):
        dst = y_hbm.at[pl.ds(dbase, DPW), pl.ds(0, TCHUNK)]
        pltpu.make_async_copy(yo_v, dst, sem).wait()
        pltpu.make_async_copy(dv_v, dst, sem).wait()

    def compute_chunk(t0, x_v, yo_v, dv_v):
        @plsc.parallel_loop(0, ngrp, unroll=4)
        def grp_body(g):
            tv = lax.div(g, DPW)
            dl = lax.rem(g, DPW)
            toff = tv * 16
            c_vec = par_v[pl.ds(t0 + toff, 16)]
            base = c_vec * (DPW * NBIN) + dl * NBIN
            v = x_v[dl, pl.ds(toff, 16)]
            idxp = jnp.zeros((16,), jnp.int32)
            basem1 = base - 1
            for b in (64, 32, 16, 8, 4, 2, 1):
                jj = idxp + b
                xprobe = plsc.load_gather(sx_v, [basem1 + jj])
                take = xprobe < v
                if b <= 16:
                    take &= jj <= NBIN
                idxp = jnp.where(take, jj, idxp)
            kk = jnp.clip(idxp - 1, 0, NBIN - 2)
            bk = base + kk
            bk1 = bk + 1
            xk = plsc.load_gather(sx_v, [bk])
            xk1 = plsc.load_gather(sx_v, [bk1])
            yk = plsc.load_gather(sy_v, [bk])
            yk1 = plsc.load_gather(sy_v, [bk1])
            dk = plsc.load_gather(dd_v, [bk])
            dk1 = plsc.load_gather(dd_v, [bk1])
            w = xk1 - xk
            s = (yk1 - yk) / w
            xi = jnp.clip((v - xk) / w, 0.0, 1.0)
            omxi = 1.0 - xi
            xio = xi * omxi
            denom = s + (dk1 + dk - 2.0 * s) * xio
            y_sp = yk + (yk1 - yk) * (s * xi * xi + dk * xio) / denom
            deriv_sp = (s * s
                        * (dk1 * xi * xi + 2.0 * s * xio + dk * omxi * omxi)
                        / (denom * denom))
            below = (idxp == 0) & (v < xk)
            above = idxp >= NBIN
            y_out = jnp.where(below, yk + (v - xk) * dk,
                              jnp.where(above, yk1 + (v - xk1) * dk1, y_sp))
            d_out = jnp.where(below, dk, jnp.where(above, dk1, deriv_sp))
            yo_v[dl, pl.ds(toff, 16)] = y_out
            dv_v[dl, pl.ds(toff, 16)] = d_out

    npair = NCHUNK // 2
    start_in(0, x_a, in_a)

    def pair_body(p, carry):
        t0a = (2 * p) * TCHUNK
        t0b = t0a + TCHUNK
        wait_in(x_a, in_a)
        start_in(t0b, x_b, in_b)

        @pl.when(p > 0)
        def _():
            wait_out(yo_a, dv_a, out_a)

        compute_chunk(t0a, x_a, yo_a, dv_a)
        start_out(t0a, yo_a, dv_a, out_a)

        wait_in(x_b, in_b)

        @pl.when(p < npair - 1)
        def _():
            start_in(t0a + 2 * TCHUNK, x_a, in_a)

        @pl.when(p > 0)
        def _():
            wait_out(yo_b, dv_b, out_b)

        compute_chunk(t0b, x_b, yo_b, dv_b)
        start_out(t0b, yo_b, dv_b, out_b)
        return carry

    lax.fori_loop(0, npair, pair_body, 0)
    wait_out(yo_a, dv_a, out_a)
    wait_out(yo_b, dv_b, out_b)


def kernel(data, param, wT, knots_x, knots_y, log_deriv):
    param32 = param.astype(jnp.int32)
    kx4 = knots_x.reshape(NCLASS, NWORKER, DPW, NBIN)
    ky4 = knots_y.reshape(NCLASS, NWORKER, DPW, NBIN)
    ld4 = log_deriv.reshape(NCLASS, NWORKER, DPW, NBIN)

    iblk = pl.BlockSpec((NCLASS, 1, DPW, NBIN), lambda i: (0, i, 0, 0))
    oblk = pl.BlockSpec((1, NCLASS, DPW, NBIN), lambda i: (i, 0, 0, 0))
    sx, sy, dd = pl.pallas_call(
        _sort_exp_body,
        grid=(NWORKER,),
        in_specs=[iblk, iblk, iblk],
        out_specs=[oblk, oblk, oblk],
        out_shape=[jax.ShapeDtypeStruct((NWORKER, NCLASS, DPW, NBIN),
                                        jnp.float32)] * 3,
    )(kx4, ky4, ld4)
    sx = sx.reshape(NWORKER, NCLASS * DPW * NBIN)
    sy = sy.reshape(NWORKER, NCLASS * DPW * NBIN)
    dd = dd.reshape(NWORKER, NCLASS * DPW * NBIN)

    data0t = pl.pallas_call(
        _mm_body,
        grid=(NTOK // _MM_T,),
        in_specs=[pl.BlockSpec((NDIM, NDIM), lambda i: (0, 0)),
                  pl.BlockSpec((_MM_T, NDIM), lambda i: (i, 0))],
        out_specs=pl.BlockSpec((NDIM, _MM_T), lambda i: (0, i)),
        out_shape=jax.ShapeDtypeStruct((NDIM, NTOK), jnp.float32),
    )(wT, data)

    spline = pl.kernel(
        _spline_sc_body,
        out_type=[jax.ShapeDtypeStruct((NDIM, NTOK), jnp.float32),
                  jax.ShapeDtypeStruct((NDIM, NTOK), jnp.float32)],
        mesh=plsc.VectorSubcoreMesh(core_axis_name="c", subcore_axis_name="s"),
        compiler_params=pltpu.CompilerParams(use_tc_tiling_on_sc=False,
                                             needs_layout_passes=False),
        scratch_types=[
            pltpu.VMEM((NCLASS * DPW * NBIN + 32,), jnp.float32),
            pltpu.VMEM((NCLASS * DPW * NBIN,), jnp.float32),
            pltpu.VMEM((NCLASS * DPW * NBIN,), jnp.float32),
            pltpu.VMEM((NTOK,), jnp.int32),
            pltpu.VMEM((DPW, TCHUNK), jnp.float32),
            pltpu.VMEM((DPW, TCHUNK), jnp.float32),
            pltpu.VMEM((DPW, TCHUNK), jnp.float32),
            pltpu.VMEM((DPW, TCHUNK), jnp.float32),
            pltpu.VMEM((DPW, TCHUNK), jnp.float32),
            pltpu.VMEM((DPW, TCHUNK), jnp.float32),
            pltpu.SemaphoreType.DMA,
            pltpu.SemaphoreType.DMA,
            pltpu.SemaphoreType.DMA,
            pltpu.SemaphoreType.DMA,
        ],
    )
    yt, dvt = spline(data0t, param32, sx, sy, dd)

    data_out, lj = pl.pallas_call(
        _final_body,
        grid=(NTOK // _MM_T,),
        in_specs=[pl.BlockSpec((_MM_T, NDIM), lambda i: (i, 0)),
                  pl.BlockSpec((NDIM, _MM_T), lambda i: (0, i)),
                  pl.BlockSpec((NDIM, _MM_T), lambda i: (0, i)),
                  pl.BlockSpec((NDIM, _MM_T), lambda i: (0, i)),
                  pl.BlockSpec((NDIM, NDIM), lambda i: (0, 0))],
        out_specs=[pl.BlockSpec((_MM_T, NDIM), lambda i: (i, 0)),
                   pl.BlockSpec((1, 1, _MM_T), lambda i: (i, 0, 0))],
        out_shape=[jax.ShapeDtypeStruct((NTOK, NDIM), jnp.float32),
                   jax.ShapeDtypeStruct((NTOK // _MM_T, 1, _MM_T),
                                        jnp.float32)],
    )(data, yt, data0t, dvt, wT)
    return data_out, lj.reshape(NTOK)

# --- scband reference (transcript-rebuilt; emitter-appended) ---
"""Pipeline reference for scband-conditional-sliced-transport-discrete-14774687498754 (READ-ONLY COPY).

The authoritative reference and input builder live on the scoring server;
editing this copy changes nothing except your own understanding.
"""

import jax, jax.numpy as jnp
import numpy as np

NDIM = 768
NCLASS = 16
NBIN = 100
NTOK = 4096


def _rq_spline(v, xx, yy, delta):
    # v: [N, D]; xx, yy, delta: [D, K] (monotonic rational-quadratic spline, Durkan et al., as in SINF RQspline)
    K = xx.shape[-1]
    idx = jax.vmap(lambda a, vv: jnp.searchsorted(a, vv), in_axes=(0, 1), out_axes=1)(xx, v)
    k = jnp.clip(idx - 1, 0, K - 2)
    d = jnp.arange(xx.shape[0])[None, :]
    xk = xx[d, k]
    xk1 = xx[d, k + 1]
    yk = yy[d, k]
    yk1 = yy[d, k + 1]
    dk = delta[d, k]
    dk1 = delta[d, k + 1]
    w = xk1 - xk
    s = (yk1 - yk) / w
    xi = jnp.clip((v - xk) / w, 0.0, 1.0)
    omxi = 1.0 - xi
    denom = s + (dk1 + dk - 2.0 * s) * xi * omxi
    y_sp = yk + (yk1 - yk) * (s * xi * xi + dk * xi * omxi) / denom
    deriv_sp = s * s * (dk1 * xi * xi + 2.0 * s * xi * omxi + dk * omxi * omxi) / (denom * denom)
    below = v < xx[:, 0]
    above = v > xx[:, -1]
    y_lo = yy[:, 0] + (v - xx[:, 0]) * delta[:, 0]
    y_hi = yy[:, -1] + (v - xx[:, -1]) * delta[:, -1]
    y = jnp.where(below, y_lo, jnp.where(above, y_hi, y_sp))
    lj = jnp.where(below, jnp.log(delta[:, 0]), jnp.where(above, jnp.log(delta[:, -1]), jnp.log(deriv_sp)))
    return y, lj


def setup_inputs(seed: int = 0):
    key = jax.random.key(seed)
    k1, k2, k3, k4, k5, k6 = jax.random.split(key, 6)
    data = jax.random.normal(k1, (NTOK, NDIM), dtype=jnp.float32)
    param = jax.random.randint(k2, (NTOK,), 0, NCLASS)
    wi = jax.random.normal(k3, (NDIM, NDIM), dtype=jnp.float32)
    Q, R = jnp.linalg.qr(wi)
    L = jnp.sign(jnp.diag(R))
    wT = Q * L
    base = jnp.linspace(-4.0, 4.0, NBIN).astype(jnp.float32)
    knots_x = base[None, None, :] + 0.05 * jax.random.normal(k4, (NCLASS, NDIM, NBIN), dtype=jnp.float32)
    knots_y = base[None, None, :] + 0.05 * jax.random.normal(k5, (NCLASS, NDIM, NBIN), dtype=jnp.float32)
    log_deriv = 0.1 * jax.random.normal(k6, (NCLASS, NDIM, NBIN), dtype=jnp.float32)
    return {'data': data, 'param': param, 'wT': wT, 'knots_x': knots_x, 'knots_y': knots_y, 'log_deriv': log_deriv}


def reference(data, param, wT, knots_x, knots_y, log_deriv):
    data0 = data @ wT
    remaining = data - data0 @ wT.T
    out0 = data0
    logj = jnp.zeros((data.shape[0],), dtype=data.dtype)
    for c in range(NCLASS):
        xx = jnp.sort(knots_x[c], axis=1)
        yy = jnp.sort(knots_y[c], axis=1)
        delta = jnp.exp(log_deriv[c])
        yc, lj = _rq_spline(data0, xx, yy, delta)
        mask = param == c
        out0 = jnp.where(mask[:, None], yc, out0)
        logj = jnp.where(mask, jnp.sum(lj, axis=1), logj)
    data_out = remaining + out0 @ wT.T
    return data_out, logj

if __name__ == "__main__":
    import jax
    _d = setup_inputs()
    print(jax.jit(kernel)(*tuple(_d.values())))

</pallas_src>

<mosaic_0001>
#map = affine_map<(d0, d1) -> (0, 0)>
#map1 = affine_map<(d0, d1) -> (0)>
module attributes {stable_mosaic.version = 14 : i64} {
  func.func @_spline_sc_body(%arg0: i32, %arg1: i32, %arg2: memref<768x4096xf32, #tpu.memory_space<hbm>>, %arg3: memref<4096xi32, #tpu.memory_space<hbm>>, %arg4: memref<32x38400xf32, #tpu.memory_space<hbm>>, %arg5: memref<32x38400xf32, #tpu.memory_space<hbm>>, %arg6: memref<32x38400xf32, #tpu.memory_space<hbm>>, %arg7: memref<768x4096xf32, #tpu.memory_space<hbm>>, %arg8: memref<768x4096xf32, #tpu.memory_space<hbm>>, %arg9: memref<38432xf32, #tpu.memory_space<vmem>>, %arg10: memref<38400xf32, #tpu.memory_space<vmem>>, %arg11: memref<38400xf32, #tpu.memory_space<vmem>>, %arg12: memref<4096xi32, #tpu.memory_space<vmem>>, %arg13: memref<24x64xf32, #tpu.memory_space<vmem>>, %arg14: memref<24x64xf32, #tpu.memory_space<vmem>>, %arg15: memref<24x64xf32, #tpu.memory_space<vmem>>, %arg16: memref<24x64xf32, #tpu.memory_space<vmem>>, %arg17: memref<24x64xf32, #tpu.memory_space<vmem>>, %arg18: memref<24x64xf32, #tpu.memory_space<vmem>>, %arg19: memref<!tpu.dma_semaphore, #tpu.memory_space<semaphore_mem>>, %arg20: memref<!tpu.dma_semaphore, #tpu.memory_space<semaphore_mem>>, %arg21: memref<!tpu.dma_semaphore, #tpu.memory_space<semaphore_mem>>, %arg22: memref<!tpu.dma_semaphore, #tpu.memory_space<semaphore_mem>>) attributes {dimension_semantics = [#tpu.dimension_semantics<core_parallel>, #tpu.dimension_semantics<subcore_parallel>], iteration_bounds = array<i64: 2, 16>, scalar_prefetch = 0 : i64, scratch_operands = 14 : i64, tpu.core_type = #tpu.core_type<sc_vector_subcore>, window_params = [{transform_indices = #map}, {transform_indices = #map1}, {transform_indices = #map}, {transform_indices = #map}, {transform_indices = #map}, {transform_indices = #map}, {transform_indices = #map}]} {
    %mul3A = arith.constant 2 : i32
    %mul3A_0 = arith.muli %arg1, %mul3A : i32
    %add3A = arith.addi %mul3A_0, %arg0 : i32
    %mul3A_1 = arith.constant 24 : i32
    %mul3A_2 = arith.muli %add3A, %mul3A_1 : i32
    "tpu.region"() ({
      %run_scoped3A = tpu.sem_alloc : memref<!tpu.dma_semaphore, #tpu.memory_space<semaphore_mem>>
      tpu.enqueue_dma source(%arg3 : memref<4096xi32, #tpu.memory_space<hbm>>) target(%arg12 : memref<4096xi32, #tpu.memory_space<vmem>>) target_semaphore(%run_scoped3A : memref<!tpu.dma_semaphore, #tpu.memory_space<semaphore_mem>>)
      tpu.wait_dma2 semaphore(%run_scoped3A : memref<!tpu.dma_semaphore, #tpu.memory_space<semaphore_mem>>) src(%arg3 : memref<4096xi32, #tpu.memory_space<hbm>>) dst(%arg12 : memref<4096xi32, #tpu.memory_space<vmem>>)
      tpu.yield
    }) : () -> ()
    "tpu.region"() ({
      %run_scoped3A = tpu.sem_alloc : memref<!tpu.dma_semaphore, #tpu.memory_space<semaphore_mem>>
      %dma_start3A_26 = arith.constant 0 : i32
      %dma_start3A_27 = tpu.memref_slice %arg9[%dma_start3A_26] : memref<38432xf32, #tpu.memory_space<vmem>> -> memref<38400xf32, #tpu.memory_space<vmem>>
      %dma_start3A_28 = arith.constant 0 : i32
      %dma_start3A_29 = tpu.memref_slice %arg4[%add3A, %dma_start3A_28] : memref<32x38400xf32, #tpu.memory_space<hbm>> -> memref<1x38400xf32, #tpu.memory_space<hbm>>
      %dma_start3A_30 = tpu.memref_squeeze %dma_start3A_29 : memref<1x38400xf32, #tpu.memory_space<hbm>> -> memref<38400xf32, #tpu.memory_space<hbm>>
      %dma_start3A_31 = arith.constant 0 : i32
      %dma_start3A_32 = tpu.memref_slice %arg9[%dma_start3A_31] : memref<38432xf32, #tpu.memory_space<vmem>> -> memref<38400xf32, #tpu.memory_space<vmem>>
      %dma_start3A_33 = arith.constant 0 : i32
      %dma_start3A_34 = tpu.memref_slice %arg4[%add3A, %dma_start3A_33] : memref<32x38400xf32, #tpu.memory_space<hbm>> -> memref<1x38400xf32, #tpu.memory_space<hbm>>
      %dma_start3A_35 = tpu.memref_squeeze %dma_start3A_34 : memref<1x38400xf32, #tpu.memory_space<hbm>> -> memref<38400xf32, #tpu.memory_space<hbm>>
      tpu.enqueue_dma source(%dma_start3A_35 : memref<38400xf32, #tpu.memory_space<hbm>>) target(%dma_start3A_32 : memref<38400xf32, #tpu.memory_space<vmem>>) target_semaphore(%run_scoped3A : memref<!tpu.dma_semaphore, #tpu.memory_space<semaphore_mem>>)
      %dma_wait3A_36 = arith.constant 0 : i32
      %dma_wait3A_37 = tpu.memref_slice %arg9[%dma_wait3A_36] : memref<38432xf32, #tpu.memory_space<vmem>> -> memref<38400xf32, #tpu.memory_space<vmem>>
      %dma_wait3A_38 = arith.constant 0 : i32
      %dma_wait3A_39 = tpu.memref_slice %arg4[%add3A, %dma_wait3A_38] : memref<32x38400xf32, #tpu.memory_space<hbm>> -> memref<1x38400xf32, #tpu.memory_space<hbm>>
      %dma_wait3A_40 = tpu.memref_squeeze %dma_wait3A_39 : memref<1x38400xf32, #tpu.memory_space<hbm>> -> memref<38400xf32, #tpu.memory_space<hbm>>
      %dma_wait3A_41 = arith.constant 0 : i32
      %dma_wait3A_42 = tpu.memref_slice %arg9[%dma_wait3A_41] : memref<38432xf32, #tpu.memory_space<vmem>> -> memref<38400xf32, #tpu.memory_space<vmem>>
      %dma_wait3A_43 = arith.constant 0 : i32
      %dma_wait3A_44 = tpu.memref_slice %arg4[%add3A, %dma_wait3A_43] : memref<32x38400xf32, #tpu.memory_space<hbm>> -> memref<1x38400xf32, #tpu.memory_space<hbm>>
      %dma_wait3A_45 = tpu.memref_squeeze %dma_wait3A_44 : memref<1x38400xf32, #tpu.memory_space<hbm>> -> memref<38400xf32, #tpu.memory_space<hbm>>
      tpu.wait_dma2 semaphore(%run_scoped3A : memref<!tpu.dma_semaphore, #tpu.memory_space<semaphore_mem>>) src(%dma_wait3A_45 : memref<38400xf32, #tpu.memory_space<hbm>>) dst(%dma_wait3A_42 : memref<38400xf32, #tpu.memory_space<vmem>>)
      tpu.yield
    }) : () -> ()
    "tpu.region"() ({
      %run_scoped3A = tpu.sem_alloc : memref<!tpu.dma_semaphore, #tpu.memory_space<semaphore_mem>>
      %dma_start3A_26 = arith.constant 0 : i32
      %dma_start3A_27 = tpu.memref_slice %arg5[%add3A, %dma_start3A_26] : memref<32x38400xf32, #tpu.memory_space<hbm>> -> memref<1x38400xf32, #tpu.memory_space<hbm>>
      %dma_start3A_28 = tpu.memref_squeeze %dma_start3A_27 : memref<1x38400xf32, #tpu.memory_space<hbm>> -> memref<38400xf32, #tpu.memory_space<hbm>>
      %dma_start3A_29 = arith.constant 0 : i32
      %dma_start3A_30 = tpu.memref_slice %arg5[%add3A, %dma_start3A_29] : memref<32x38400xf32, #tpu.memory_space<hbm>> -> memref<1x38400xf32, #tpu.memory_space<hbm>>
      %dma_start3A_31 = tpu.memref_squeeze %dma_start3A_30 : memref<1x38400xf32, #tpu.memory_space<hbm>> -> memref<38400xf32, #tpu.memory_space<hbm>>
      tpu.enqueue_dma source(%dma_start3A_31 : memref<38400xf32, #tpu.memory_space<hbm>>) target(%arg10 : memref<38400xf32, #tpu.memory_space<vmem>>) target_semaphore(%run_scoped3A : memref<!tpu.dma_semaphore, #tpu.memory_space<semaphore_mem>>)
      %dma_wait3A_32 = arith.constant 0 : i32
      %dma_wait3A_33 = tpu.memref_slice %arg5[%add3A, %dma_wait3A_32] : memref<32x38400xf32, #tpu.memory_space<hbm>> -> memref<1x38400xf32, #tpu.memory_space<hbm>>
      %dma_wait3A_34 = tpu.memref_squeeze %dma_wait3A_33 : memref<1x38400xf32, #tpu.memory_space<hbm>> -> memref<38400xf32, #tpu.memory_space<hbm>>
      %dma_wait3A_35 = arith.constant 0 : i32
      %dma_wait3A_36 = tpu.memref_slice %arg5[%add3A, %dma_wait3A_35] : memref<32x38400xf32, #tpu.memory_space<hbm>> -> memref<1x38400xf32, #tpu.memory_space<hbm>>
      %dma_wait3A_37 = tpu.memref_squeeze %dma_wait3A_36 : memref<1x38400xf32, #tpu.memory_space<hbm>> -> memref<38400xf32, #tpu.memory_space<hbm>>
      tpu.wait_dma2 semaphore(%run_scoped3A : memref<!tpu.dma_semaphore, #tpu.memory_space<semaphore_mem>>) src(%dma_wait3A_37 : memref<38400xf32, #tpu.memory_space<hbm>>) dst(%arg10 : memref<38400xf32, #tpu.memory_space<vmem>>)
      tpu.yield
    }) : () -> ()
    "tpu.region"() ({
      %run_scoped3A = tpu.sem_alloc : memref<!tpu.dma_semaphore, #tpu.memory_space<semaphore_mem>>
      %dma_start3A_26 = arith.constant 0 : i32
      %dma_start3A_27 = tpu.memref_slice %arg6[%add3A, %dma_start3A_26] : memref<32x38400xf32, #tpu.memory_space<hbm>> -> memref<1x38400xf32, #tpu.memory_space<hbm>>
      %dma_start3A_28 = tpu.memref_squeeze %dma_start3A_27 : memref<1x38400xf32, #tpu.memory_space<hbm>> -> memref<38400xf32, #tpu.memory_space<hbm>>
      %dma_start3A_29 = arith.constant 0 : i32
      %dma_start3A_30 = tpu.memref_slice %arg6[%add3A, %dma_start3A_29] : memref<32x38400xf32, #tpu.memory_space<hbm>> -> memref<1x38400xf32, #tpu.memory_space<hbm>>
      %dma_start3A_31 = tpu.memref_squeeze %dma_start3A_30 : memref<1x38400xf32, #tpu.memory_space<hbm>> -> memref<38400xf32, #tpu.memory_space<hbm>>
      tpu.enqueue_dma source(%dma_start3A_31 : memref<38400xf32, #tpu.memory_space<hbm>>) target(%arg11 : memref<38400xf32, #tpu.memory_space<vmem>>) target_semaphore(%run_scoped3A : memref<!tpu.dma_semaphore, #tpu.memory_space<semaphore_mem>>)
      %dma_wait3A_32 = arith.constant 0 : i32
      %dma_wait3A_33 = tpu.memref_slice %arg6[%add3A, %dma_wait3A_32] : memref<32x38400xf32, #tpu.memory_space<hbm>> -> memref<1x38400xf32, #tpu.memory_space<hbm>>
      %dma_wait3A_34 = tpu.memref_squeeze %dma_wait3A_33 : memref<1x38400xf32, #tpu.memory_space<hbm>> -> memref<38400xf32, #tpu.memory_space<hbm>>
      %dma_wait3A_35 = arith.constant 0 : i32
      %dma_wait3A_36 = tpu.memref_slice %arg6[%add3A, %dma_wait3A_35] : memref<32x38400xf32, #tpu.memory_space<hbm>> -> memref<1x38400xf32, #tpu.memory_space<hbm>>
      %dma_wait3A_37 = tpu.memref_squeeze %dma_wait3A_36 : memref<1x38400xf32, #tpu.memory_space<hbm>> -> memref<38400xf32, #tpu.memory_space<hbm>>
      tpu.wait_dma2 semaphore(%run_scoped3A : memref<!tpu.dma_semaphore, #tpu.memory_space<semaphore_mem>>) src(%dma_wait3A_37 : memref<38400xf32, #tpu.memory_space<hbm>>) dst(%arg11 : memref<38400xf32, #tpu.memory_space<vmem>>)
      tpu.yield
    }) : () -> ()
    %dma_start3A = arith.constant 0 : i32
    %dma_start3A_3 = tpu.memref_slice %arg2[%mul3A_2, %dma_start3A] : memref<768x4096xf32, #tpu.memory_space<hbm>> -> memref<24x64xf32, #tpu.memory_space<hbm>>
    %dma_start3A_4 = arith.constant 0 : i32
    %dma_start3A_5 = tpu.memref_slice %arg2[%mul3A_2, %dma_start3A_4] : memref<768x4096xf32, #tpu.memory_space<hbm>> -> memref<24x64xf32, #tpu.memory_space<hbm>>
    tpu.enqueue_dma source(%dma_start3A_5 : memref<24x64xf32, #tpu.memory_space<hbm>>) target(%arg13 : memref<24x64xf32, #tpu.memory_space<vmem>>) target_semaphore(%arg19 : memref<!tpu.dma_semaphore, #tpu.memory_space<semaphore_mem>>)
    %scan3A = arith.constant 0 : i32
    %scan3A_6 = arith.constant 0 : i32
    %scan3A_7 = arith.constant 32 : i32
    %scan3A_8 = arith.addi %scan3A_6, %scan3A_7 : i32
    %scan3A_9 = arith.constant 1 : i32
    scf.for %scan3A_26 = %scan3A_6 to %scan3A_8 step %scan3A_9  : i32 {
      %mul3A_27 = arith.constant 2 : i32
      %mul3A_28 = arith.muli %mul3A_27, %scan3A_26 : i32
      %mul3A_29 = arith.constant 64 : i32
      %mul3A_30 = arith.muli %mul3A_28, %mul3A_29 : i32
      %add3A_31 = arith.constant 64 : i32
      %add3A_32 = arith.addi %mul3A_30, %add3A_31 : i32
      %dma_wait3A_33 = arith.constant 0 : i32
      %dma_wait3A_34 = tpu.memref_slice %arg2[%mul3A_2, %dma_wait3A_33] : memref<768x4096xf32, #tpu.memory_space<hbm>> -> memref<24x64xf32, #tpu.memory_space<hbm>>
      %dma_wait3A_35 = arith.constant 0 : i32
      %dma_wait3A_36 = tpu.memref_slice %arg2[%mul3A_2, %dma_wait3A_35] : memref<768x4096xf32, #tpu.memory_space<hbm>> -> memref<24x64xf32, #tpu.memory_space<hbm>>
      tpu.wait_dma2 semaphore(%arg19 : memref<!tpu.dma_semaphore, #tpu.memory_space<semaphore_mem>>) src(%dma_wait3A_36 : memref<24x64xf32, #tpu.memory_space<hbm>>) dst(%arg13 : memref<24x64xf32, #tpu.memory_space<vmem>>)
      %dma_start3A_37 = tpu.memref_slice %arg2[%mul3A_2, %add3A_32] : memref<768x4096xf32, #tpu.memory_space<hbm>> -> memref<24x64xf32, #tpu.memory_space<hbm>>
      %dma_start3A_38 = tpu.memref_slice %arg2[%mul3A_2, %add3A_32] : memref<768x4096xf32, #tpu.memory_space<hbm>> -> memref<24x64xf32, #tpu.memory_space<hbm>>
      tpu.enqueue_dma source(%dma_start3A_38 : memref<24x64xf32, #tpu.memory_space<hbm>>) target(%arg14 : memref<24x64xf32, #tpu.memory_space<vmem>>) target_semaphore(%arg20 : memref<!tpu.dma_semaphore, #tpu.memory_space<semaphore_mem>>)
      %gt3A = arith.constant 0 : i32
      %gt3A_39 = arith.cmpi sgt, %scan3A_26, %gt3A : i32
      %convert_element_type3A = arith.extui %gt3A_39 : i1 to i32
      %cond3A = arith.constant 0 : i32
      %cond3A_40 = arith.cmpi ne, %convert_element_type3A, %cond3A : i32
      scf.if %cond3A_40 {
        %dma_wait3A_67 = arith.constant 0 : i32
        %dma_wait3A_68 = tpu.memref_slice %arg7[%mul3A_2, %dma_wait3A_67] : memref<768x4096xf32, #tpu.memory_space<hbm>> -> memref<24x64xf32, #tpu.memory_space<hbm>>
        %dma_wait3A_69 = arith.constant 0 : i32
        %dma_wait3A_70 = tpu.memref_slice %arg7[%mul3A_2, %dma_wait3A_69] : memref<768x4096xf32, #tpu.memory_space<hbm>> -> memref<24x64xf32, #tpu.memory_space<hbm>>
        tpu.wait_dma2 semaphore(%arg21 : memref<!tpu.dma_semaphore, #tpu.memory_space<semaphore_mem>>) src(%arg15 : memref<24x64xf32, #tpu.memory_space<vmem>>) dst(%dma_wait3A_70 : memref<24x64xf32, #tpu.memory_space<hbm>>)
        %dma_wait3A_71 = arith.constant 0 : i32
        %dma_wait3A_72 = tpu.memref_slice %arg7[%mul3A_2, %dma_wait3A_71] : memref<768x4096xf32, #tpu.memory_space<hbm>> -> memref<24x64xf32, #tpu.memory_space<hbm>>
        %dma_wait3A_73 = arith.constant 0 : i32
        %dma_wait3A_74 = tpu.memref_slice %arg7[%mul3A_2, %dma_wait3A_73] : memref<768x4096xf32, #tpu.memory_space<hbm>> -> memref<24x64xf32, #tpu.memory_space<hbm>>
        tpu.wait_dma2 semaphore(%arg21 : memref<!tpu.dma_semaphore, #tpu.memory_space<semaphore_mem>>) src(%arg17 : memref<24x64xf32, #tpu.memory_space<vmem>>) dst(%dma_wait3A_74 : memref<24x64xf32, #tpu.memory_space<hbm>>)
      } else {
      }
      %parallel_loop3A = arith.constant 0 : i32
      %parallel_loop3A_41 = arith.constant 96 : i32
      %parallel_loop3A_42 = arith.constant 1 : i32
      scf.for %parallel_loop3A_67 = %parallel_loop3A to %parallel_loop3A_41 step %parallel_loop3A_42  : i32 {
        %parallel_loop3A_68 = arith.constant 24 : i32
        %parallel_loop3A_69 = arith.divsi %parallel_loop3A_67, %parallel_loop3A_68 : i32
        %parallel_loop3A_70 = arith.constant 24 : i32
        %parallel_loop3A_71 = arith.remsi %parallel_loop3A_67, %parallel_loop3A_70 : i32
        %parallel_loop3A_72 = arith.constant 16 : i32
        %parallel_loop3A_73 = arith.muli %parallel_loop3A_69, %parallel_loop3A_72 : i32
        %parallel_loop3A_74 = arith.addi %mul3A_30, %parallel_loop3A_73 : i32
        %parallel_loop3A_75 = arith.index_cast %parallel_loop3A_74 : i32 to index
        %parallel_loop3A_76 = tpu.vector_load %arg12[%parallel_loop3A_75] {strides = array<i32>} : memref<4096xi32, #tpu.memory_space<vmem>>, vector<16xi32>,
        %parallel_loop3A_77 = arith.constant 2400 : i32
        %parallel_loop3A_78 = vector.broadcast %parallel_loop3A_77 : i32 to vector<16xi32>
        %parallel_loop3A_79 = arith.muli %parallel_loop3A_76, %parallel_loop3A_78 : vector<16xi32>
        %parallel_loop3A_80 = arith.constant 100 : i32
        %parallel_loop3A_81 = arith.muli %parallel_loop3A_71, %parallel_loop3A_80 : i32
        %parallel_loop3A_82 = vector.broadcast %parallel_loop3A_81 : i32 to vector<16xi32>
        %parallel_loop3A_83 = arith.addi %parallel_loop3A_79, %parallel_loop3A_82 : vector<16xi32>
        %parallel_loop3A_84 = arith.index_cast %parallel_loop3A_71 : i32 to index
        %parallel_loop3A_85 = arith.index_cast %parallel_loop3A_73 : i32 to index
        %parallel_loop3A_86 = tpu.vector_load %arg13[%parallel_loop3A_84, %parallel_loop3A_85] {strides = array<i32>} : memref<24x64xf32, #tpu.memory_space<vmem>>, vector<16xf32>,
        %parallel_loop3A_87 = arith.constant 0 : i32
        %parallel_loop3A_88 = vector.broadcast %parallel_loop3A_87 : i32 to vector<16xi32>
        %parallel_loop3A_89 = arith.constant 1 : i32
        %parallel_loop3A_90 = vector.broadcast %parallel_loop3A_89 : i32 to vector<16xi32>
        %parallel_loop3A_91 = arith.subi %parallel_loop3A_83, %parallel_loop3A_90 : vector<16xi32>
        %parallel_loop3A_92 = arith.constant 64 : i32
        %parallel_loop3A_93 = vector.broadcast %parallel_loop3A_92 : i32 to vector<16xi32>
        %parallel_loop3A_94 = arith.addi %parallel_loop3A_88, %parallel_loop3A_93 : vector<16xi32>
        %parallel_loop3A_95 = arith.addi %parallel_loop3A_91, %parallel_loop3A_94 : vector<16xi32>
        %parallel_loop3A_96 = tpu.vector_load_idx %arg9[%parallel_loop3A_95] : memref<38432xf32, #tpu.memory_space<vmem>>[vector<16xi32>], vector<16xf32>,
        %parallel_loop3A_97 = arith.cmpf olt, %parallel_loop3A_96, %parallel_loop3A_86 : vector<16xf32>
        %parallel_loop3A_98 = arith.select %parallel_loop3A_97, %parallel_loop3A_94, %parallel_loop3A_88 : vector<16xi1>, vector<16xi32>
        %parallel_loop3A_99 = arith.constant 32 : i32
        %parallel_loop3A_100 = vector.broadcast %parallel_loop3A_99 : i32 to vector<16xi32>
        %parallel_loop3A_101 = arith.addi %parallel_loop3A_98, %parallel_loop3A_100 : vector<16xi32>
        %parallel_loop3A_102 = arith.addi %parallel_loop3A_91, %parallel_loop3A_101 : vector<16xi32>
        %parallel_loop3A_103 = tpu.vector_load_idx %arg9[%parallel_loop3A_102] : memref<38432xf32, #tpu.memory_space<vmem>>[vector<16xi32>], vector<16xf32>,
        %parallel_loop3A_104 = arith.cmpf olt, %parallel_loop3A_103, %parallel_loop3A_86 : vector<16xf32>
        %parallel_loop3A_105 = arith.select %parallel_loop3A_104, %parallel_loop3A_101, %parallel_loop3A_98 : vector<16xi1>, vector<16xi32>
        %parallel_loop3A_106 = arith.constant 16 : i32
        %parallel_loop3A_107 = vector.broadcast %parallel_loop3A_106 : i32 to vector<16xi32>
        %parallel_loop3A_108 = arith.addi %parallel_loop3A_105, %parallel_loop3A_107 : vector<16xi32>
        %parallel_loop3A_109 = arith.addi %parallel_loop3A_91, %parallel_loop3A_108 : vector<16xi32>
        %parallel_loop3A_110 = tpu.vector_load_idx %arg9[%parallel_loop3A_109] : memref<38432xf32, #tpu.memory_space<vmem>>[vector<16xi32>], vector<16xf32>,
        %parallel_loop3A_111 = arith.cmpf olt, %parallel_loop3A_110, %parallel_loop3A_86 : vector<16xf32>
        %parallel_loop3A_112 = arith.constant 100 : i32
        %parallel_loop3A_113 = vector.broadcast %parallel_loop3A_112 : i32 to vector<16xi32>
        %parallel_loop3A_114 = arith.cmpi sle, %parallel_loop3A_108, %parallel_loop3A_113 : vector<16xi32>
        %parallel_loop3A_115 = arith.andi %parallel_loop3A_111, %parallel_loop3A_114 : vector<16xi1>
        %parallel_loop3A_116 = arith.select %parallel_loop3A_115, %parallel_loop3A_108, %parallel_loop3A_105 : vector<16xi1>, vector<16xi32>
        %parallel_loop3A_117 = arith.constant 8 : i32
        %parallel_loop3A_118 = vector.broadcast %parallel_loop3A_117 : i32 to vector<16xi32>
        %parallel_loop3A_119 = arith.addi %parallel_loop3A_116, %parallel_loop3A_118 : vector<16xi32>
        %parallel_loop3A_120 = arith.addi %parallel_loop3A_91, %parallel_loop3A_119 : vector<16xi32>
        %parallel_loop3A_121 = tpu.vector_load_idx %arg9[%parallel_loop3A_120] : memref<38432xf32, #tpu.memory_space<vmem>>[vector<16xi32>], vector<16xf32>,
        %parallel_loop3A_122 = arith.cmpf olt, %parallel_loop3A_121, %parallel_loop3A_86 : vector<16xf32>
        %parallel_loop3A_123 = arith.constant 100 : i32
        %parallel_loop3A_124 = vector.broadcast %parallel_loop3A_123 : i32 to vector<16xi32>
        %parallel_loop3A_125 = arith.cmpi sle, %parallel_loop3A_119, %parallel_loop3A_124 : vector<16xi32>
        %parallel_loop3A_126 = arith.andi %parallel_loop3A_122, %parallel_loop3A_125 : vector<16xi1>
        %parallel_loop3A_127 = arith.select %parallel_loop3A_126, %parallel_loop3A_119, %parallel_loop3A_116 : vector<16xi1>, vector<16xi32>
        %parallel_loop3A_128 = arith.constant 4 : i32
        %parallel_loop3A_129 = vector.broadcast %parallel_loop3A_128 : i32 to vector<16xi32>
        %parallel_loop3A_130 = arith.addi %parallel_loop3A_127, %parallel_loop3A_129 : vector<16xi32>
        %parallel_loop3A_131 = arith.addi %parallel_loop3A_91, %parallel_loop3A_130 : vector<16xi32>
        %parallel_loop3A_132 = tpu.vector_load_idx %arg9[%parallel_loop3A_131] : memref<38432xf32, #tpu.memory_space<vmem>>[vector<16xi32>], vector<16xf32>,
        %parallel_loop3A_133 = arith.cmpf olt, %parallel_loop3A_132, %parallel_loop3A_86 : vector<16xf32>
        %parallel_loop3A_134 = arith.constant 100 : i32
        %parallel_loop3A_135 = vector.broadcast %parallel_loop3A_134 : i32 to vector<16xi32>
        %parallel_loop3A_136 = arith.cmpi sle, %parallel_loop3A_130, %parallel_loop3A_135 : vector<16xi32>
        %parallel_loop3A_137 = arith.andi %parallel_loop3A_133, %parallel_loop3A_136 : vector<16xi1>
        %parallel_loop3A_138 = arith.select %parallel_loop3A_137, %parallel_loop3A_130, %parallel_loop3A_127 : vector<16xi1>, vector<16xi32>
        %parallel_loop3A_139 = arith.constant 2 : i32
        %parallel_loop3A_140 = vector.broadcast %parallel_loop3A_139 : i32 to vector<16xi32>
        %parallel_loop3A_141 = arith.addi %parallel_loop3A_138, %parallel_loop3A_140 : vector<16xi32>
        %parallel_loop3A_142 = arith.addi %parallel_loop3A_91, %parallel_loop3A_141 : vector<16xi32>
        %parallel_loop3A_143 = tpu.vector_load_idx %arg9[%parallel_loop3A_142] : memref<38432xf32, #tpu.memory_space<vmem>>[vector<16xi32>], vector<16xf32>,
        %parallel_loop3A_144 = arith.cmpf olt, %parallel_loop3A_143, %parallel_loop3A_86 : vector<16xf32>
        %parallel_loop3A_145 = arith.constant 100 : i32
        %parallel_loop3A_146 = vector.broadcast %parallel_loop3A_145 : i32 to vector<16xi32>
        %parallel_loop3A_147 = arith.cmpi sle, %parallel_loop3A_141, %parallel_loop3A_146 : vector<16xi32>
        %parallel_loop3A_148 = arith.andi %parallel_loop3A_144, %parallel_loop3A_147 : vector<16xi1>
        %parallel_loop3A_149 = arith.select %parallel_loop3A_148, %parallel_loop3A_141, %parallel_loop3A_138 : vector<16xi1>, vector<16xi32>
        %parallel_loop3A_150 = arith.constant 1 : i32
        %parallel_loop3A_151 = vector.broadcast %parallel_loop3A_150 : i32 to vector<16xi32>
        %parallel_loop3A_152 = arith.addi %parallel_loop3A_149, %parallel_loop3A_151 : vector<16xi32>
        %parallel_loop3A_153 = arith.addi %parallel_loop3A_91, %parallel_loop3A_152 : vector<16xi32>
        %parallel_loop3A_154 = tpu.vector_load_idx %arg9[%parallel_loop3A_153] : memref<38432xf32, #tpu.memory_space<vmem>>[vector<16xi32>], vector<16xf32>,
        %parallel_loop3A_155 = arith.cmpf olt, %parallel_loop3A_154, %parallel_loop3A_86 : vector<16xf32>
        %parallel_loop3A_156 = arith.constant 100 : i32
        %parallel_loop3A_157 = vector.broadcast %parallel_loop3A_156 : i32 to vector<16xi32>
        %parallel_loop3A_158 = arith.cmpi sle, %parallel_loop3A_152, %parallel_loop3A_157 : vector<16xi32>
        %parallel_loop3A_159 = arith.andi %parallel_loop3A_155, %parallel_loop3A_158 : vector<16xi1>
        %parallel_loop3A_160 = arith.select %parallel_loop3A_159, %parallel_loop3A_152, %parallel_loop3A_149 : vector<16xi1>, vector<16xi32>
        %parallel_loop3A_161 = arith.constant 1 : i32
        %parallel_loop3A_162 = vector.broadcast %parallel_loop3A_161 : i32 to vector<16xi32>
        %parallel_loop3A_163 = arith.subi %parallel_loop3A_160, %parallel_loop3A_162 : vector<16xi32>
        %parallel_loop3A_164 = arith.constant 0 : i32
        %parallel_loop3A_165 = arith.constant 98 : i32
        %parallel_loop3A_166 = vector.broadcast %parallel_loop3A_164 : i32 to vector<16xi32>
        %parallel_loop3A_167 = arith.maxsi %parallel_loop3A_166, %parallel_loop3A_163 : vector<16xi32>
        %parallel_loop3A_168 = vector.broadcast %parallel_loop3A_165 : i32 to vector<16xi32>
        %parallel_loop3A_169 = arith.minsi %parallel_loop3A_168, %parallel_loop3A_167 : vector<16xi32>
        %parallel_loop3A_170 = arith.addi %parallel_loop3A_83, %parallel_loop3A_169 : vector<16xi32>
        %parallel_loop3A_171 = arith.constant 1 : i32
        %parallel_loop3A_172 = vector.broadcast %parallel_loop3A_171 : i32 to vector<16xi32>
        %parallel_loop3A_173 = arith.addi %parallel_loop3A_170, %parallel_loop3A_172 : vector<16xi32>
        %parallel_loop3A_174 = tpu.vector_load_idx %arg9[%parallel_loop3A_170] : memref<38432xf32, #tpu.memory_space<vmem>>[vector<16xi32>], vector<16xf32>,
        %parallel_loop3A_175 = tpu.vector_load_idx %arg9[%parallel_loop3A_173] : memref<38432xf32, #tpu.memory_space<vmem>>[vector<16xi32>], vector<16xf32>,
        %parallel_loop3A_176 = tpu.vector_load_idx %arg10[%parallel_loop3A_170] : memref<38400xf32, #tpu.memory_space<vmem>>[vector<16xi32>], vector<16xf32>,
        %parallel_loop3A_177 = tpu.vector_load_idx %arg10[%parallel_loop3A_173] : memref<38400xf32, #tpu.memory_space<vmem>>[vector<16xi32>], vector<16xf32>,
        %parallel_loop3A_178 = tpu.vector_load_idx %arg11[%parallel_loop3A_170] : memref<38400xf32, #tpu.memory_space<vmem>>[vector<16xi32>], vector<16xf32>,
        %parallel_loop3A_179 = tpu.vector_load_idx %arg11[%parallel_loop3A_173] : memref<38400xf32, #tpu.memory_space<vmem>>[vector<16xi32>], vector<16xf32>,
        %parallel_loop3A_180 = arith.subf %parallel_loop3A_175, %parallel_loop3A_174 : vector<16xf32>
        %parallel_loop3A_181 = arith.subf %parallel_loop3A_177, %parallel_loop3A_176 : vector<16xf32>
        %parallel_loop3A_182 = arith.divf %parallel_loop3A_181, %parallel_loop3A_180 : vector<16xf32>
        %parallel_loop3A_183 = arith.subf %parallel_loop3A_86, %parallel_loop3A_174 : vector<16xf32>
        %parallel_loop3A_184 = arith.divf %parallel_loop3A_183, %parallel_loop3A_180 : vector<16xf32>
        %parallel_loop3A_185 = arith.constant 0.000000e+00 : f32
        %parallel_loop3A_186 = arith.constant 1.000000e+00 : f32
        %parallel_loop3A_187 = vector.broadcast %parallel_loop3A_185 : f32 to vector<16xf32>
        %parallel_loop3A_188 = arith.maximumf %parallel_loop3A_187, %parallel_loop3A_184 : vector<16xf32>
        %parallel_loop3A_189 = vector.broadcast %parallel_loop3A_186 : f32 to vector<16xf32>
        %parallel_loop3A_190 = arith.minimumf %parallel_loop3A_189, %parallel_loop3A_188 : vector<16xf32>
        %parallel_loop3A_191 = arith.constant 1.000000e+00 : f32
        %parallel_loop3A_192 = vector.broadcast %parallel_loop3A_191 : f32 to vector<16xf32>
        %parallel_loop3A_193 = arith.subf %parallel_loop3A_192, %parallel_loop3A_190 : vector<16xf32>
        %parallel_loop3A_194 = arith.mulf %parallel_loop3A_190, %parallel_loop3A_193 : vector<16xf32>
        %parallel_loop3A_195 = arith.addf %parallel_loop3A_179, %parallel_loop3A_178 : vector<16xf32>
        %parallel_loop3A_196 = arith.constant 2.000000e+00 : f32
        %parallel_loop3A_197 = vector.broadcast %parallel_loop3A_196 : f32 to vector<16xf32>
        %parallel_loop3A_198 = arith.mulf %parallel_loop3A_197, %parallel_loop3A_182 : vector<16xf32>
        %parallel_loop3A_199 = arith.subf %parallel_loop3A_195, %parallel_loop3A_198 : vector<16xf32>
        %parallel_loop3A_200 = arith.mulf %parallel_loop3A_199, %parallel_loop3A_194 : vector<16xf32>
        %parallel_loop3A_201 = arith.addf %parallel_loop3A_182, %parallel_loop3A_200 : vector<16xf32>
        %parallel_loop3A_202 = arith.subf %parallel_loop3A_177, %parallel_loop3A_176 : vector<16xf32>
        %parallel_loop3A_203 = arith.mulf %parallel_loop3A_182, %parallel_loop3A_190 : vector<16xf32>
        %parallel_loop3A_204 = arith.mulf %parallel_loop3A_203, %parallel_loop3A_190 : vector<16xf32>
        %parallel_loop3A_205 = arith.mulf %parallel_loop3A_178, %parallel_loop3A_194 : vector<16xf32>
        %parallel_loop3A_206 = arith.addf %parallel_loop3A_204, %parallel_loop3A_205 : vector<16xf32>
        %parallel_loop3A_207 = arith.mulf %parallel_loop3A_202, %parallel_loop3A_206 : vector<16xf32>
        %parallel_loop3A_208 = arith.divf %parallel_loop3A_207, %parallel_loop3A_201 : vector<16xf32>
        %parallel_loop3A_209 = arith.addf %parallel_loop3A_176, %parallel_loop3A_208 : vector<16xf32>
        %parallel_loop3A_210 = arith.mulf %parallel_loop3A_182, %parallel_loop3A_182 : vector<16xf32>
        %parallel_loop3A_211 = arith.mulf %parallel_loop3A_179, %parallel_loop3A_190 : vector<16xf32>
        %parallel_loop3A_212 = arith.mulf %parallel_loop3A_211, %parallel_loop3A_190 : vector<16xf32>
        %parallel_loop3A_213 = arith.constant 2.000000e+00 : f32
        %parallel_loop3A_214 = vector.broadcast %parallel_loop3A_213 : f32 to vector<16xf32>
        %parallel_loop3A_215 = arith.mulf %parallel_loop3A_214, %parallel_loop3A_182 : vector<16xf32>
        %parallel_loop3A_216 = arith.mulf %parallel_loop3A_215, %parallel_loop3A_194 : vector<16xf32>
        %parallel_loop3A_217 = arith.addf %parallel_loop3A_212, %parallel_loop3A_216 : vector<16xf32>
        %parallel_loop3A_218 = arith.mulf %parallel_loop3A_178, %parallel_loop3A_193 : vector<16xf32>
        %parallel_loop3A_219 = arith.mulf %parallel_loop3A_218, %parallel_loop3A_193 : vector<16xf32>
        %parallel_loop3A_220 = arith.addf %parallel_loop3A_217, %parallel_loop3A_219 : vector<16xf32>
        %parallel_loop3A_221 = arith.mulf %parallel_loop3A_210, %parallel_loop3A_220 : vector<16xf32>
        %parallel_loop3A_222 = arith.mulf %parallel_loop3A_201, %parallel_loop3A_201 : vector<16xf32>
        %parallel_loop3A_223 = arith.divf %parallel_loop3A_221, %parallel_loop3A_222 : vector<16xf32>
        %parallel_loop3A_224 = arith.constant 0 : i32
        %parallel_loop3A_225 = vector.broadcast %parallel_loop3A_224 : i32 to vector<16xi32>
        %parallel_loop3A_226 = arith.cmpi eq, %parallel_loop3A_160, %parallel_loop3A_225 : vector<16xi32>
        %parallel_loop3A_227 = arith.cmpf olt, %parallel_loop3A_86, %parallel_loop3A_174 : vector<16xf32>
        %parallel_loop3A_228 = arith.andi %parallel_loop3A_226, %parallel_loop3A_227 : vector<16xi1>
        %parallel_loop3A_229 = arith.constant 100 : i32
        %parallel_loop3A_230 = vector.broadcast %parallel_loop3A_229 : i32 to vector<16xi32>
        %parallel_loop3A_231 = arith.cmpi sge, %parallel_loop3A_160, %parallel_loop3A_230 : vector<16xi32>
        %parallel_loop3A_232 = arith.subf %parallel_loop3A_86, %parallel_loop3A_174 : vector<16xf32>
        %parallel_loop3A_233 = arith.mulf %parallel_loop3A_232, %parallel_loop3A_178 : vector<16xf32>
        %parallel_loop3A_234 = arith.addf %parallel_loop3A_176, %parallel_loop3A_233 : vector<16xf32>
        %parallel_loop3A_235 = arith.subf %parallel_loop3A_86, %parallel_loop3A_175 : vector<16xf32>
        %parallel_loop3A_236 = arith.mulf %parallel_loop3A_235, %parallel_loop3A_179 : vector<16xf32>
        %parallel_loop3A_237 = arith.addf %parallel_loop3A_177, %parallel_loop3A_236 : vector<16xf32>
        %parallel_loop3A_238 = arith.select %parallel_loop3A_231, %parallel_loop3A_237, %parallel_loop3A_209 : vector<16xi1>, vector<16xf32>
        %parallel_loop3A_239 = arith.select %parallel_loop3A_228, %parallel_loop3A_234, %parallel_loop3A_238 : vector<16xi1>, vector<16xf32>
        %parallel_loop3A_240 = arith.select %parallel_loop3A_231, %parallel_loop3A_179, %parallel_loop3A_223 : vector<16xi1>, vector<16xf32>
        %parallel_loop3A_241 = arith.select %parallel_loop3A_228, %parallel_loop3A_178, %parallel_loop3A_240 : vector<16xi1>, vector<16xf32>
        %parallel_loop3A_242 = arith.index_cast %parallel_loop3A_71 : i32 to index
        %parallel_loop3A_243 = arith.index_cast %parallel_loop3A_73 : i32 to index
        %parallel_loop3A_244 = tpu.vector_load %arg15[%parallel_loop3A_242, %parallel_loop3A_243] {strides = array<i32>} : memref<24x64xf32, #tpu.memory_space<vmem>>, vector<16xf32>,
        tpu.vector_store %arg15[%parallel_loop3A_242, %parallel_loop3A_243], %parallel_loop3A_239 {strides = array<i32>} : memref<24x64xf32, #tpu.memory_space<vmem>>, vector<16xf32>,
        %parallel_loop3A_245 = arith.index_cast %parallel_loop3A_71 : i32 to index
        %parallel_loop3A_246 = arith.index_cast %parallel_loop3A_73 : i32 to index
        %parallel_loop3A_247 = tpu.vector_load %arg17[%parallel_loop3A_245, %parallel_loop3A_246] {strides = array<i32>} : memref<24x64xf32, #tpu.memory_space<vmem>>, vector<16xf32>,
        tpu.vector_store %arg17[%parallel_loop3A_245, %parallel_loop3A_246], %parallel_loop3A_241 {strides = array<i32>} : memref<24x64xf32, #tpu.memory_space<vmem>>, vector<16xf32>,
      } {sc.loop_unroll_factor = 4 : i64, sc.parallel_access}
      %dma_start3A_43 = tpu.memref_slice %arg7[%mul3A_2, %mul3A_30] : memref<768x4096xf32, #tpu.memory_space<hbm>> -> memref<24x64xf32, #tpu.memory_space<hbm>>
      %dma_start3A_44 = tpu.memref_slice %arg7[%mul3A_2, %mul3A_30] : memref<768x4096xf32, #tpu.memory_space<hbm>> -> memref<24x64xf32, #tpu.memory_space<hbm>>
      tpu.enqueue_dma source(%arg15 : memref<24x64xf32, #tpu.memory_space<vmem>>) target(%dma_start3A_44 : memref<24x64xf32, #tpu.memory_space<hbm>>) target_semaphore(%arg21 : memref<!tpu.dma_semaphore, #tpu.memory_space<semaphore_mem>>)
      %dma_start3A_45 = tpu.memref_slice %arg8[%mul3A_2, %mul3A_30] : memref<768x4096xf32, #tpu.memory_space<hbm>> -> memref<24x64xf32, #tpu.memory_space<hbm>>
      %dma_start3A_46 = tpu.memref_slice %arg8[%mul3A_2, %mul3A_30] : memref<768x4096xf32, #tpu.memory_space<hbm>> -> memref<24x64xf32, #tpu.memory_space<hbm>>
      tpu.enqueue_dma source(%arg17 : memref<24x64xf32, #tpu.memory_space<vmem>>) target(%dma_start3A_46 : memref<24x64xf32, #tpu.memory_space<hbm>>) target_semaphore(%arg21 : memref<!tpu.dma_semaphore, #tpu.memory_space<semaphore_mem>>)
      %dma_wait3A_47 = arith.constant 0 : i32
      %dma_wait3A_48 = tpu.memref_slice %arg2[%mul3A_2, %dma_wait3A_47] : memref<768x4096xf32, #tpu.memory_space<hbm>> -> memref<24x64xf32, #tpu.memory_space<hbm>>
      %dma_wait3A_49 = arith.constant 0 : i32
      %dma_wait3A_50 = tpu.memref_slice %arg2[%mul3A_2, %dma_wait3A_49] : memref<768x4096xf32, #tpu.memory_space<hbm>> -> memref<24x64xf32, #tpu.memory_space<hbm>>
      tpu.wait_dma2 semaphore(%arg20 : memref<!tpu.dma_semaphore, #tpu.memory_space<semaphore_mem>>) src(%dma_wait3A_50 : memref<24x64xf32, #tpu.memory_space<hbm>>) dst(%arg14 : memref<24x64xf32, #tpu.memory_space<vmem>>)
      %lt3A = arith.constant 31 : i32
      %lt3A_51 = arith.cmpi slt, %scan3A_26, %lt3A : i32
      %convert_element_type3A_52 = arith.extui %lt3A_51 : i1 to i32
      %cond3A_53 = arith.constant 0 : i32
      %cond3A_54 = arith.cmpi ne, %convert_element_type3A_52, %cond3A_53 : i32
      scf.if %cond3A_54 {
        %add3A_67 = arith.constant 128 : i32
        %add3A_68 = arith.addi %mul3A_30, %add3A_67 : i32
        %dma_start3A_69 = tpu.memref_slice %arg2[%mul3A_2, %add3A_68] : memref<768x4096xf32, #tpu.memory_space<hbm>> -> memref<24x64xf32, #tpu.memory_space<hbm>>
        %dma_start3A_70 = tpu.memref_slice %arg2[%mul3A_2, %add3A_68] : memref<768x4096xf32, #tpu.memory_space<hbm>> -> memref<24x64xf32, #tpu.memory_space<hbm>>
        tpu.enqueue_dma source(%dma_start3A_70 : memref<24x64xf32, #tpu.memory_space<hbm>>) target(%arg13 : memref<24x64xf32, #tpu.memory_space<vmem>>) target_semaphore(%arg19 : memref<!tpu.dma_semaphore, #tpu.memory_space<semaphore_mem>>)
      } else {
      }
      %gt3A_55 = arith.constant 0 : i32
      %gt3A_56 = arith.cmpi sgt, %scan3A_26, %gt3A_55 : i32
      %convert_element_type3A_57 = arith.extui %gt3A_56 : i1 to i32
      %cond3A_58 = arith.constant 0 : i32
      %cond3A_59 = arith.cmpi ne, %convert_element_type3A_57, %cond3A_58 : i32
      scf.if %cond3A_59 {
        %dma_wait3A_67 = arith.constant 0 : i32
        %dma_wait3A_68 = tpu.memref_slice %arg7[%mul3A_2, %dma_wait3A_67] : memref<768x4096xf32, #tpu.memory_space<hbm>> -> memref<24x64xf32, #tpu.memory_space<hbm>>
        %dma_wait3A_69 = arith.constant 0 : i32
        %dma_wait3A_70 = tpu.memref_slice %arg7[%mul3A_2, %dma_wait3A_69] : memref<768x4096xf32, #tpu.memory_space<hbm>> -> memref<24x64xf32, #tpu.memory_space<hbm>>
        tpu.wait_dma2 semaphore(%arg22 : memref<!tpu.dma_semaphore, #tpu.memory_space<semaphore_mem>>) src(%arg16 : memref<24x64xf32, #tpu.memory_space<vmem>>) dst(%dma_wait3A_70 : memref<24x64xf32, #tpu.memory_space<hbm>>)
        %dma_wait3A_71 = arith.constant 0 : i32
        %dma_wait3A_72 = tpu.memref_slice %arg7[%mul3A_2, %dma_wait3A_71] : memref<768x4096xf32, #tpu.memory_space<hbm>> -> memref<24x64xf32, #tpu.memory_space<hbm>>
        %dma_wait3A_73 = arith.constant 0 : i32
        %dma_wait3A_74 = tpu.memref_slice %arg7[%mul3A_2, %dma_wait3A_73] : memref<768x4096xf32, #tpu.memory_space<hbm>> -> memref<24x64xf32, #tpu.memory_space<hbm>>
        tpu.wait_dma2 semaphore(%arg22 : memref<!tpu.dma_semaphore, #tpu.memory_space<semaphore_mem>>) src(%arg18 : memref<24x64xf32, #tpu.memory_space<vmem>>) dst(%dma_wait3A_74 : memref<24x64xf32, #tpu.memory_space<hbm>>)
      } else {
      }
      %parallel_loop3A_60 = arith.constant 0 : i32
      %parallel_loop3A_61 = arith.constant 96 : i32
      %parallel_loop3A_62 = arith.constant 1 : i32
      scf.for %parallel_loop3A_67 = %parallel_loop3A_60 to %parallel_loop3A_61 step %parallel_loop3A_62  : i32 {
        %parallel_loop3A_68 = arith.constant 24 : i32
        %parallel_loop3A_69 = arith.divsi %parallel_loop3A_67, %parallel_loop3A_68 : i32
        %parallel_loop3A_70 = arith.constant 24 : i32
        %parallel_loop3A_71 = arith.remsi %parallel_loop3A_67, %parallel_loop3A_70 : i32
        %parallel_loop3A_72 = arith.constant 16 : i32
        %parallel_loop3A_73 = arith.muli %parallel_loop3A_69, %parallel_loop3A_72 : i32
        %parallel_loop3A_74 = arith.addi %add3A_32, %parallel_loop3A_73 : i32
        %parallel_loop3A_75 = arith.index_cast %parallel_loop3A_74 : i32 to index
        %parallel_loop3A_76 = tpu.vector_load %arg12[%parallel_loop3A_75] {strides = array<i32>} : memref<4096xi32, #tpu.memory_space<vmem>>, vector<16xi32>,
        %parallel_loop3A_77 = arith.constant 2400 : i32
        %parallel_loop3A_78 = vector.broadcast %parallel_loop3A_77 : i32 to vector<16xi32>
        %parallel_loop3A_79 = arith.muli %parallel_loop3A_76, %parallel_loop3A_78 : vector<16xi32>
        %parallel_loop3A_80 = arith.constant 100 : i32
        %parallel_loop3A_81 = arith.muli %parallel_loop3A_71, %parallel_loop3A_80 : i32
        %parallel_loop3A_82 = vector.broadcast %parallel_loop3A_81 : i32 to vector<16xi32>
        %parallel_loop3A_83 = arith.addi %parallel_loop3A_79, %parallel_loop3A_82 : vector<16xi32>
        %parallel_loop3A_84 = arith.index_cast %parallel_loop3A_71 : i32 to index
        %parallel_loop3A_85 = arith.index_cast %parallel_loop3A_73 : i32 to index
        %parallel_loop3A_86 = tpu.vector_load %arg14[%parallel_loop3A_84, %parallel_loop3A_85] {strides = array<i32>} : memref<24x64xf32, #tpu.memory_space<vmem>>, vector<16xf32>,
        %parallel_loop3A_87 = arith.constant 0 : i32
        %parallel_loop3A_88 = vector.broadcast %parallel_loop3A_87 : i32 to vector<16xi32>
        %parallel_loop3A_89 = arith.constant 1 : i32
        %parallel_loop3A_90 = vector.broadcast %parallel_loop3A_89 : i32 to vector<16xi32>
        %parallel_loop3A_91 = arith.subi %parallel_loop3A_83, %parallel_loop3A_90 : vector<16xi32>
        %parallel_loop3A_92 = arith.constant 64 : i32
        %parallel_loop3A_93 = vector.broadcast %parallel_loop3A_92 : i32 to vector<16xi32>
        %parallel_loop3A_94 = arith.addi %parallel_loop3A_88, %parallel_loop3A_93 : vector<16xi32>
        %parallel_loop3A_95 = arith.addi %parallel_loop3A_91, %parallel_loop3A_94 : vector<16xi32>
        %parallel_loop3A_96 = tpu.vector_load_idx %arg9[%parallel_loop3A_95] : memref<38432xf32, #tpu.memory_space<vmem>>[vector<16xi32>], vector<16xf32>,
        %parallel_loop3A_97 = arith.cmpf olt, %parallel_loop3A_96, %parallel_loop3A_86 : vector<16xf32>
        %parallel_loop3A_98 = arith.select %parallel_loop3A_97, %parallel_loop3A_94, %parallel_loop3A_88 : vector<16xi1>, vector<16xi32>
        %parallel_loop3A_99 = arith.constant 32 : i32
        %parallel_loop3A_100 = vector.broadcast %parallel_loop3A_99 : i32 to vector<16xi32>
        %parallel_loop3A_101 = arith.addi %parallel_loop3A_98, %parallel_loop3A_100 : vector<16xi32>
        %parallel_loop3A_102 = arith.addi %parallel_loop3A_91, %parallel_loop3A_101 : vector<16xi32>
        %parallel_loop3A_103 = tpu.vector_load_idx %arg9[%parallel_loop3A_102] : memref<38432xf32, #tpu.memory_space<vmem>>[vector<16xi32>], vector<16xf32>,
        %parallel_loop3A_104 = arith.cmpf olt, %parallel_loop3A_103, %parallel_loop3A_86 : vector<16xf32>
        %parallel_loop3A_105 = arith.select %parallel_loop3A_104, %parallel_loop3A_101, %parallel_loop3A_98 : vector<16xi1>, vector<16xi32>
        %parallel_loop3A_106 = arith.constant 16 : i32
        %parallel_loop3A_107 = vector.broadcast %parallel_loop3A_106 : i32 to vector<16xi32>
        %parallel_loop3A_108 = arith.addi %parallel_loop3A_105, %parallel_loop3A_107 : vector<16xi32>
        %parallel_loop3A_109 = arith.addi %parallel_loop3A_91, %parallel_loop3A_108 : vector<16xi32>
        %parallel_loop3A_110 = tpu.vector_load_idx %arg9[%parallel_loop3A_109] : memref<38432xf32, #tpu.memory_space<vmem>>[vector<16xi32>], vector<16xf32>,
        %parallel_loop3A_111 = arith.cmpf olt, %parallel_loop3A_110, %parallel_loop3A_86 : vector<16xf32>
        %parallel_loop3A_112 = arith.constant 100 : i32
        %parallel_loop3A_113 = vector.broadcast %parallel_loop3A_112 : i32 to vector<16xi32>
        %parallel_loop3A_114 = arith.cmpi sle, %parallel_loop3A_108, %parallel_loop3A_113 : vector<16xi32>
        %parallel_loop3A_115 = arith.andi %parallel_loop3A_111, %parallel_loop3A_114 : vector<16xi1>
        %parallel_loop3A_116 = arith.select %parallel_loop3A_115, %parallel_loop3A_108, %parallel_loop3A_105 : vector<16xi1>, vector<16xi32>
        %parallel_loop3A_117 = arith.constant 8 : i32
        %parallel_loop3A_118 = vector.broadcast %parallel_loop3A_117 : i32 to vector<16xi32>
        %parallel_loop3A_119 = arith.addi %parallel_loop3A_116, %parallel_loop3A_118 : vector<16xi32>
        %parallel_loop3A_120 = arith.addi %parallel_loop3A_91, %parallel_loop3A_119 : vector<16xi32>
        %parallel_loop3A_121 = tpu.vector_load_idx %arg9[%parallel_loop3A_120] : memref<38432xf32, #tpu.memory_space<vmem>>[vector<16xi32>], vector<16xf32>,
        %parallel_loop3A_122 = arith.cmpf olt, %parallel_loop3A_121, %parallel_loop3A_86 : vector<16xf32>
        %parallel_loop3A_123 = arith.constant 100 : i32
        %parallel_loop3A_124 = vector.broadcast %parallel_loop3A_123 : i32 to vector<16xi32>
        %parallel_loop3A_125 = arith.cmpi sle, %parallel_loop3A_119, %parallel_loop3A_124 : vector<16xi32>
        %parallel_loop3A_126 = arith.andi %parallel_loop3A_122, %parallel_loop3A_125 : vector<16xi1>
        %parallel_loop3A_127 = arith.select %parallel_loop3A_126, %parallel_loop3A_119, %parallel_loop3A_116 : vector<16xi1>, vector<16xi32>
        %parallel_loop3A_128 = arith.constant 4 : i32
        %parallel_loop3A_129 = vector.broadcast %parallel_loop3A_128 : i32 to vector<16xi32>
        %parallel_loop3A_130 = arith.addi %parallel_loop3A_127, %parallel_loop3A_129 : vector<16xi32>
        %parallel_loop3A_131 = arith.addi %parallel_loop3A_91, %parallel_loop3A_130 : vector<16xi32>
        %parallel_loop3A_132 = tpu.vector_load_idx %arg9[%parallel_loop3A_131] : memref<38432xf32, #tpu.memory_space<vmem>>[vector<16xi32>], vector<16xf32>,
        %parallel_loop3A_133 = arith.cmpf olt, %parallel_loop3A_132, %parallel_loop3A_86 : vector<16xf32>
        %parallel_loop3A_134 = arith.constant 100 : i32
        %parallel_loop3A_135 = vector.broadcast %parallel_loop3A_134 : i32 to vector<16xi32>
        %parallel_loop3A_136 = arith.cmpi sle, %parallel_loop3A_130, %parallel_loop3A_135 : vector<16xi32>
        %parallel_loop3A_137 = arith.andi %parallel_loop3A_133, %parallel_loop3A_136 : vector<16xi1>
        %parallel_loop3A_138 = arith.select %parallel_loop3A_137, %parallel_loop3A_130, %parallel_loop3A_127 : vector<16xi1>, vector<16xi32>
        %parallel_loop3A_139 = arith.constant 2 : i32
        %parallel_loop3A_140 = vector.broadcast %parallel_loop3A_139 : i32 to vector<16xi32>
        %parallel_loop3A_141 = arith.addi %parallel_loop3A_138, %parallel_loop3A_140 : vector<16xi32>
        %parallel_loop3A_142 = arith.addi %parallel_loop3A_91, %parallel_loop3A_141 : vector<16xi32>
        %parallel_loop3A_143 = tpu.vector_load_idx %arg9[%parallel_loop3A_142] : memref<38432xf32, #tpu.memory_space<vmem>>[vector<16xi32>], vector<16xf32>,
        %parallel_loop3A_144 = arith.cmpf olt, %parallel_loop3A_143, %parallel_loop3A_86 : vector<16xf32>
        %parallel_loop3A_145 = arith.constant 100 : i32
        %parallel_loop3A_146 = vector.broadcast %parallel_loop3A_145 : i32 to vector<16xi32>
        %parallel_loop3A_147 = arith.cmpi sle, %parallel_loop3A_141, %parallel_loop3A_146 : vector<16xi32>
        %parallel_loop3A_148 = arith.andi %parallel_loop3A_144, %parallel_loop3A_147 : vector<16xi1>
        %parallel_loop3A_149 = arith.select %parallel_loop3A_148, %parallel_loop3A_141, %parallel_loop3A_138 : vector<16xi1>, vector<16xi32>
        %parallel_loop3A_150 = arith.constant 1 : i32
        %parallel_loop3A_151 = vector.broadcast %parallel_loop3A_150 : i32 to vector<16xi32>
        %parallel_loop3A_152 = arith.addi %parallel_loop3A_149, %parallel_loop3A_151 : vector<16xi32>
        %parallel_loop3A_153 = arith.addi %parallel_loop3A_91, %parallel_loop3A_152 : vector<16xi32>
        %parallel_loop3A_154 = tpu.vector_load_idx %arg9[%parallel_loop3A_153] : memref<38432xf32, #tpu.memory_space<vmem>>[vector<16xi32>], vector<16xf32>,
        %parallel_loop3A_155 = arith.cmpf olt, %parallel_loop3A_154, %parallel_loop3A_86 : vector<16xf32>
        %parallel_loop3A_156 = arith.constant 100 : i32
        %parallel_loop3A_157 = vector.broadcast %parallel_loop3A_156 : i32 to vector<16xi32>
        %parallel_loop3A_158 = arith.cmpi sle, %parallel_loop3A_152, %parallel_loop3A_157 : vector<16xi32>
        %parallel_loop3A_159 = arith.andi %parallel_loop3A_155, %parallel_loop3A_158 : vector<16xi1>
        %parallel_loop3A_160 = arith.select %parallel_loop3A_159, %parallel_loop3A_152, %parallel_loop3A_149 : vector<16xi1>, vector<16xi32>
        %parallel_loop3A_161 = arith.constant 1 : i32
        %parallel_loop3A_162 = vector.broadcast %parallel_loop3A_161 : i32 to vector<16xi32>
        %parallel_loop3A_163 = arith.subi %parallel_loop3A_160, %parallel_loop3A_162 : vector<16xi32>
        %parallel_loop3A_164 = arith.constant 0 : i32
        %parallel_loop3A_165 = arith.constant 98 : i32
        %parallel_loop3A_166 = vector.broadcast %parallel_loop3A_164 : i32 to vector<16xi32>
        %parallel_loop3A_167 = arith.maxsi %parallel_loop3A_166, %parallel_loop3A_163 : vector<16xi32>
        %parallel_loop3A_168 = vector.broadcast %parallel_loop3A_165 : i32 to vector<16xi32>
        %parallel_loop3A_169 = arith.minsi %parallel_loop3A_168, %parallel_loop3A_167 : vector<16xi32>
        %parallel_loop3A_170 = arith.addi %parallel_loop3A_83, %parallel_loop3A_169 : vector<16xi32>
        %parallel_loop3A_171 = arith.constant 1 : i32
        %parallel_loop3A_172 = vector.broadcast %parallel_loop3A_171 : i32 to vector<16xi32>
        %parallel_loop3A_173 = arith.addi %parallel_loop3A_170, %parallel_loop3A_172 : vector<16xi32>
        %parallel_loop3A_174 = tpu.vector_load_idx %arg9[%parallel_loop3A_170] : memref<38432xf32, #tpu.memory_space<vmem>>[vector<16xi32>], vector<16xf32>,
        %parallel_loop3A_175 = tpu.vector_load_idx %arg9[%parallel_loop3A_173] : memref<38432xf32, #tpu.memory_space<vmem>>[vector<16xi32>], vector<16xf32>,
        %parallel_loop3A_176 = tpu.vector_load_idx %arg10[%parallel_loop3A_170] : memref<38400xf32, #tpu.memory_space<vmem>>[vector<16xi32>], vector<16xf32>,
        %parallel_loop3A_177 = tpu.vector_load_idx %arg10[%parallel_loop3A_173] : memref<38400xf32, #tpu.memory_space<vmem>>[vector<16xi32>], vector<16xf32>,
        %parallel_loop3A_178 = tpu.vector_load_idx %arg11[%parallel_loop3A_170] : memref<38400xf32, #tpu.memory_space<vmem>>[vector<16xi32>], vector<16xf32>,
        %parallel_loop3A_179 = tpu.vector_load_idx %arg11[%parallel_loop3A_173] : memref<38400xf32, #tpu.memory_space<vmem>>[vector<16xi32>], vector<16xf32>,
        %parallel_loop3A_180 = arith.subf %parallel_loop3A_175, %parallel_loop3A_174 : vector<16xf32>
        %parallel_loop3A_181 = arith.subf %parallel_loop3A_177, %parallel_loop3A_176 : vector<16xf32>
        %parallel_loop3A_182 = arith.divf %parallel_loop3A_181, %parallel_loop3A_180 : vector<16xf32>
        %parallel_loop3A_183 = arith.subf %parallel_loop3A_86, %parallel_loop3A_174 : vector<16xf32>
        %parallel_loop3A_184 = arith.divf %parallel_loop3A_183, %parallel_loop3A_180 : vector<16xf32>
        %parallel_loop3A_185 = arith.constant 0.000000e+00 : f32
        %parallel_loop3A_186 = arith.constant 1.000000e+00 : f32
        %parallel_loop3A_187 = vector.broadcast %parallel_loop3A_185 : f32 to vector<16xf32>
        %parallel_loop3A_188 = arith.maximumf %parallel_loop3A_187, %parallel_loop3A_184 : vector<16xf32>
        %parallel_loop3A_189 = vector.broadcast %parallel_loop3A_186 : f32 to vector<16xf32>
        %parallel_loop3A_190 = arith.minimumf %parallel_loop3A_189, %parallel_loop3A_188 : vector<16xf32>
        %parallel_loop3A_191 = arith.constant 1.000000e+00 : f32
        %parallel_loop3A_192 = vector.broadcast %parallel_loop3A_191 : f32 to vector<16xf32>
        %parallel_loop3A_193 = arith.subf %parallel_loop3A_192, %parallel_loop3A_190 : vector<16xf32>
        %parallel_loop3A_194 = arith.mulf %parallel_loop3A_190, %parallel_loop3A_193 : vector<16xf32>
        %parallel_loop3A_195 = arith.addf %parallel_loop3A_179, %parallel_loop3A_178 : vector<16xf32>
        %parallel_loop3A_196 = arith.constant 2.000000e+00 : f32
        %parallel_loop3A_197 = vector.broadcast %parallel_loop3A_196 : f32 to vector<16xf32>
        %parallel_loop3A_198 = arith.mulf %parallel_loop3A_197, %parallel_loop3A_182 : vector<16xf32>
        %parallel_loop3A_199 = arith.subf %parallel_loop3A_195, %parallel_loop3A_198 : vector<16xf32>
        %parallel_loop3A_200 = arith.mulf %parallel_loop3A_199, %parallel_loop3A_194 : vector<16xf32>
        %parallel_loop3A_201 = arith.addf %parallel_loop3A_182, %parallel_loop3A_200 : vector<16xf32>
        %parallel_loop3A_202 = arith.subf %parallel_loop3A_177, %parallel_loop3A_176 : vector<16xf32>
        %parallel_loop3A_203 = arith.mulf %parallel_loop3A_182, %parallel_loop3A_190 : vector<16xf32>
        %parallel_loop3A_204 = arith.mulf %parallel_loop3A_203, %parallel_loop3A_190 : vector<16xf32>
        %parallel_loop3A_205 = arith.mulf %parallel_loop3A_178, %parallel_loop3A_194 : vector<16xf32>
        %parallel_loop3A_206 = arith.addf %parallel_loop3A_204, %parallel_loop3A_205 : vector<16xf32>
        %parallel_loop3A_207 = arith.mulf %parallel_loop3A_202, %parallel_loop3A_206 : vector<16xf32>
        %parallel_loop3A_208 = arith.divf %parallel_loop3A_207, %parallel_loop3A_201 : vector<16xf32>
        %parallel_loop3A_209 = arith.addf %parallel_loop3A_176, %parallel_loop3A_208 : vector<16xf32>
        %parallel_loop3A_210 = arith.mulf %parallel_loop3A_182, %parallel_loop3A_182 : vector<16xf32>
        %parallel_loop3A_211 = arith.mulf %parallel_loop3A_179, %parallel_loop3A_190 : vector<16xf32>
        %parallel_loop3A_212 = arith.mulf %parallel_loop3A_211, %parallel_loop3A_190 : vector<16xf32>
        %parallel_loop3A_213 = arith.constant 2.000000e+00 : f32
        %parallel_loop3A_214 = vector.broadcast %parallel_loop3A_213 : f32 to vector<16xf32>
        %parallel_loop3A_215 = arith.mulf %parallel_loop3A_214, %parallel_loop3A_182 : vector<16xf32>
        %parallel_loop3A_216 = arith.mulf %parallel_loop3A_215, %parallel_loop3A_194 : vector<16xf32>
        %parallel_loop3A_217 = arith.addf %parallel_loop3A_212, %parallel_loop3A_216 : vector<16xf32>
        %parallel_loop3A_218 = arith.mulf %parallel_loop3A_178, %parallel_loop3A_193 : vector<16xf32>
        %parallel_loop3A_219 = arith.mulf %parallel_loop3A_218, %parallel_loop3A_193 : vector<16xf32>
        %parallel_loop3A_220 = arith.addf %parallel_loop3A_217, %parallel_loop3A_219 : vector<16xf32>
        %parallel_loop3A_221 = arith.mulf %parallel_loop3A_210, %parallel_loop3A_220 : vector<16xf32>
        %parallel_loop3A_222 = arith.mulf %parallel_loop3A_201, %parallel_loop3A_201 : vector<16xf32>
        %parallel_loop3A_223 = arith.divf %parallel_loop3A_221, %parallel_loop3A_222 : vector<16xf32>
        %parallel_loop3A_224 = arith.constant 0 : i32
        %parallel_loop3A_225 = vector.broadcast %parallel_loop3A_224 : i32 to vector<16xi32>
        %parallel_loop3A_226 = arith.cmpi eq, %parallel_loop3A_160, %parallel_loop3A_225 : vector<16xi32>
        %parallel_loop3A_227 = arith.cmpf olt, %parallel_loop3A_86, %parallel_loop3A_174 : vector<16xf32>
        %parallel_loop3A_228 = arith.andi %parallel_loop3A_226, %parallel_loop3A_227 : vector<16xi1>
        %parallel_loop3A_229 = arith.constant 100 : i32
        %parallel_loop3A_230 = vector.broadcast %parallel_loop3A_229 : i32 to vector<16xi32>
        %parallel_loop3A_231 = arith.cmpi sge, %parallel_loop3A_160, %parallel_loop3A_230 : vector<16xi32>
        %parallel_loop3A_232 = arith.subf %parallel_loop3A_86, %parallel_loop3A_174 : vector<16xf32>
        %parallel_loop3A_233 = arith.mulf %parallel_loop3A_232, %parallel_loop3A_178 : vector<16xf32>
        %parallel_loop3A_234 = arith.addf %parallel_loop3A_176, %parallel_loop3A_233 : vector<16xf32>
        %parallel_loop3A_235 = arith.subf %parallel_loop3A_86, %parallel_loop3A_175 : vector<16xf32>
        %parallel_loop3A_236 = arith.mulf %parallel_loop3A_235, %parallel_loop3A_179 : vector<16xf32>
        %parallel_loop3A_237 = arith.addf %parallel_loop3A_177, %parallel_loop3A_236 : vector<16xf32>
        %parallel_loop3A_238 = arith.select %parallel_loop3A_231, %parallel_loop3A_237, %parallel_loop3A_209 : vector<16xi1>, vector<16xf32>
        %parallel_loop3A_239 = arith.select %parallel_loop3A_228, %parallel_loop3A_234, %parallel_loop3A_238 : vector<16xi1>, vector<16xf32>
        %parallel_loop3A_240 = arith.select %parallel_loop3A_231, %parallel_loop3A_179, %parallel_loop3A_223 : vector<16xi1>, vector<16xf32>
        %parallel_loop3A_241 = arith.select %parallel_loop3A_228, %parallel_loop3A_178, %parallel_loop3A_240 : vector<16xi1>, vector<16xf32>
        %parallel_loop3A_242 = arith.index_cast %parallel_loop3A_71 : i32 to index
        %parallel_loop3A_243 = arith.index_cast %parallel_loop3A_73 : i32 to index
        %parallel_loop3A_244 = tpu.vector_load %arg16[%parallel_loop3A_242, %parallel_loop3A_243] {strides = array<i32>} : memref<24x64xf32, #tpu.memory_space<vmem>>, vector<16xf32>,
        tpu.vector_store %arg16[%parallel_loop3A_242, %parallel_loop3A_243], %parallel_loop3A_239 {strides = array<i32>} : memref<24x64xf32, #tpu.memory_space<vmem>>, vector<16xf32>,
        %parallel_loop3A_245 = arith.index_cast %parallel_loop3A_71 : i32 to index
        %parallel_loop3A_246 = arith.index_cast %parallel_loop3A_73 : i32 to index
        %parallel_loop3A_247 = tpu.vector_load %arg18[%parallel_loop3A_245, %parallel_loop3A_246] {strides = array<i32>} : memref<24x64xf32, #tpu.memory_space<vmem>>, vector<16xf32>,
        tpu.vector_store %arg18[%parallel_loop3A_245, %parallel_loop3A_246], %parallel_loop3A_241 {strides = array<i32>} : memref<24x64xf32, #tpu.memory_space<vmem>>, vector<16xf32>,
      } {sc.loop_unroll_factor = 4 : i64, sc.parallel_access}
      %dma_start3A_63 = tpu.memref_slice %arg7[%mul3A_2, %add3A_32] : memref<768x4096xf32, #tpu.memory_space<hbm>> -> memref<24x64xf32, #tpu.memory_space<hbm>>
      %dma_start3A_64 = tpu.memref_slice %arg7[%mul3A_2, %add3A_32] : memref<768x4096xf32, #tpu.memory_space<hbm>> -> memref<24x64xf32, #tpu.memory_space<hbm>>
      tpu.enqueue_dma source(%arg16 : memref<24x64xf32, #tpu.memory_space<vmem>>) target(%dma_start3A_64 : memref<24x64xf32, #tpu.memory_space<hbm>>) target_semaphore(%arg22 : memref<!tpu.dma_semaphore, #tpu.memory_space<semaphore_mem>>)
      %dma_start3A_65 = tpu.memref_slice %arg8[%mul3A_2, %add3A_32] : memref<768x4096xf32, #tpu.memory_space<hbm>> -> memref<24x64xf32, #tpu.memory_space<hbm>>
      %dma_start3A_66 = tpu.memref_slice %arg8[%mul3A_2, %add3A_32] : memref<768x4096xf32, #tpu.memory_space<hbm>> -> memref<24x64xf32, #tpu.memory_space<hbm>>
      tpu.enqueue_dma source(%arg18 : memref<24x64xf32, #tpu.memory_space<vmem>>) target(%dma_start3A_66 : memref<24x64xf32, #tpu.memory_space<hbm>>) target_semaphore(%arg22 : memref<!tpu.dma_semaphore, #tpu.memory_space<semaphore_mem>>)
    }
    %scan3A_10 = arith.constant 32 : i32
    %dma_wait3A = arith.constant 0 : i32
    %dma_wait3A_11 = tpu.memref_slice %arg7[%mul3A_2, %dma_wait3A] : memref<768x4096xf32, #tpu.memory_space<hbm>> -> memref<24x64xf32, #tpu.memory_space<hbm>>
    %dma_wait3A_12 = arith.constant 0 : i32
    %dma_wait3A_13 = tpu.memref_slice %arg7[%mul3A_2, %dma_wait3A_12] : memref<768x4096xf32, #tpu.memory_space<hbm>> -> memref<24x64xf32, #tpu.memory_space<hbm>>
    tpu.wait_dma2 semaphore(%arg21 : memref<!tpu.dma_semaphore, #tpu.memory_space<semaphore_mem>>) src(%arg15 : memref<24x64xf32, #tpu.memory_space<vmem>>) dst(%dma_wait3A_13 : memref<24x64xf32, #tpu.memory_space<hbm>>)
    %dma_wait3A_14 = arith.constant 0 : i32
    %dma_wait3A_15 = tpu.memref_slice %arg7[%mul3A_2, %dma_wait3A_14] : memref<768x4096xf32, #tpu.memory_space<hbm>> -> memref<24x64xf32, #tpu.memory_space<hbm>>
    %dma_wait3A_16 = arith.constant 0 : i32
    %dma_wait3A_17 = tpu.memref_slice %arg7[%mul3A_2, %dma_wait3A_16] : memref<768x4096xf32, #tpu.memory_space<hbm>> -> memref<24x64xf32, #tpu.memory_space<hbm>>
    tpu.wait_dma2 semaphore(%arg21 : memref<!tpu.dma_semaphore, #tpu.memory_space<semaphore_mem>>) src(%arg17 : memref<24x64xf32, #tpu.memory_space<vmem>>) dst(%dma_wait3A_17 : memref<24x64xf32, #tpu.memory_space<hbm>>)
    %dma_wait3A_18 = arith.constant 0 : i32
    %dma_wait3A_19 = tpu.memref_slice %arg7[%mul3A_2, %dma_wait3A_18] : memref<768x4096xf32, #tpu.memory_space<hbm>> -> memref<24x64xf32, #tpu.memory_space<hbm>>
    %dma_wait3A_20 = arith.constant 0 : i32
    %dma_wait3A_21 = tpu.memref_slice %arg7[%mul3A_2, %dma_wait3A_20] : memref<768x4096xf32, #tpu.memory_space<hbm>> -> memref<24x64xf32, #tpu.memory_space<hbm>>
    tpu.wait_dma2 semaphore(%arg22 : memref<!tpu.dma_semaphore, #tpu.memory_space<semaphore_mem>>) src(%arg16 : memref<24x64xf32, #tpu.memory_space<vmem>>) dst(%dma_wait3A_21 : memref<24x64xf32, #tpu.memory_space<hbm>>)
    %dma_wait3A_22 = arith.constant 0 : i32
    %dma_wait3A_23 = tpu.memref_slice %arg7[%mul3A_2, %dma_wait3A_22] : memref<768x4096xf32, #tpu.memory_space<hbm>> -> memref<24x64xf32, #tpu.memory_space<hbm>>
    %dma_wait3A_24 = arith.constant 0 : i32
    %dma_wait3A_25 = tpu.memref_slice %arg7[%mul3A_2, %dma_wait3A_24] : memref<768x4096xf32, #tpu.memory_space<hbm>> -> memref<24x64xf32, #tpu.memory_space<hbm>>
    tpu.wait_dma2 semaphore(%arg22 : memref<!tpu.dma_semaphore, #tpu.memory_space<semaphore_mem>>) src(%arg18 : memref<24x64xf32, #tpu.memory_space<vmem>>) dst(%dma_wait3A_25 : memref<24x64xf32, #tpu.memory_space<hbm>>)
    return
  }
}

module attributes {stable_mosaic.version = 14 : i64} {
  func.func @_sort_exp_body(%arg0: i32, %arg1: memref<16x1x24x100xf32, #tpu.memory_space<vmem>>, %arg2: memref<16x1x24x100xf32, #tpu.memory_space<vmem>>, %arg3: memref<16x1x24x100xf32, #tpu.memory_space<vmem>>, %arg4: memref<1x16x24x100xf32, #tpu.memory_space<vmem>>, %arg5: memref<1x16x24x100xf32, #tpu.memory_space<vmem>>, %arg6: memref<1x16x24x100xf32, #tpu.memory_space<vmem>>) attributes {dimension_semantics = [#tpu.dimension_semantics<arbitrary>], iteration_bounds = array<i64: 32>, scalar_prefetch = 0 : i64, scratch_operands = 0 : i64, tpu.core_type = #tpu.core_type<tc>, window_params = [{transform_indices = @transform_0, window_bounds = array<i64: 16, 1, 24, 100>}, {transform_indices = @transform_1, window_bounds = array<i64: 16, 1, 24, 100>}, {transform_indices = @transform_2, window_bounds = array<i64: 16, 1, 24, 100>}, {transform_indices = @transform_3, window_bounds = array<i64: 1, 16, 24, 100>}, {transform_indices = @transform_4, window_bounds = array<i64: 1, 16, 24, 100>}, {transform_indices = @transform_5, window_bounds = array<i64: 1, 16, 24, 100>}]} {
    %iota3A = tpu.iota {dimensions = array<i32: 1>} : vector<768x128xi32>
    %broadcast_in_dim3A = arith.constant 0x7F800000 : f32
    %broadcast_in_dim3A_0 = vector.broadcast %broadcast_in_dim3A : f32 to vector<768x28xf32>
    %get3A = arith.constant 0 : index
    %get3A_1 = arith.constant 0 : index
    %get3A_2 = arith.constant 0 : index
    %get3A_3 = arith.constant 0 : index
    %get3A_4 = vector.load %arg1[%get3A, %get3A_1, %get3A_2, %get3A_3] : memref<16x1x24x100xf32, #tpu.memory_space<vmem>>, vector<16x1x24x100xf32>
    %reshape3A = vector.shape_cast %get3A_4 : vector<16x1x24x100xf32> to vector<384x100xf32>
    %get3A_5 = arith.constant 0 : index
    %get3A_6 = arith.constant 0 : index
    %get3A_7 = arith.constant 0 : index
    %get3A_8 = arith.constant 0 : index
    %get3A_9 = vector.load %arg2[%get3A_5, %get3A_6, %get3A_7, %get3A_8] : memref<16x1x24x100xf32, #tpu.memory_space<vmem>>, vector<16x1x24x100xf32>
    %reshape3A_10 = vector.shape_cast %get3A_9 : vector<16x1x24x100xf32> to vector<384x100xf32>
    %concatenate3A = tpu.concatenate %reshape3A, %reshape3A_10 in 0 : vector<384x100xf32>, vector<384x100xf32> -> vector<768x100xf32>
    %concatenate3A_11 = tpu.concatenate %concatenate3A, %broadcast_in_dim3A_0 in 1 : vector<768x100xf32>, vector<768x28xf32> -> vector<768x128xf32>
    %roll3A = arith.constant 127 : i32
    %roll3A_12 = tpu.dynamic_rotate %concatenate3A_11 by %roll3A dim 1 : vector<768x128xf32>, i32 -> vector<768x128xf32>
    %roll3A_13 = arith.constant 1 : i32
    %roll3A_14 = tpu.dynamic_rotate %concatenate3A_11 by %roll3A_13 dim 1 : vector<768x128xf32>, i32 -> vector<768x128xf32>
    %and3A = arith.constant 1 : i32
    %and3A_15 = vector.broadcast %and3A : i32 to vector<768x128xi32>
    %and3A_16 = arith.andi %iota3A, %and3A_15 : vector<768x128xi32>
    %eq3A = arith.constant 0 : i32
    %eq3A_17 = vector.broadcast %eq3A : i32 to vector<768x128xi32>
    %eq3A_18 = arith.cmpi eq, %and3A_16, %eq3A_17 : vector<768x128xi32>
    %select_n3A = arith.select %eq3A_18, %roll3A_12, %roll3A_14 : vector<768x128xi1>, vector<768x128xf32>
    %and3A_19 = arith.constant 2 : i32
    %and3A_20 = vector.broadcast %and3A_19 : i32 to vector<768x128xi32>
    %and3A_21 = arith.andi %iota3A, %and3A_20 : vector<768x128xi32>
    %eq3A_22 = arith.constant 0 : i32
    %eq3A_23 = vector.broadcast %eq3A_22 : i32 to vector<768x128xi32>
    %eq3A_24 = arith.cmpi eq, %and3A_21, %eq3A_23 : vector<768x128xi32>
    %eq3A_25 = arith.xori %eq3A_18, %eq3A_24 : vector<768x128xi1>
    %eq3A_26 = arith.constant dense<true> : vector<768x128xi1>
    %eq3A_27 = arith.xori %eq3A_25, %eq3A_26 : vector<768x128xi1>
    %min3A = arith.minimumf %concatenate3A_11, %select_n3A : vector<768x128xf32>
    %max3A = arith.maximumf %concatenate3A_11, %select_n3A : vector<768x128xf32>
    %select_n3A_28 = arith.select %eq3A_27, %min3A, %max3A : vector<768x128xi1>, vector<768x128xf32>
    %roll3A_29 = arith.constant 126 : i32
    %roll3A_30 = tpu.dynamic_rotate %select_n3A_28 by %roll3A_29 dim 1 : vector<768x128xf32>, i32 -> vector<768x128xf32>
    %roll3A_31 = arith.constant 2 : i32
    %roll3A_32 = tpu.dynamic_rotate %select_n3A_28 by %roll3A_31 dim 1 : vector<768x128xf32>, i32 -> vector<768x128xf32>
    %and3A_33 = arith.constant 2 : i32
    %and3A_34 = vector.broadcast %and3A_33 : i32 to vector<768x128xi32>
    %and3A_35 = arith.andi %iota3A, %and3A_34 : vector<768x128xi32>
    %eq3A_36 = arith.constant 0 : i32
    %eq3A_37 = vector.broadcast %eq3A_36 : i32 to vector<768x128xi32>
    %eq3A_38 = arith.cmpi eq, %and3A_35, %eq3A_37 : vector<768x128xi32>
    %select_n3A_39 = arith.select %eq3A_38, %roll3A_30, %roll3A_32 : vector<768x128xi1>, vector<768x128xf32>
    %and3A_40 = arith.constant 4 : i32
    %and3A_41 = vector.broadcast %and3A_40 : i32 to vector<768x128xi32>
    %and3A_42 = arith.andi %iota3A, %and3A_41 : vector<768x128xi32>
    %eq3A_43 = arith.constant 0 : i32
    %eq3A_44 = vector.broadcast %eq3A_43 : i32 to vector<768x128xi32>
    %eq3A_45 = arith.cmpi eq, %and3A_42, %eq3A_44 : vector<768x128xi32>
    %eq3A_46 = arith.xori %eq3A_38, %eq3A_45 : vector<768x128xi1>
    %eq3A_47 = arith.constant dense<true> : vector<768x128xi1>
    %eq3A_48 = arith.xori %eq3A_46, %eq3A_47 : vector<768x128xi1>
    %min3A_49 = arith.minimumf %select_n3A_28, %select_n3A_39 : vector<768x128xf32>
    %max3A_50 = arith.maximumf %select_n3A_28, %select_n3A_39 : vector<768x128xf32>
    %select_n3A_51 = arith.select %eq3A_48, %min3A_49, %max3A_50 : vector<768x128xi1>, vector<768x128xf32>
    %roll3A_52 = arith.constant 127 : i32
    %roll3A_53 = tpu.dynamic_rotate %select_n3A_51 by %roll3A_52 dim 1 : vector<768x128xf32>, i32 -> vector<768x128xf32>
    %roll3A_54 = arith.constant 1 : i32
    %roll3A_55 = tpu.dynamic_rotate %select_n3A_51 by %roll3A_54 dim 1 : vector<768x128xf32>, i32 -> vector<768x128xf32>
    %and3A_56 = arith.constant 1 : i32
    %and3A_57 = vector.broadcast %and3A_56 : i32 to vector<768x128xi32>
    %and3A_58 = arith.andi %iota3A, %and3A_57 : vector<768x128xi32>
    %eq3A_59 = arith.constant 0 : i32
    %eq3A_60 = vector.broadcast %eq3A_59 : i32 to vector<768x128xi32>
    %eq3A_61 = arith.cmpi eq, %and3A_58, %eq3A_60 : vector<768x128xi32>
    %select_n3A_62 = arith.select %eq3A_61, %roll3A_53, %roll3A_55 : vector<768x128xi1>, vector<768x128xf32>
    %and3A_63 = arith.constant 4 : i32
    %and3A_64 = vector.broadcast %and3A_63 : i32 to vector<768x128xi32>
    %and3A_65 = arith.andi %iota3A, %and3A_64 : vector<768x128xi32>
    %eq3A_66 = arith.constant 0 : i32
    %eq3A_67 = vector.broadcast %eq3A_66 : i32 to vector<768x128xi32>
    %eq3A_68 = arith.cmpi eq, %and3A_65, %eq3A_67 : vector<768x128xi32>
    %eq3A_69 = arith.xori %eq3A_61, %eq3A_68 : vector<768x128xi1>
    %eq3A_70 = arith.constant dense<true> : vector<768x128xi1>
    %eq3A_71 = arith.xori %eq3A_69, %eq3A_70 : vector<768x128xi1>
    %min3A_72 = arith.minimumf %select_n3A_51, %select_n3A_62 : vector<768x128xf32>
    %max3A_73 = arith.maximumf %select_n3A_51, %select_n3A_62 : vector<768x128xf32>
    %select_n3A_74 = arith.select %eq3A_71, %min3A_72, %max3A_73 : vector<768x128xi1>, vector<768x128xf32>
    %roll3A_75 = arith.constant 124 : i32
    %roll3A_76 = tpu.dynamic_rotate %select_n3A_74 by %roll3A_75 dim 1 : vector<768x128xf32>, i32 -> vector<768x128xf32>
    %roll3A_77 = arith.constant 4 : i32
    %roll3A_78 = tpu.dynamic_rotate %select_n3A_74 by %roll3A_77 dim 1 : vector<768x128xf32>, i32 -> vector<768x128xf32>
    %and3A_79 = arith.constant 4 : i32
    %and3A_80 = vector.broadcast %and3A_79 : i32 to vector<768x128xi32>
    %and3A_81 = arith.andi %iota3A, %and3A_80 : vector<768x128xi32>
    %eq3A_82 = arith.constant 0 : i32
    %eq3A_83 = vector.broadcast %eq3A_82 : i32 to vector<768x128xi32>
    %eq3A_84 = arith.cmpi eq, %and3A_81, %eq3A_83 : vector<768x128xi32>
    %select_n3A_85 = arith.select %eq3A_84, %roll3A_76, %roll3A_78 : vector<768x128xi1>, vector<768x128xf32>
    %and3A_86 = arith.constant 8 : i32
    %and3A_87 = vector.broadcast %and3A_86 : i32 to vector<768x128xi32>
    %and3A_88 = arith.andi %iota3A, %and3A_87 : vector<768x128xi32>
    %eq3A_89 = arith.constant 0 : i32
    %eq3A_90 = vector.broadcast %eq3A_89 : i32 to vector<768x128xi32>
    %eq3A_91 = arith.cmpi eq, %and3A_88, %eq3A_90 : vector<768x128xi32>
    %eq3A_92 = arith.xori %eq3A_84, %eq3A_91 : vector<768x128xi1>
    %eq3A_93 = arith.constant dense<true> : vector<768x128xi1>
    %eq3A_94 = arith.xori %eq3A_92, %eq3A_93 : vector<768x128xi1>
    %min3A_95 = arith.minimumf %select_n3A_74, %select_n3A_85 : vector<768x128xf32>
    %max3A_96 = arith.maximumf %select_n3A_74, %select_n3A_85 : vector<768x128xf32>
    %select_n3A_97 = arith.select %eq3A_94, %min3A_95, %max3A_96 : vector<768x128xi1>, vector<768x128xf32>
    %roll3A_98 = arith.constant 126 : i32
    %roll3A_99 = tpu.dynamic_rotate %select_n3A_97 by %roll3A_98 dim 1 : vector<768x128xf32>, i32 -> vector<768x128xf32>
    %roll3A_100 = arith.constant 2 : i32
    %roll3A_101 = tpu.dynamic_rotate %select_n3A_97 by %roll3A_100 dim 1 : vector<768x128xf32>, i32 -> vector<768x128xf32>
    %and3A_102 = arith.constant 2 : i32
    %and3A_103 = vector.broadcast %and3A_102 : i32 to vector<768x128xi32>
    %and3A_104 = arith.andi %iota3A, %and3A_103 : vector<768x128xi32>
    %eq3A_105 = arith.constant 0 : i32
    %eq3A_106 = vector.broadcast %eq3A_105 : i32 to vector<768x128xi32>
    %eq3A_107 = arith.cmpi eq, %and3A_104, %eq3A_106 : vector<768x128xi32>
    %select_n3A_108 = arith.select %eq3A_107, %roll3A_99, %roll3A_101 : vector<768x128xi1>, vector<768x128xf32>
    %and3A_109 = arith.constant 8 : i32
    %and3A_110 = vector.broadcast %and3A_109 : i32 to vector<768x128xi32>
    %and3A_111 = arith.andi %iota3A, %and3A_110 : vector<768x128xi32>
    %eq3A_112 = arith.constant 0 : i32
    %eq3A_113 = vector.broadcast %eq3A_112 : i32 to vector<768x128xi32>
    %eq3A_114 = arith.cmpi eq, %and3A_111, %eq3A_113 : vector<768x128xi32>
    %eq3A_115 = arith.xori %eq3A_107, %eq3A_114 : vector<768x128xi1>
    %eq3A_116 = arith.constant dense<true> : vector<768x128xi1>
    %eq3A_117 = arith.xori %eq3A_115, %eq3A_116 : vector<768x128xi1>
    %min3A_118 = arith.minimumf %select_n3A_97, %select_n3A_108 : vector<768x128xf32>
    %max3A_119 = arith.maximumf %select_n3A_97, %select_n3A_108 : vector<768x128xf32>
    %select_n3A_120 = arith.select %eq3A_117, %min3A_118, %max3A_119 : vector<768x128xi1>, vector<768x128xf32>
    %roll3A_121 = arith.constant 127 : i32
    %roll3A_122 = tpu.dynamic_rotate %select_n3A_120 by %roll3A_121 dim 1 : vector<768x128xf32>, i32 -> vector<768x128xf32>
    %roll3A_123 = arith.constant 1 : i32
    %roll3A_124 = tpu.dynamic_rotate %select_n3A_120 by %roll3A_123 dim 1 : vector<768x128xf32>, i32 -> vector<768x128xf32>
    %and3A_125 = arith.constant 1 : i32
    %and3A_126 = vector.broadcast %and3A_125 : i32 to vector<768x128xi32>
    %and3A_127 = arith.andi %iota3A, %and3A_126 : vector<768x128xi32>
    %eq3A_128 = arith.constant 0 : i32
    %eq3A_129 = vector.broadcast %eq3A_128 : i32 to vector<768x128xi32>
    %eq3A_130 = arith.cmpi eq, %and3A_127, %eq3A_129 : vector<768x128xi32>
    %select_n3A_131 = arith.select %eq3A_130, %roll3A_122, %roll3A_124 : vector<768x128xi1>, vector<768x128xf32>
    %and3A_132 = arith.constant 8 : i32
    %and3A_133 = vector.broadcast %and3A_132 : i32 to vector<768x128xi32>
    %and3A_134 = arith.andi %iota3A, %and3A_133 : vector<768x128xi32>
    %eq3A_135 = arith.constant 0 : i32
    %eq3A_136 = vector.broadcast %eq3A_135 : i32 to vector<768x128xi32>
    %eq3A_137 = arith.cmpi eq, %and3A_134, %eq3A_136 : vector<768x128xi32>
    %eq3A_138 = arith.xori %eq3A_130, %eq3A_137 : vector<768x128xi1>
    %eq3A_139 = arith.constant dense<true> : vector<768x128xi1>
    %eq3A_140 = arith.xori %eq3A_138, %eq3A_139 : vector<768x128xi1>
    %min3A_141 = arith.minimumf %select_n3A_120, %select_n3A_131 : vector<768x128xf32>
    %max3A_142 = arith.maximumf %select_n3A_120, %select_n3A_131 : vector<768x128xf32>
    %select_n3A_143 = arith.select %eq3A_140, %min3A_141, %max3A_142 : vector<768x128xi1>, vector<768x128xf32>
    %roll3A_144 = arith.constant 120 : i32
    %roll3A_145 = tpu.dynamic_rotate %select_n3A_143 by %roll3A_144 dim 1 : vector<768x128xf32>, i32 -> vector<768x128xf32>
    %roll3A_146 = arith.constant 8 : i32
    %roll3A_147 = tpu.dynamic_rotate %select_n3A_143 by %roll3A_146 dim 1 : vector<768x128xf32>, i32 -> vector<768x128xf32>
    %and3A_148 = arith.constant 8 : i32
    %and3A_149 = vector.broadcast %and3A_148 : i32 to vector<768x128xi32>
    %and3A_150 = arith.andi %iota3A, %and3A_149 : vector<768x128xi32>
    %eq3A_151 = arith.constant 0 : i32
    %eq3A_152 = vector.broadcast %eq3A_151 : i32 to vector<768x128xi32>
    %eq3A_153 = arith.cmpi eq, %and3A_150, %eq3A_152 : vector<768x128xi32>
    %select_n3A_154 = arith.select %eq3A_153, %roll3A_145, %roll3A_147 : vector<768x128xi1>, vector<768x128xf32>
    %and3A_155 = arith.constant 16 : i32
    %and3A_156 = vector.broadcast %and3A_155 : i32 to vector<768x128xi32>
    %and3A_157 = arith.andi %iota3A, %and3A_156 : vector<768x128xi32>
    %eq3A_158 = arith.constant 0 : i32
    %eq3A_159 = vector.broadcast %eq3A_158 : i32 to vector<768x128xi32>
    %eq3A_160 = arith.cmpi eq, %and3A_157, %eq3A_159 : vector<768x128xi32>
    %eq3A_161 = arith.xori %eq3A_153, %eq3A_160 : vector<768x128xi1>
    %eq3A_162 = arith.constant dense<true> : vector<768x128xi1>
    %eq3A_163 = arith.xori %eq3A_161, %eq3A_162 : vector<768x128xi1>
    %min3A_164 = arith.minimumf %select_n3A_143, %select_n3A_154 : vector<768x128xf32>
    %max3A_165 = arith.maximumf %select_n3A_143, %select_n3A_154 : vector<768x128xf32>
    %select_n3A_166 = arith.select %eq3A_163, %min3A_164, %max3A_165 : vector<768x128xi1>, vector<768x128xf32>
    %roll3A_167 = arith.constant 124 : i32
    %roll3A_168 = tpu.dynamic_rotate %select_n3A_166 by %roll3A_167 dim 1 : vector<768x128xf32>, i32 -> vector<768x128xf32>
    %roll3A_169 = arith.constant 4 : i32
    %roll3A_170 = tpu.dynamic_rotate %select_n3A_166 by %roll3A_169 dim 1 : vector<768x128xf32>, i32 -> vector<768x128xf32>
    %and3A_171 = arith.constant 4 : i32
    %and3A_172 = vector.broadcast %and3A_171 : i32 to vector<768x128xi32>
    %and3A_173 = arith.andi %iota3A, %and3A_172 : vector<768x128xi32>
    %eq3A_174 = arith.constant 0 : i32
    %eq3A_175 = vector.broadcast %eq3A_174 : i32 to vector<768x128xi32>
    %eq3A_176 = arith.cmpi eq, %and3A_173, %eq3A_175 : vector<768x128xi32>
    %select_n3A_177 = arith.select %eq3A_176, %roll3A_168, %roll3A_170 : vector<768x128xi1>, vector<768x128xf32>
    %and3A_178 = arith.constant 16 : i32
    %and3A_179 = vector.broadcast %and3A_178 : i32 to vector<768x128xi32>
    %and3A_180 = arith.andi %iota3A, %and3A_179 : vector<768x128xi32>
    %eq3A_181 = arith.constant 0 : i32
    %eq3A_182 = vector.broadcast %eq3A_181 : i32 to vector<768x128xi32>
    %eq3A_183 = arith.cmpi eq, %and3A_180, %eq3A_182 : vector<768x128xi32>
    %eq3A_184 = arith.xori %eq3A_176, %eq3A_183 : vector<768x128xi1>
    %eq3A_185 = arith.constant dense<true> : vector<768x128xi1>
    %eq3A_186 = arith.xori %eq3A_184, %eq3A_185 : vector<768x128xi1>
    %min3A_187 = arith.minimumf %select_n3A_166, %select_n3A_177 : vector<768x128xf32>
    %max3A_188 = arith.maximumf %select_n3A_166, %select_n3A_177 : vector<768x128xf32>
    %select_n3A_189 = arith.select %eq3A_186, %min3A_187, %max3A_188 : vector<768x128xi1>, vector<768x128xf32>
    %roll3A_190 = arith.constant 126 : i32
    %roll3A_191 = tpu.dynamic_rotate %select_n3A_189 by %roll3A_190 dim 1 : vector<768x128xf32>, i32 -> vector<768x128xf32>
    %roll3A_192 = arith.constant 2 : i32
    %roll3A_193 = tpu.dynamic_rotate %select_n3A_189 by %roll3A_192 dim 1 : vector<768x128xf32>, i32 -> vector<768x128xf32>
    %and3A_194 = arith.constant 2 : i32
    %and3A_195 = vector.broadcast %and3A_194 : i32 to vector<768x128xi32>
    %and3A_196 = arith.andi %iota3A, %and3A_195 : vector<768x128xi32>
    %eq3A_197 = arith.constant 0 : i32
    %eq3A_198 = vector.broadcast %eq3A_197 : i32 to vector<768x128xi32>
    %eq3A_199 = arith.cmpi eq, %and3A_196, %eq3A_198 : vector<768x128xi32>
    %select_n3A_200 = arith.select %eq3A_199, %roll3A_191, %roll3A_193 : vector<768x128xi1>, vector<768x128xf32>
    %and3A_201 = arith.constant 16 : i32
    %and3A_202 = vector.broadcast %and3A_201 : i32 to vector<768x128xi32>
    %and3A_203 = arith.andi %iota3A, %and3A_202 : vector<768x128xi32>
    %eq3A_204 = arith.constant 0 : i32
    %eq3A_205 = vector.broadcast %eq3A_204 : i32 to vector<768x128xi32>
    %eq3A_206 = arith.cmpi eq, %and3A_203, %eq3A_205 : vector<768x128xi32>
    %eq3A_207 = arith.xori %eq3A_199, %eq3A_206 : vector<768x128xi1>
    %eq3A_208 = arith.constant dense<true> : vector<768x128xi1>
    %eq3A_209 = arith.xori %eq3A_207, %eq3A_208 : vector<768x128xi1>
    %min3A_210 = arith.minimumf %select_n3A_189, %select_n3A_200 : vector<768x128xf32>
    %max3A_211 = arith.maximumf %select_n3A_189, %select_n3A_200 : vector<768x128xf32>
    %select_n3A_212 = arith.select %eq3A_209, %min3A_210, %max3A_211 : vector<768x128xi1>, vector<768x128xf32>
    %roll3A_213 = arith.constant 127 : i32
    %roll3A_214 = tpu.dynamic_rotate %select_n3A_212 by %roll3A_213 dim 1 : vector<768x128xf32>, i32 -> vector<768x128xf32>
    %roll3A_215 = arith.constant 1 : i32
    %roll3A_216 = tpu.dynamic_rotate %select_n3A_212 by %roll3A_215 dim 1 : vector<768x128xf32>, i32 -> vector<768x128xf32>
    %and3A_217 = arith.constant 1 : i32
    %and3A_218 = vector.broadcast %and3A_217 : i32 to vector<768x128xi32>
    %and3A_219 = arith.andi %iota3A, %and3A_218 : vector<768x128xi32>
    %eq3A_220 = arith.constant 0 : i32
    %eq3A_221 = vector.broadcast %eq3A_220 : i32 to vector<768x128xi32>
    %eq3A_222 = arith.cmpi eq, %and3A_219, %eq3A_221 : vector<768x128xi32>
    %select_n3A_223 = arith.select %eq3A_222, %roll3A_214, %roll3A_216 : vector<768x128xi1>, vector<768x128xf32>
    %and3A_224 = arith.constant 16 : i32
    %and3A_225 = vector.broadcast %and3A_224 : i32 to vector<768x128xi32>
    %and3A_226 = arith.andi %iota3A, %and3A_225 : vector<768x128xi32>
    %eq3A_227 = arith.constant 0 : i32
    %eq3A_228 = vector.broadcast %eq3A_227 : i32 to vector<768x128xi32>
    %eq3A_229 = arith.cmpi eq, %and3A_226, %eq3A_228 : vector<768x128xi32>
    %eq3A_230 = arith.xori %eq3A_222, %eq3A_229 : vector<768x128xi1>
    %eq3A_231 = arith.constant dense<true> : vector<768x128xi1>
    %eq3A_232 = arith.xori %eq3A_230, %eq3A_231 : vector<768x128xi1>
    %min3A_233 = arith.minimumf %select_n3A_212, %select_n3A_223 : vector<768x128xf32>
    %max3A_234 = arith.maximumf %select_n3A_212, %select_n3A_223 : vector<768x128xf32>
    %select_n3A_235 = arith.select %eq3A_232, %min3A_233, %max3A_234 : vector<768x128xi1>, vector<768x128xf32>
    %roll3A_236 = arith.constant 112 : i32
    %roll3A_237 = tpu.dynamic_rotate %select_n3A_235 by %roll3A_236 dim 1 : vector<768x128xf32>, i32 -> vector<768x128xf32>
    %roll3A_238 = arith.constant 16 : i32
    %roll3A_239 = tpu.dynamic_rotate %select_n3A_235 by %roll3A_238 dim 1 : vector<768x128xf32>, i32 -> vector<768x128xf32>
    %and3A_240 = arith.constant 16 : i32
    %and3A_241 = vector.broadcast %and3A_240 : i32 to vector<768x128xi32>
    %and3A_242 = arith.andi %iota3A, %and3A_241 : vector<768x128xi32>
    %eq3A_243 = arith.constant 0 : i32
    %eq3A_244 = vector.broadcast %eq3A_243 : i32 to vector<768x128xi32>
    %eq3A_245 = arith.cmpi eq, %and3A_242, %eq3A_244 : vector<768x128xi32>
    %select_n3A_246 = arith.select %eq3A_245, %roll3A_237, %roll3A_239 : vector<768x128xi1>, vector<768x128xf32>
    %and3A_247 = arith.constant 32 : i32
    %and3A_248 = vector.broadcast %and3A_247 : i32 to vector<768x128xi32>
    %and3A_249 = arith.andi %iota3A, %and3A_248 : vector<768x128xi32>
    %eq3A_250 = arith.constant 0 : i32
    %eq3A_251 = vector.broadcast %eq3A_250 : i32 to vector<768x128xi32>
    %eq3A_252 = arith.cmpi eq, %and3A_249, %eq3A_251 : vector<768x128xi32>
    %eq3A_253 = arith.xori %eq3A_245, %eq3A_252 : vector<768x128xi1>
    %eq3A_254 = arith.constant dense<true> : vector<768x128xi1>
    %eq3A_255 = arith.xori %eq3A_253, %eq3A_254 : vector<768x128xi1>
    %min3A_256 = arith.minimumf %select_n3A_235, %select_n3A_246 : vector<768x128xf32>
    %max3A_257 = arith.maximumf %select_n3A_235, %select_n3A_246 : vector<768x128xf32>
    %select_n3A_258 = arith.select %eq3A_255, %min3A_256, %max3A_257 : vector<768x128xi1>, vector<768x128xf32>
    %roll3A_259 = arith.constant 120 : i32
    %roll3A_260 = tpu.dynamic_rotate %select_n3A_258 by %roll3A_259 dim 1 : vector<768x128xf32>, i32 -> vector<768x128xf32>
    %roll3A_261 = arith.constant 8 : i32
    %roll3A_262 = tpu.dynamic_rotate %select_n3A_258 by %roll3A_261 dim 1 : vector<768x128xf32>, i32 -> vector<768x128xf32>
    %and3A_263 = arith.constant 8 : i32
    %and3A_264 = vector.broadcast %and3A_263 : i32 to vector<768x128xi32>
    %and3A_265 = arith.andi %iota3A, %and3A_264 : vector<768x128xi32>
    %eq3A_266 = arith.constant 0 : i32
    %eq3A_267 = vector.broadcast %eq3A_266 : i32 to vector<768x128xi32>
    %eq3A_268 = arith.cmpi eq, %and3A_265, %eq3A_267 : vector<768x128xi32>
    %select_n3A_269 = arith.select %eq3A_268, %roll3A_260, %roll3A_262 : vector<768x128xi1>, vector<768x128xf32>
    %and3A_270 = arith.constant 32 : i32
    %and3A_271 = vector.broadcast %and3A_270 : i32 to vector<768x128xi32>
    %and3A_272 = arith.andi %iota3A, %and3A_271 : vector<768x128xi32>
    %eq3A_273 = arith.constant 0 : i32
    %eq3A_274 = vector.broadcast %eq3A_273 : i32 to vector<768x128xi32>
    %eq3A_275 = arith.cmpi eq, %and3A_272, %eq3A_274 : vector<768x128xi32>
    %eq3A_276 = arith.xori %eq3A_268, %eq3A_275 : vector<768x128xi1>
    %eq3A_277 = arith.constant dense<true> : vector<768x128xi1>
    %eq3A_278 = arith.xori %eq3A_276, %eq3A_277 : vector<768x128xi1>
    %min3A_279 = arith.minimumf %select_n3A_258, %select_n3A_269 : vector<768x128xf32>
    %max3A_280 = arith.maximumf %select_n3A_258, %select_n3A_269 : vector<768x128xf32>
    %select_n3A_281 = arith.select %eq3A_278, %min3A_279, %max3A_280 : vector<768x128xi1>, vector<768x128xf32>
    %roll3A_282 = arith.constant 124 : i32
    %roll3A_283 = tpu.dynamic_rotate %select_n3A_281 by %roll3A_282 dim 1 : vector<768x128xf32>, i32 -> vector<768x128xf32>
    %roll3A_284 = arith.constant 4 : i32
    %roll3A_285 = tpu.dynamic_rotate %select_n3A_281 by %roll3A_284 dim 1 : vector<768x128xf32>, i32 -> vector<768x128xf32>
    %and3A_286 = arith.constant 4 : i32
    %and3A_287 = vector.broadcast %and3A_286 : i32 to vector<768x128xi32>
    %and3A_288 = arith.andi %iota3A, %and3A_287 : vector<768x128xi32>
    %eq3A_289 = arith.constant 0 : i32
    %eq3A_290 = vector.broadcast %eq3A_289 : i32 to vector<768x128xi32>
    %eq3A_291 = arith.cmpi eq, %and3A_288, %eq3A_290 : vector<768x128xi32>
    %select_n3A_292 = arith.select %eq3A_291, %roll3A_283, %roll3A_285 : vector<768x128xi1>, vector<768x128xf32>
    %and3A_293 = arith.constant 32 : i32
    %and3A_294 = vector.broadcast %and3A_293 : i32 to vector<768x128xi32>
    %and3A_295 = arith.andi %iota3A, %and3A_294 : vector<768x128xi32>
    %eq3A_296 = arith.constant 0 : i32
    %eq3A_297 = vector.broadcast %eq3A_296 : i32 to vector<768x128xi32>
    %eq3A_298 = arith.cmpi eq, %and3A_295, %eq3A_297 : vector<768x128xi32>
    %eq3A_299 = arith.xori %eq3A_291, %eq3A_298 : vector<768x128xi1>
    %eq3A_300 = arith.constant dense<true> : vector<768x128xi1>
    %eq3A_301 = arith.xori %eq3A_299, %eq3A_300 : vector<768x128xi1>
    %min3A_302 = arith.minimumf %select_n3A_281, %select_n3A_292 : vector<768x128xf32>
    %max3A_303 = arith.maximumf %select_n3A_281, %select_n3A_292 : vector<768x128xf32>
    %select_n3A_304 = arith.select %eq3A_301, %min3A_302, %max3A_303 : vector<768x128xi1>, vector<768x128xf32>
    %roll3A_305 = arith.constant 126 : i32
    %roll3A_306 = tpu.dynamic_rotate %select_n3A_304 by %roll3A_305 dim 1 : vector<768x128xf32>, i32 -> vector<768x128xf32>
    %roll3A_307 = arith.constant 2 : i32
    %roll3A_308 = tpu.dynamic_rotate %select_n3A_304 by %roll3A_307 dim 1 : vector<768x128xf32>, i32 -> vector<768x128xf32>
    %and3A_309 = arith.constant 2 : i32
    %and3A_310 = vector.broadcast %and3A_309 : i32 to vector<768x128xi32>
    %and3A_311 = arith.andi %iota3A, %and3A_310 : vector<768x128xi32>
    %eq3A_312 = arith.constant 0 : i32
    %eq3A_313 = vector.broadcast %eq3A_312 : i32 to vector<768x128xi32>
    %eq3A_314 = arith.cmpi eq, %and3A_311, %eq3A_313 : vector<768x128xi32>
    %select_n3A_315 = arith.select %eq3A_314, %roll3A_306, %roll3A_308 : vector<768x128xi1>, vector<768x128xf32>
    %and3A_316 = arith.constant 32 : i32
    %and3A_317 = vector.broadcast %and3A_316 : i32 to vector<768x128xi32>
    %and3A_318 = arith.andi %iota3A, %and3A_317 : vector<768x128xi32>
    %eq3A_319 = arith.constant 0 : i32
    %eq3A_320 = vector.broadcast %eq3A_319 : i32 to vector<768x128xi32>
    %eq3A_321 = arith.cmpi eq, %and3A_318, %eq3A_320 : vector<768x128xi32>
    %eq3A_322 = arith.xori %eq3A_314, %eq3A_321 : vector<768x128xi1>
    %eq3A_323 = arith.constant dense<true> : vector<768x128xi1>
    %eq3A_324 = arith.xori %eq3A_322, %eq3A_323 : vector<768x128xi1>
    %min3A_325 = arith.minimumf %select_n3A_304, %select_n3A_315 : vector<768x128xf32>
    %max3A_326 = arith.maximumf %select_n3A_304, %select_n3A_315 : vector<768x128xf32>
    %select_n3A_327 = arith.select %eq3A_324, %min3A_325, %max3A_326 : vector<768x128xi1>, vector<768x128xf32>
    %roll3A_328 = arith.constant 127 : i32
    %roll3A_329 = tpu.dynamic_rotate %select_n3A_327 by %roll3A_328 dim 1 : vector<768x128xf32>, i32 -> vector<768x128xf32>
    %roll3A_330 = arith.constant 1 : i32
    %roll3A_331 = tpu.dynamic_rotate %select_n3A_327 by %roll3A_330 dim 1 : vector<768x128xf32>, i32 -> vector<768x128xf32>
    %and3A_332 = arith.constant 1 : i32
    %and3A_333 = vector.broadcast %and3A_332 : i32 to vector<768x128xi32>
    %and3A_334 = arith.andi %iota3A, %and3A_333 : vector<768x128xi32>
    %eq3A_335 = arith.constant 0 : i32
    %eq3A_336 = vector.broadcast %eq3A_335 : i32 to vector<768x128xi32>
    %eq3A_337 = arith.cmpi eq, %and3A_334, %eq3A_336 : vector<768x128xi32>
    %select_n3A_338 = arith.select %eq3A_337, %roll3A_329, %roll3A_331 : vector<768x128xi1>, vector<768x128xf32>
    %and3A_339 = arith.constant 32 : i32
    %and3A_340 = vector.broadcast %and3A_339 : i32 to vector<768x128xi32>
    %and3A_341 = arith.andi %iota3A, %and3A_340 : vector<768x128xi32>
    %eq3A_342 = arith.constant 0 : i32
    %eq3A_343 = vector.broadcast %eq3A_342 : i32 to vector<768x128xi32>
    %eq3A_344 = arith.cmpi eq, %and3A_341, %eq3A_343 : vector<768x128xi32>
    %eq3A_345 = arith.xori %eq3A_337, %eq3A_344 : vector<768x128xi1>
    %eq3A_346 = arith.constant dense<true> : vector<768x128xi1>
    %eq3A_347 = arith.xori %eq3A_345, %eq3A_346 : vector<768x128xi1>
    %min3A_348 = arith.minimumf %select_n3A_327, %select_n3A_338 : vector<768x128xf32>
    %max3A_349 = arith.maximumf %select_n3A_327, %select_n3A_338 : vector<768x128xf32>
    %select_n3A_350 = arith.select %eq3A_347, %min3A_348, %max3A_349 : vector<768x128xi1>, vector<768x128xf32>
    %roll3A_351 = arith.constant 96 : i32
    %roll3A_352 = tpu.dynamic_rotate %select_n3A_350 by %roll3A_351 dim 1 : vector<768x128xf32>, i32 -> vector<768x128xf32>
    %roll3A_353 = arith.constant 32 : i32
    %roll3A_354 = tpu.dynamic_rotate %select_n3A_350 by %roll3A_353 dim 1 : vector<768x128xf32>, i32 -> vector<768x128xf32>
    %and3A_355 = arith.constant 32 : i32
    %and3A_356 = vector.broadcast %and3A_355 : i32 to vector<768x128xi32>
    %and3A_357 = arith.andi %iota3A, %and3A_356 : vector<768x128xi32>
    %eq3A_358 = arith.constant 0 : i32
    %eq3A_359 = vector.broadcast %eq3A_358 : i32 to vector<768x128xi32>
    %eq3A_360 = arith.cmpi eq, %and3A_357, %eq3A_359 : vector<768x128xi32>
    %select_n3A_361 = arith.select %eq3A_360, %roll3A_352, %roll3A_354 : vector<768x128xi1>, vector<768x128xf32>
    %and3A_362 = arith.constant 64 : i32
    %and3A_363 = vector.broadcast %and3A_362 : i32 to vector<768x128xi32>
    %and3A_364 = arith.andi %iota3A, %and3A_363 : vector<768x128xi32>
    %eq3A_365 = arith.constant 0 : i32
    %eq3A_366 = vector.broadcast %eq3A_365 : i32 to vector<768x128xi32>
    %eq3A_367 = arith.cmpi eq, %and3A_364, %eq3A_366 : vector<768x128xi32>
    %eq3A_368 = arith.xori %eq3A_360, %eq3A_367 : vector<768x128xi1>
    %eq3A_369 = arith.constant dense<true> : vector<768x128xi1>
    %eq3A_370 = arith.xori %eq3A_368, %eq3A_369 : vector<768x128xi1>
    %min3A_371 = arith.minimumf %select_n3A_350, %select_n3A_361 : vector<768x128xf32>
    %max3A_372 = arith.maximumf %select_n3A_350, %select_n3A_361 : vector<768x128xf32>
    %select_n3A_373 = arith.select %eq3A_370, %min3A_371, %max3A_372 : vector<768x128xi1>, vector<768x128xf32>
    %roll3A_374 = arith.constant 112 : i32
    %roll3A_375 = tpu.dynamic_rotate %select_n3A_373 by %roll3A_374 dim 1 : vector<768x128xf32>, i32 -> vector<768x128xf32>
    %roll3A_376 = arith.constant 16 : i32
    %roll3A_377 = tpu.dynamic_rotate %select_n3A_373 by %roll3A_376 dim 1 : vector<768x128xf32>, i32 -> vector<768x128xf32>
    %and3A_378 = arith.constant 16 : i32
    %and3A_379 = vector.broadcast %and3A_378 : i32 to vector<768x128xi32>
    %and3A_380 = arith.andi %iota3A, %and3A_379 : vector<768x128xi32>
    %eq3A_381 = arith.constant 0 : i32
    %eq3A_382 = vector.broadcast %eq3A_381 : i32 to vector<768x128xi32>
    %eq3A_383 = arith.cmpi eq, %and3A_380, %eq3A_382 : vector<768x128xi32>
    %select_n3A_384 = arith.select %eq3A_383, %roll3A_375, %roll3A_377 : vector<768x128xi1>, vector<768x128xf32>
    %and3A_385 = arith.constant 64 : i32
    %and3A_386 = vector.broadcast %and3A_385 : i32 to vector<768x128xi32>
    %and3A_387 = arith.andi %iota3A, %and3A_386 : vector<768x128xi32>
    %eq3A_388 = arith.constant 0 : i32
    %eq3A_389 = vector.broadcast %eq3A_388 : i32 to vector<768x128xi32>
    %eq3A_390 = arith.cmpi eq, %and3A_387, %eq3A_389 : vector<768x128xi32>
    %eq3A_391 = arith.xori %eq3A_383, %eq3A_390 : vector<768x128xi1>
    %eq3A_392 = arith.constant dense<true> : vector<768x128xi1>
    %eq3A_393 = arith.xori %eq3A_391, %eq3A_392 : vector<768x128xi1>
    %min3A_394 = arith.minimumf %select_n3A_373, %select_n3A_384 : vector<768x128xf32>
    %max3A_395 = arith.maximumf %select_n3A_373, %select_n3A_384 : vector<768x128xf32>
    %select_n3A_396 = arith.select %eq3A_393, %min3A_394, %max3A_395 : vector<768x128xi1>, vector<768x128xf32>
    %roll3A_397 = arith.constant 120 : i32
    %roll3A_398 = tpu.dynamic_rotate %select_n3A_396 by %roll3A_397 dim 1 : vector<768x128xf32>, i32 -> vector<768x128xf32>
    %roll3A_399 = arith.constant 8 : i32
    %roll3A_400 = tpu.dynamic_rotate %select_n3A_396 by %roll3A_399 dim 1 : vector<768x128xf32>, i32 -> vector<768x128xf32>
    %and3A_401 = arith.constant 8 : i32
    %and3A_402 = vector.broadcast %and3A_401 : i32 to vector<768x128xi32>
    %and3A_403 = arith.andi %iota3A, %and3A_402 : vector<768x128xi32>
    %eq3A_404 = arith.constant 0 : i32
    %eq3A_405 = vector.broadcast %eq3A_404 : i32 to vector<768x128xi32>
    %eq3A_406 = arith.cmpi eq, %and3A_403, %eq3A_405 : vector<768x128xi32>
    %select_n3A_407 = arith.select %eq3A_406, %roll3A_398, %roll3A_400 : vector<768x128xi1>, vector<768x128xf32>
    %and3A_408 = arith.constant 64 : i32
    %and3A_409 = vector.broadcast %and3A_408 : i32 to vector<768x128xi32>
    %and3A_410 = arith.andi %iota3A, %and3A_409 : vector<768x128xi32>
    %eq3A_411 = arith.constant 0 : i32
    %eq3A_412 = vector.broadcast %eq3A_411 : i32 to vector<768x128xi32>
    %eq3A_413 = arith.cmpi eq, %and3A_410, %eq3A_412 : vector<768x128xi32>
    %eq3A_414 = arith.xori %eq3A_406, %eq3A_413 : vector<768x128xi1>
    %eq3A_415 = arith.constant dense<true> : vector<768x128xi1>
    %eq3A_416 = arith.xori %eq3A_414, %eq3A_415 : vector<768x128xi1>
    %min3A_417 = arith.minimumf %select_n3A_396, %select_n3A_407 : vector<768x128xf32>
    %max3A_418 = arith.maximumf %select_n3A_396, %select_n3A_407 : vector<768x128xf32>
    %select_n3A_419 = arith.select %eq3A_416, %min3A_417, %max3A_418 : vector<768x128xi1>, vector<768x128xf32>
    %roll3A_420 = arith.constant 124 : i32
    %roll3A_421 = tpu.dynamic_rotate %select_n3A_419 by %roll3A_420 dim 1 : vector<768x128xf32>, i32 -> vector<768x128xf32>
    %roll3A_422 = arith.constant 4 : i32
    %roll3A_423 = tpu.dynamic_rotate %select_n3A_419 by %roll3A_422 dim 1 : vector<768x128xf32>, i32 -> vector<768x128xf32>
    %and3A_424 = arith.constant 4 : i32
    %and3A_425 = vector.broadcast %and3A_424 : i32 to vector<768x128xi32>
    %and3A_426 = arith.andi %iota3A, %and3A_425 : vector<768x128xi32>
    %eq3A_427 = arith.constant 0 : i32
    %eq3A_428 = vector.broadcast %eq3A_427 : i32 to vector<768x128xi32>
    %eq3A_429 = arith.cmpi eq, %and3A_426, %eq3A_428 : vector<768x128xi32>
    %select_n3A_430 = arith.select %eq3A_429, %roll3A_421, %roll3A_423 : vector<768x128xi1>, vector<768x128xf32>
    %and3A_431 = arith.constant 64 : i32
    %and3A_432 = vector.broadcast %and3A_431 : i32 to vector<768x128xi32>
    %and3A_433 = arith.andi %iota3A, %and3A_432 : vector<768x128xi32>
    %eq3A_434 = arith.constant 0 : i32
    %eq3A_435 = vector.broadcast %eq3A_434 : i32 to vector<768x128xi32>
    %eq3A_436 = arith.cmpi eq, %and3A_433, %eq3A_435 : vector<768x128xi32>
    %eq3A_437 = arith.xori %eq3A_429, %eq3A_436 : vector<768x128xi1>
    %eq3A_438 = arith.constant dense<true> : vector<768x128xi1>
    %eq3A_439 = arith.xori %eq3A_437, %eq3A_438 : vector<768x128xi1>
    %min3A_440 = arith.minimumf %select_n3A_419, %select_n3A_430 : vector<768x128xf32>
    %max3A_441 = arith.maximumf %select_n3A_419, %select_n3A_430 : vector<768x128xf32>
    %select_n3A_442 = arith.select %eq3A_439, %min3A_440, %max3A_441 : vector<768x128xi1>, vector<768x128xf32>
    %roll3A_443 = arith.constant 126 : i32
    %roll3A_444 = tpu.dynamic_rotate %select_n3A_442 by %roll3A_443 dim 1 : vector<768x128xf32>, i32 -> vector<768x128xf32>
    %roll3A_445 = arith.constant 2 : i32
    %roll3A_446 = tpu.dynamic_rotate %select_n3A_442 by %roll3A_445 dim 1 : vector<768x128xf32>, i32 -> vector<768x128xf32>
    %and3A_447 = arith.constant 2 : i32
    %and3A_448 = vector.broadcast %and3A_447 : i32 to vector<768x128xi32>
    %and3A_449 = arith.andi %iota3A, %and3A_448 : vector<768x128xi32>
    %eq3A_450 = arith.constant 0 : i32
    %eq3A_451 = vector.broadcast %eq3A_450 : i32 to vector<768x128xi32>
    %eq3A_452 = arith.cmpi eq, %and3A_449, %eq3A_451 : vector<768x128xi32>
    %select_n3A_453 = arith.select %eq3A_452, %roll3A_444, %roll3A_446 : vector<768x128xi1>, vector<768x128xf32>
    %and3A_454 = arith.constant 64 : i32
    %and3A_455 = vector.broadcast %and3A_454 : i32 to vector<768x128xi32>
    %and3A_456 = arith.andi %iota3A, %and3A_455 : vector<768x128xi32>
    %eq3A_457 = arith.constant 0 : i32
    %eq3A_458 = vector.broadcast %eq3A_457 : i32 to vector<768x128xi32>
    %eq3A_459 = arith.cmpi eq, %and3A_456, %eq3A_458 : vector<768x128xi32>
    %eq3A_460 = arith.xori %eq3A_452, %eq3A_459 : vector<768x128xi1>
    %eq3A_461 = arith.constant dense<true> : vector<768x128xi1>
    %eq3A_462 = arith.xori %eq3A_460, %eq3A_461 : vector<768x128xi1>
    %min3A_463 = arith.minimumf %select_n3A_442, %select_n3A_453 : vector<768x128xf32>
    %max3A_464 = arith.maximumf %select_n3A_442, %select_n3A_453 : vector<768x128xf32>
    %select_n3A_465 = arith.select %eq3A_462, %min3A_463, %max3A_464 : vector<768x128xi1>, vector<768x128xf32>
    %roll3A_466 = arith.constant 127 : i32
    %roll3A_467 = tpu.dynamic_rotate %select_n3A_465 by %roll3A_466 dim 1 : vector<768x128xf32>, i32 -> vector<768x128xf32>
    %roll3A_468 = arith.constant 1 : i32
    %roll3A_469 = tpu.dynamic_rotate %select_n3A_465 by %roll3A_468 dim 1 : vector<768x128xf32>, i32 -> vector<768x128xf32>
    %and3A_470 = arith.constant 1 : i32
    %and3A_471 = vector.broadcast %and3A_470 : i32 to vector<768x128xi32>
    %and3A_472 = arith.andi %iota3A, %and3A_471 : vector<768x128xi32>
    %eq3A_473 = arith.constant 0 : i32
    %eq3A_474 = vector.broadcast %eq3A_473 : i32 to vector<768x128xi32>
    %eq3A_475 = arith.cmpi eq, %and3A_472, %eq3A_474 : vector<768x128xi32>
    %select_n3A_476 = arith.select %eq3A_475, %roll3A_467, %roll3A_469 : vector<768x128xi1>, vector<768x128xf32>
    %and3A_477 = arith.constant 64 : i32
    %and3A_478 = vector.broadcast %and3A_477 : i32 to vector<768x128xi32>
    %and3A_479 = arith.andi %iota3A, %and3A_478 : vector<768x128xi32>
    %eq3A_480 = arith.constant 0 : i32
    %eq3A_481 = vector.broadcast %eq3A_480 : i32 to vector<768x128xi32>
    %eq3A_482 = arith.cmpi eq, %and3A_479, %eq3A_481 : vector<768x128xi32>
    %eq3A_483 = arith.xori %eq3A_475, %eq3A_482 : vector<768x128xi1>
    %eq3A_484 = arith.constant dense<true> : vector<768x128xi1>
    %eq3A_485 = arith.xori %eq3A_483, %eq3A_484 : vector<768x128xi1>
    %min3A_486 = arith.minimumf %select_n3A_465, %select_n3A_476 : vector<768x128xf32>
    %max3A_487 = arith.maximumf %select_n3A_465, %select_n3A_476 : vector<768x128xf32>
    %select_n3A_488 = arith.select %eq3A_485, %min3A_486, %max3A_487 : vector<768x128xi1>, vector<768x128xf32>
    %roll3A_489 = arith.constant 64 : i32
    %roll3A_490 = tpu.dynamic_rotate %select_n3A_488 by %roll3A_489 dim 1 : vector<768x128xf32>, i32 -> vector<768x128xf32>
    %roll3A_491 = arith.constant 64 : i32
    %roll3A_492 = tpu.dynamic_rotate %select_n3A_488 by %roll3A_491 dim 1 : vector<768x128xf32>, i32 -> vector<768x128xf32>
    %and3A_493 = arith.constant 64 : i32
    %and3A_494 = vector.broadcast %and3A_493 : i32 to vector<768x128xi32>
    %and3A_495 = arith.andi %iota3A, %and3A_494 : vector<768x128xi32>
    %eq3A_496 = arith.constant 0 : i32
    %eq3A_497 = vector.broadcast %eq3A_496 : i32 to vector<768x128xi32>
    %eq3A_498 = arith.cmpi eq, %and3A_495, %eq3A_497 : vector<768x128xi32>
    %select_n3A_499 = arith.select %eq3A_498, %roll3A_490, %roll3A_492 : vector<768x128xi1>, vector<768x128xf32>
    %and3A_500 = arith.constant 128 : i32
    %and3A_501 = vector.broadcast %and3A_500 : i32 to vector<768x128xi32>
    %and3A_502 = arith.andi %iota3A, %and3A_501 : vector<768x128xi32>
    %eq3A_503 = arith.constant 0 : i32
    %eq3A_504 = vector.broadcast %eq3A_503 : i32 to vector<768x128xi32>
    %eq3A_505 = arith.cmpi eq, %and3A_502, %eq3A_504 : vector<768x128xi32>
    %eq3A_506 = arith.xori %eq3A_498, %eq3A_505 : vector<768x128xi1>
    %eq3A_507 = arith.constant dense<true> : vector<768x128xi1>
    %eq3A_508 = arith.xori %eq3A_506, %eq3A_507 : vector<768x128xi1>
    %min3A_509 = arith.minimumf %select_n3A_488, %select_n3A_499 : vector<768x128xf32>
    %max3A_510 = arith.maximumf %select_n3A_488, %select_n3A_499 : vector<768x128xf32>
    %select_n3A_511 = arith.select %eq3A_508, %min3A_509, %max3A_510 : vector<768x128xi1>, vector<768x128xf32>
    %roll3A_512 = arith.constant 96 : i32
    %roll3A_513 = tpu.dynamic_rotate %select_n3A_511 by %roll3A_512 dim 1 : vector<768x128xf32>, i32 -> vector<768x128xf32>
    %roll3A_514 = arith.constant 32 : i32
    %roll3A_515 = tpu.dynamic_rotate %select_n3A_511 by %roll3A_514 dim 1 : vector<768x128xf32>, i32 -> vector<768x128xf32>
    %and3A_516 = arith.constant 32 : i32
    %and3A_517 = vector.broadcast %and3A_516 : i32 to vector<768x128xi32>
    %and3A_518 = arith.andi %iota3A, %and3A_517 : vector<768x128xi32>
    %eq3A_519 = arith.constant 0 : i32
    %eq3A_520 = vector.broadcast %eq3A_519 : i32 to vector<768x128xi32>
    %eq3A_521 = arith.cmpi eq, %and3A_518, %eq3A_520 : vector<768x128xi32>
    %select_n3A_522 = arith.select %eq3A_521, %roll3A_513, %roll3A_515 : vector<768x128xi1>, vector<768x128xf32>
    %and3A_523 = arith.constant 128 : i32
    %and3A_524 = vector.broadcast %and3A_523 : i32 to vector<768x128xi32>
    %and3A_525 = arith.andi %iota3A, %and3A_524 : vector<768x128xi32>
    %eq3A_526 = arith.constant 0 : i32
    %eq3A_527 = vector.broadcast %eq3A_526 : i32 to vector<768x128xi32>
    %eq3A_528 = arith.cmpi eq, %and3A_525, %eq3A_527 : vector<768x128xi32>
    %eq3A_529 = arith.xori %eq3A_521, %eq3A_528 : vector<768x128xi1>
    %eq3A_530 = arith.constant dense<true> : vector<768x128xi1>
    %eq3A_531 = arith.xori %eq3A_529, %eq3A_530 : vector<768x128xi1>
    %min3A_532 = arith.minimumf %select_n3A_511, %select_n3A_522 : vector<768x128xf32>
    %max3A_533 = arith.maximumf %select_n3A_511, %select_n3A_522 : vector<768x128xf32>
    %select_n3A_534 = arith.select %eq3A_531, %min3A_532, %max3A_533 : vector<768x128xi1>, vector<768x128xf32>
    %roll3A_535 = arith.constant 112 : i32
    %roll3A_536 = tpu.dynamic_rotate %select_n3A_534 by %roll3A_535 dim 1 : vector<768x128xf32>, i32 -> vector<768x128xf32>
    %roll3A_537 = arith.constant 16 : i32
    %roll3A_538 = tpu.dynamic_rotate %select_n3A_534 by %roll3A_537 dim 1 : vector<768x128xf32>, i32 -> vector<768x128xf32>
    %and3A_539 = arith.constant 16 : i32
    %and3A_540 = vector.broadcast %and3A_539 : i32 to vector<768x128xi32>
    %and3A_541 = arith.andi %iota3A, %and3A_540 : vector<768x128xi32>
    %eq3A_542 = arith.constant 0 : i32
    %eq3A_543 = vector.broadcast %eq3A_542 : i32 to vector<768x128xi32>
    %eq3A_544 = arith.cmpi eq, %and3A_541, %eq3A_543 : vector<768x128xi32>
    %select_n3A_545 = arith.select %eq3A_544, %roll3A_536, %roll3A_538 : vector<768x128xi1>, vector<768x128xf32>
    %and3A_546 = arith.constant 128 : i32
    %and3A_547 = vector.broadcast %and3A_546 : i32 to vector<768x128xi32>
    %and3A_548 = arith.andi %iota3A, %and3A_547 : vector<768x128xi32>
    %eq3A_549 = arith.constant 0 : i32
    %eq3A_550 = vector.broadcast %eq3A_549 : i32 to vector<768x128xi32>
    %eq3A_551 = arith.cmpi eq, %and3A_548, %eq3A_550 : vector<768x128xi32>
    %eq3A_552 = arith.xori %eq3A_544, %eq3A_551 : vector<768x128xi1>
    %eq3A_553 = arith.constant dense<true> : vector<768x128xi1>
    %eq3A_554 = arith.xori %eq3A_552, %eq3A_553 : vector<768x128xi1>
    %min3A_555 = arith.minimumf %select_n3A_534, %select_n3A_545 : vector<768x128xf32>
    %max3A_556 = arith.maximumf %select_n3A_534, %select_n3A_545 : vector<768x128xf32>
    %select_n3A_557 = arith.select %eq3A_554, %min3A_555, %max3A_556 : vector<768x128xi1>, vector<768x128xf32>
    %roll3A_558 = arith.constant 120 : i32
    %roll3A_559 = tpu.dynamic_rotate %select_n3A_557 by %roll3A_558 dim 1 : vector<768x128xf32>, i32 -> vector<768x128xf32>
    %roll3A_560 = arith.constant 8 : i32
    %roll3A_561 = tpu.dynamic_rotate %select_n3A_557 by %roll3A_560 dim 1 : vector<768x128xf32>, i32 -> vector<768x128xf32>
    %and3A_562 = arith.constant 8 : i32
    %and3A_563 = vector.broadcast %and3A_562 : i32 to vector<768x128xi32>
    %and3A_564 = arith.andi %iota3A, %and3A_563 : vector<768x128xi32>
    %eq3A_565 = arith.constant 0 : i32
    %eq3A_566 = vector.broadcast %eq3A_565 : i32 to vector<768x128xi32>
    %eq3A_567 = arith.cmpi eq, %and3A_564, %eq3A_566 : vector<768x128xi32>
    %select_n3A_568 = arith.select %eq3A_567, %roll3A_559, %roll3A_561 : vector<768x128xi1>, vector<768x128xf32>
    %and3A_569 = arith.constant 128 : i32
    %and3A_570 = vector.broadcast %and3A_569 : i32 to vector<768x128xi32>
    %and3A_571 = arith.andi %iota3A, %and3A_570 : vector<768x128xi32>
    %eq3A_572 = arith.constant 0 : i32
    %eq3A_573 = vector.broadcast %eq3A_572 : i32 to vector<768x128xi32>
    %eq3A_574 = arith.cmpi eq, %and3A_571, %eq3A_573 : vector<768x128xi32>
    %eq3A_575 = arith.xori %eq3A_567, %eq3A_574 : vector<768x128xi1>
    %eq3A_576 = arith.constant dense<true> : vector<768x128xi1>
    %eq3A_577 = arith.xori %eq3A_575, %eq3A_576 : vector<768x128xi1>
    %min3A_578 = arith.minimumf %select_n3A_557, %select_n3A_568 : vector<768x128xf32>
    %max3A_579 = arith.maximumf %select_n3A_557, %select_n3A_568 : vector<768x128xf32>
    %select_n3A_580 = arith.select %eq3A_577, %min3A_578, %max3A_579 : vector<768x128xi1>, vector<768x128xf32>
    %roll3A_581 = arith.constant 124 : i32
    %roll3A_582 = tpu.dynamic_rotate %select_n3A_580 by %roll3A_581 dim 1 : vector<768x128xf32>, i32 -> vector<768x128xf32>
    %roll3A_583 = arith.constant 4 : i32
    %roll3A_584 = tpu.dynamic_rotate %select_n3A_580 by %roll3A_583 dim 1 : vector<768x128xf32>, i32 -> vector<768x128xf32>
    %and3A_585 = arith.constant 4 : i32
    %and3A_586 = vector.broadcast %and3A_585 : i32 to vector<768x128xi32>
    %and3A_587 = arith.andi %iota3A, %and3A_586 : vector<768x128xi32>
    %eq3A_588 = arith.constant 0 : i32
    %eq3A_589 = vector.broadcast %eq3A_588 : i32 to vector<768x128xi32>
    %eq3A_590 = arith.cmpi eq, %and3A_587, %eq3A_589 : vector<768x128xi32>
    %select_n3A_591 = arith.select %eq3A_590, %roll3A_582, %roll3A_584 : vector<768x128xi1>, vector<768x128xf32>
    %and3A_592 = arith.constant 128 : i32
    %and3A_593 = vector.broadcast %and3A_592 : i32 to vector<768x128xi32>
    %and3A_594 = arith.andi %iota3A, %and3A_593 : vector<768x128xi32>
    %eq3A_595 = arith.constant 0 : i32
    %eq3A_596 = vector.broadcast %eq3A_595 : i32 to vector<768x128xi32>
    %eq3A_597 = arith.cmpi eq, %and3A_594, %eq3A_596 : vector<768x128xi32>
    %eq3A_598 = arith.xori %eq3A_590, %eq3A_597 : vector<768x128xi1>
    %eq3A_599 = arith.constant dense<true> : vector<768x128xi1>
    %eq3A_600 = arith.xori %eq3A_598, %eq3A_599 : vector<768x128xi1>
    %min3A_601 = arith.minimumf %select_n3A_580, %select_n3A_591 : vector<768x128xf32>
    %max3A_602 = arith.maximumf %select_n3A_580, %select_n3A_591 : vector<768x128xf32>
    %select_n3A_603 = arith.select %eq3A_600, %min3A_601, %max3A_602 : vector<768x128xi1>, vector<768x128xf32>
    %roll3A_604 = arith.constant 126 : i32
    %roll3A_605 = tpu.dynamic_rotate %select_n3A_603 by %roll3A_604 dim 1 : vector<768x128xf32>, i32 -> vector<768x128xf32>
    %roll3A_606 = arith.constant 2 : i32
    %roll3A_607 = tpu.dynamic_rotate %select_n3A_603 by %roll3A_606 dim 1 : vector<768x128xf32>, i32 -> vector<768x128xf32>
    %and3A_608 = arith.constant 2 : i32
    %and3A_609 = vector.broadcast %and3A_608 : i32 to vector<768x128xi32>
    %and3A_610 = arith.andi %iota3A, %and3A_609 : vector<768x128xi32>
    %eq3A_611 = arith.constant 0 : i32
    %eq3A_612 = vector.broadcast %eq3A_611 : i32 to vector<768x128xi32>
    %eq3A_613 = arith.cmpi eq, %and3A_610, %eq3A_612 : vector<768x128xi32>
    %select_n3A_614 = arith.select %eq3A_613, %roll3A_605, %roll3A_607 : vector<768x128xi1>, vector<768x128xf32>
    %and3A_615 = arith.constant 128 : i32
    %and3A_616 = vector.broadcast %and3A_615 : i32 to vector<768x128xi32>
    %and3A_617 = arith.andi %iota3A, %and3A_616 : vector<768x128xi32>
    %eq3A_618 = arith.constant 0 : i32
    %eq3A_619 = vector.broadcast %eq3A_618 : i32 to vector<768x128xi32>
    %eq3A_620 = arith.cmpi eq, %and3A_617, %eq3A_619 : vector<768x128xi32>
    %eq3A_621 = arith.xori %eq3A_613, %eq3A_620 : vector<768x128xi1>
    %eq3A_622 = arith.constant dense<true> : vector<768x128xi1>
    %eq3A_623 = arith.xori %eq3A_621, %eq3A_622 : vector<768x128xi1>
    %min3A_624 = arith.minimumf %select_n3A_603, %select_n3A_614 : vector<768x128xf32>
    %max3A_625 = arith.maximumf %select_n3A_603, %select_n3A_614 : vector<768x128xf32>
    %select_n3A_626 = arith.select %eq3A_623, %min3A_624, %max3A_625 : vector<768x128xi1>, vector<768x128xf32>
    %roll3A_627 = arith.constant 127 : i32
    %roll3A_628 = tpu.dynamic_rotate %select_n3A_626 by %roll3A_627 dim 1 : vector<768x128xf32>, i32 -> vector<768x128xf32>
    %roll3A_629 = arith.constant 1 : i32
    %roll3A_630 = tpu.dynamic_rotate %select_n3A_626 by %roll3A_629 dim 1 : vector<768x128xf32>, i32 -> vector<768x128xf32>
    %and3A_631 = arith.constant 1 : i32
    %and3A_632 = vector.broadcast %and3A_631 : i32 to vector<768x128xi32>
    %and3A_633 = arith.andi %iota3A, %and3A_632 : vector<768x128xi32>
    %eq3A_634 = arith.constant 0 : i32
    %eq3A_635 = vector.broadcast %eq3A_634 : i32 to vector<768x128xi32>
    %eq3A_636 = arith.cmpi eq, %and3A_633, %eq3A_635 : vector<768x128xi32>
    %select_n3A_637 = arith.select %eq3A_636, %roll3A_628, %roll3A_630 : vector<768x128xi1>, vector<768x128xf32>
    %and3A_638 = arith.constant 128 : i32
    %and3A_639 = vector.broadcast %and3A_638 : i32 to vector<768x128xi32>
    %and3A_640 = arith.andi %iota3A, %and3A_639 : vector<768x128xi32>
    %eq3A_641 = arith.constant 0 : i32
    %eq3A_642 = vector.broadcast %eq3A_641 : i32 to vector<768x128xi32>
    %eq3A_643 = arith.cmpi eq, %and3A_640, %eq3A_642 : vector<768x128xi32>
    %eq3A_644 = arith.xori %eq3A_636, %eq3A_643 : vector<768x128xi1>
    %eq3A_645 = arith.constant dense<true> : vector<768x128xi1>
    %eq3A_646 = arith.xori %eq3A_644, %eq3A_645 : vector<768x128xi1>
    %min3A_647 = arith.minimumf %select_n3A_626, %select_n3A_637 : vector<768x128xf32>
    %max3A_648 = arith.maximumf %select_n3A_626, %select_n3A_637 : vector<768x128xf32>
    %select_n3A_649 = arith.select %eq3A_646, %min3A_647, %max3A_648 : vector<768x128xi1>, vector<768x128xf32>
    %slice3A = vector.extract_strided_slice %select_n3A_649 {offsets = [0, 0], sizes = [768, 100], strides = [1, 1]} : vector<768x128xf32> to vector<768x100xf32>
    %slice3A_650 = vector.extract_strided_slice %slice3A {offsets = [0, 0], sizes = [384, 100], strides = [1, 1]} : vector<768x100xf32> to vector<384x100xf32>
    %reshape3A_651 = vector.shape_cast %slice3A_650 : vector<384x100xf32> to vector<1x16x24x100xf32>
    %swap3A = arith.constant 0 : index
    %swap3A_652 = arith.constant 0 : index
    %swap3A_653 = arith.constant 0 : index
    %swap3A_654 = arith.constant 0 : index
    %swap3A_655 = vector.load %arg4[%swap3A, %swap3A_652, %swap3A_653, %swap3A_654] : memref<1x16x24x100xf32, #tpu.memory_space<vmem>>, vector<1x16x24x100xf32>
    tpu.vector_store %arg4[%swap3A, %swap3A_652, %swap3A_653, %swap3A_654], %reshape3A_651 {strides = array<i32>} : memref<1x16x24x100xf32, #tpu.memory_space<vmem>>, vector<1x16x24x100xf32>,
    %slice3A_656 = vector.extract_strided_slice %slice3A {offsets = [384, 0], sizes = [384, 100], strides = [1, 1]} : vector<768x100xf32> to vector<384x100xf32>
    %reshape3A_657 = vector.shape_cast %slice3A_656 : vector<384x100xf32> to vector<1x16x24x100xf32>
    %swap3A_658 = arith.constant 0 : index
    %swap3A_659 = arith.constant 0 : index
    %swap3A_660 = arith.constant 0 : index
    %swap3A_661 = arith.constant 0 : index
    %swap3A_662 = vector.load %arg5[%swap3A_658, %swap3A_659, %swap3A_660, %swap3A_661] : memref<1x16x24x100xf32, #tpu.memory_space<vmem>>, vector<1x16x24x100xf32>
    tpu.vector_store %arg5[%swap3A_658, %swap3A_659, %swap3A_660, %swap3A_661], %reshape3A_657 {strides = array<i32>} : memref<1x16x24x100xf32, #tpu.memory_space<vmem>>, vector<1x16x24x100xf32>,
    %get3A_663 = arith.constant 0 : index
    %get3A_664 = arith.constant 0 : index
    %get3A_665 = arith.constant 0 : index
    %get3A_666 = arith.constant 0 : index
    %get3A_667 = vector.load %arg3[%get3A_663, %get3A_664, %get3A_665, %get3A_666] : memref<16x1x24x100xf32, #tpu.memory_space<vmem>>, vector<16x1x24x100xf32>
    %exp3A = math.exp %get3A_667 : vector<16x1x24x100xf32>
    %reshape3A_668 = vector.shape_cast %exp3A : vector<16x1x24x100xf32> to vector<1x16x24x100xf32>
    %swap3A_669 = arith.constant 0 : index
    %swap3A_670 = arith.constant 0 : index
    %swap3A_671 = arith.constant 0 : index
    %swap3A_672 = arith.constant 0 : index
    %swap3A_673 = vector.load %arg6[%swap3A_669, %swap3A_670, %swap3A_671, %swap3A_672] : memref<1x16x24x100xf32, #tpu.memory_space<vmem>>, vector<1x16x24x100xf32>
    tpu.vector_store %arg6[%swap3A_669, %swap3A_670, %swap3A_671, %swap3A_672], %reshape3A_668 {strides = array<i32>} : memref<1x16x24x100xf32, #tpu.memory_space<vmem>>, vector<1x16x24x100xf32>,
    return
  }
  func.func @transform_0(%arg0: i32) -> (i32, i32, i32, i32) {
    %c0_i32 = arith.constant 0 : i32
    %c0_i32_0 = arith.constant 0 : i32
    %c0_i32_1 = arith.constant 0 : i32
    %c0_i32_2 = arith.constant 0 : i32
    return %c0_i32, %arg0, %c0_i32_0, %c0_i32_1 : i32, i32, i32, i32
  }
  func.func @transform_1(%arg0: i32) -> (i32, i32, i32, i32) {
    %c0_i32 = arith.constant 0 : i32
    %c0_i32_0 = arith.constant 0 : i32
    %c0_i32_1 = arith.constant 0 : i32
    %c0_i32_2 = arith.constant 0 : i32
    return %c0_i32, %arg0, %c0_i32_0, %c0_i32_1 : i32, i32, i32, i32
  }
  func.func @transform_2(%arg0: i32) -> (i32, i32, i32, i32) {
    %c0_i32 = arith.constant 0 : i32
    %c0_i32_0 = arith.constant 0 : i32
    %c0_i32_1 = arith.constant 0 : i32
    %c0_i32_2 = arith.constant 0 : i32
    return %c0_i32, %arg0, %c0_i32_0, %c0_i32_1 : i32, i32, i32, i32
  }
  func.func @transform_3(%arg0: i32) -> (i32, i32, i32, i32) {
    %c0_i32 = arith.constant 0 : i32
    %c0_i32_0 = arith.constant 0 : i32
    %c0_i32_1 = arith.constant 0 : i32
    %c0_i32_2 = arith.constant 0 : i32
    return %arg0, %c0_i32, %c0_i32_0, %c0_i32_1 : i32, i32, i32, i32
  }
  func.func @transform_4(%arg0: i32) -> (i32, i32, i32, i32) {
    %c0_i32 = arith.constant 0 : i32
    %c0_i32_0 = arith.constant 0 : i32
    %c0_i32_1 = arith.constant 0 : i32
    %c0_i32_2 = arith.constant 0 : i32
    return %arg0, %c0_i32, %c0_i32_0, %c0_i32_1 : i32, i32, i32, i32
  }
  func.func @transform_5(%arg0: i32) -> (i32, i32, i32, i32) {
    %c0_i32 = arith.constant 0 : i32
    %c0_i32_0 = arith.constant 0 : i32
    %c0_i32_1 = arith.constant 0 : i32
    %c0_i32_2 = arith.constant 0 : i32
    return %arg0, %c0_i32, %c0_i32_0, %c0_i32_1 : i32, i32, i32, i32
  }
}

module attributes {stable_mosaic.version = 14 : i64} {
  func.func @_mm_body(%arg0: i32, %arg1: memref<768x768xf32, #tpu.memory_space<vmem>>, %arg2: memref<512x768xf32, #tpu.memory_space<vmem>>, %arg3: memref<768x512xf32, #tpu.memory_space<vmem>>) attributes {dimension_semantics = [#tpu.dimension_semantics<arbitrary>], iteration_bounds = array<i64: 8>, scalar_prefetch = 0 : i64, scratch_operands = 0 : i64, tpu.core_type = #tpu.core_type<tc>, window_params = [{pipeline_mode = #tpu.pipeline_mode<synchronous>, transform_indices = @transform_0, window_bounds = array<i64: 768, 768>}, {transform_indices = @transform_1, window_bounds = array<i64: 512, 768>}, {transform_indices = @transform_2, window_bounds = array<i64: 768, 512>}]} {
    %get3A = arith.constant 0 : index
    %get3A_0 = arith.constant 0 : index
    %get3A_1 = vector.load %arg1[%get3A, %get3A_0] : memref<768x768xf32, #tpu.memory_space<vmem>>, vector<768x768xf32>
    %get3A_2 = arith.constant 0 : index
    %get3A_3 = arith.constant 0 : index
    %get3A_4 = vector.load %arg2[%get3A_2, %get3A_3] : memref<512x768xf32, #tpu.memory_space<vmem>>, vector<512x768xf32>
    %dot_general3A = arith.constant dense<0.000000e+00> : vector<768x512xf32>
    %dot_general3A_5 = tpu.matmul %get3A_1, %get3A_4, %dot_general3A {dimension_numbers = #tpu.dot_dimension_numbers<[0], [1], [1], [0], [0, 1, 1, 0], [], []>, transpose_lhs_hint = false} : vector<768x768xf32>, vector<512x768xf32>, vector<768x512xf32> -> vector<768x512xf32>
    %swap3A = arith.constant 0 : index
    %swap3A_6 = arith.constant 0 : index
    %swap3A_7 = vector.load %arg3[%swap3A, %swap3A_6] : memref<768x512xf32, #tpu.memory_space<vmem>>, vector<768x512xf32>
    tpu.vector_store %arg3[%swap3A, %swap3A_6], %dot_general3A_5 {strides = array<i32>} : memref<768x512xf32, #tpu.memory_space<vmem>>, vector<768x512xf32>,
    return
  }
  func.func @transform_0(%arg0: i32) -> (i32, i32) {
    %c0_i32 = arith.constant 0 : i32
    %c0_i32_0 = arith.constant 0 : i32
    %c0_i32_1 = arith.constant 0 : i32
    return %c0_i32, %c0_i32_0 : i32, i32
  }
  func.func @transform_1(%arg0: i32) -> (i32, i32) {
    %c0_i32 = arith.constant 0 : i32
    %c0_i32_0 = arith.constant 0 : i32
    return %arg0, %c0_i32 : i32, i32
  }
  func.func @transform_2(%arg0: i32) -> (i32, i32) {
    %c0_i32 = arith.constant 0 : i32
    %c0_i32_0 = arith.constant 0 : i32
    return %c0_i32, %arg0 : i32, i32
  }
}

module attributes {stable_mosaic.version = 14 : i64} {
  func.func @_final_body(%arg0: i32, %arg1: memref<512x768xf32, #tpu.memory_space<vmem>>, %arg2: memref<768x512xf32, #tpu.memory_space<vmem>>, %arg3: memref<768x512xf32, #tpu.memory_space<vmem>>, %arg4: memref<768x512xf32, #tpu.memory_space<vmem>>, %arg5: memref<768x768xf32, #tpu.memory_space<vmem>>, %arg6: memref<512x768xf32, #tpu.memory_space<vmem>>, %arg7: memref<1x1x512xf32, #tpu.memory_space<vmem>>) attributes {dimension_semantics = [#tpu.dimension_semantics<arbitrary>], iteration_bounds = array<i64: 8>, scalar_prefetch = 0 : i64, scratch_operands = 0 : i64, tpu.core_type = #tpu.core_type<tc>, window_params = [{transform_indices = @transform_0, window_bounds = array<i64: 512, 768>}, {transform_indices = @transform_1, window_bounds = array<i64: 768, 512>}, {transform_indices = @transform_2, window_bounds = array<i64: 768, 512>}, {transform_indices = @transform_3, window_bounds = array<i64: 768, 512>}, {pipeline_mode = #tpu.pipeline_mode<synchronous>, transform_indices = @transform_4, window_bounds = array<i64: 768, 768>}, {transform_indices = @transform_5, window_bounds = array<i64: 512, 768>}, {transform_indices = @transform_6, window_bounds = array<i64: 1, 1, 512>}]} {
    %get3A = arith.constant 0 : index
    %get3A_0 = arith.constant 0 : index
    %get3A_1 = vector.load %arg2[%get3A, %get3A_0] : memref<768x512xf32, #tpu.memory_space<vmem>>, vector<768x512xf32>
    %get3A_2 = arith.constant 0 : index
    %get3A_3 = arith.constant 0 : index
    %get3A_4 = vector.load %arg3[%get3A_2, %get3A_3] : memref<768x512xf32, #tpu.memory_space<vmem>>, vector<768x512xf32>
    %sub3A = arith.subf %get3A_1, %get3A_4 : vector<768x512xf32>
    %get3A_5 = arith.constant 0 : index
    %get3A_6 = arith.constant 0 : index
    %get3A_7 = vector.load %arg1[%get3A_5, %get3A_6] : memref<512x768xf32, #tpu.memory_space<vmem>>, vector<512x768xf32>
    %get3A_8 = arith.constant 0 : index
    %get3A_9 = arith.constant 0 : index
    %get3A_10 = vector.load %arg5[%get3A_8, %get3A_9] : memref<768x768xf32, #tpu.memory_space<vmem>>, vector<768x768xf32>
    %dot_general3A = arith.constant dense<0.000000e+00> : vector<512x768xf32>
    %dot_general3A_11 = tpu.matmul %sub3A, %get3A_10, %dot_general3A {dimension_numbers = #tpu.dot_dimension_numbers<[0], [1], [1], [0], [0, 1, 1, 0], [], []>, transpose_lhs_hint = false} : vector<768x512xf32>, vector<768x768xf32>, vector<512x768xf32> -> vector<512x768xf32>
    %add3A = arith.addf %get3A_7, %dot_general3A_11 : vector<512x768xf32>
    %swap3A = arith.constant 0 : index
    %swap3A_12 = arith.constant 0 : index
    %swap3A_13 = vector.load %arg6[%swap3A, %swap3A_12] : memref<512x768xf32, #tpu.memory_space<vmem>>, vector<512x768xf32>
    tpu.vector_store %arg6[%swap3A, %swap3A_12], %add3A {strides = array<i32>} : memref<512x768xf32, #tpu.memory_space<vmem>>, vector<512x768xf32>,
    %get3A_14 = arith.constant 0 : index
    %get3A_15 = arith.constant 0 : index
    %get3A_16 = vector.load %arg4[%get3A_14, %get3A_15] : memref<768x512xf32, #tpu.memory_space<vmem>>, vector<768x512xf32>
    %log3A = math.log %get3A_16 : vector<768x512xf32>
    %reduce_sum3A = arith.constant dense<0.000000e+00> : vector<512xf32>
    %reduce_sum3A_17 = vector.multi_reduction <add>, %log3A, %reduce_sum3A [0] : vector<768x512xf32> to vector<512xf32>
    %broadcast_in_dim3A = vector.shape_cast %reduce_sum3A_17 : vector<512xf32> to vector<1x1x512xf32>
    %swap3A_18 = arith.constant 0 : index
    %swap3A_19 = arith.constant 0 : index
    %swap3A_20 = arith.constant 0 : index
    %swap3A_21 = vector.load %arg7[%swap3A_18, %swap3A_19, %swap3A_20] : memref<1x1x512xf32, #tpu.memory_space<vmem>>, vector<1x1x512xf32>
    tpu.vector_store %arg7[%swap3A_18, %swap3A_19, %swap3A_20], %broadcast_in_dim3A {strides = array<i32>} : memref<1x1x512xf32, #tpu.memory_space<vmem>>, vector<1x1x512xf32>,
    return
  }
  func.func @transform_0(%arg0: i32) -> (i32, i32) {
    %c0_i32 = arith.constant 0 : i32
    %c0_i32_0 = arith.constant 0 : i32
    return %arg0, %c0_i32 : i32, i32
  }
  func.func @transform_1(%arg0: i32) -> (i32, i32) {
    %c0_i32 = arith.constant 0 : i32
    %c0_i32_0 = arith.constant 0 : i32
    return %c0_i32, %arg0 : i32, i32
  }
  func.func @transform_2(%arg0: i32) -> (i32, i32) {
    %c0_i32 = arith.constant 0 : i32
    %c0_i32_0 = arith.constant 0 : i32
    return %c0_i32, %arg0 : i32, i32
  }
  func.func @transform_3(%arg0: i32) -> (i32, i32) {
    %c0_i32 = arith.constant 0 : i32
    %c0_i32_0 = arith.constant 0 : i32
    return %c0_i32, %arg0 : i32, i32
  }
  func.func @transform_4(%arg0: i32) -> (i32, i32) {
    %c0_i32 = arith.constant 0 : i32
    %c0_i32_0 = arith.constant 0 : i32
    %c0_i32_1 = arith.constant 0 : i32
    return %c0_i32, %c0_i32_0 : i32, i32
  }
  func.func @transform_5(%arg0: i32) -> (i32, i32) {
    %c0_i32 = arith.constant 0 : i32
    %c0_i32_0 = arith.constant 0 : i32
    return %arg0, %c0_i32 : i32, i32
  }
  func.func @transform_6(%arg0: i32) -> (i32, i32, i32) {
    %c0_i32 = arith.constant 0 : i32
    %c0_i32_0 = arith.constant 0 : i32
    %c0_i32_1 = arith.constant 0 : i32
    return %arg0, %c0_i32, %c0_i32_0 : i32, i32, i32
  }
}

</mosaic_0001>

<sc_bundles>
// kernel: kernel.6.cloned.1.call-start
scs
__scs_entry_jumppad:
0x0: {  	(pc) =	sbr.rel $0x88, $3  }
0x1: {  	(tag) =	ssettag $0x0;
	lr =	simm.s32 $0x1  }
0x2: {  	[smem:$0x3F9B] =	sst lr;
	_ =	strace $0xD0000000  }
0x3: {  	_ = 	snop  }
0x4: {  	_ = 	snop  }
0x5: {  	_ = 	snop  }
0x6: {  	_ = 	snop  }
0x7: {  	_ = 	snop  }
__scs_overlays_trampoline_lowered:
0x8: {  	[smem:$0x3FAA] =	sst s0  }
0x9: {  	[smem:$0x3FAB] =	sst s1  }
0xa: {  	[smem:$0x3FAC] =	sst s2  }
0xb: {  	[smem:$0x3FAD] =	sst s3  }
0xc: {  	[smem:$0x3FAE] =	sst s4  }
0xd: {  	[smem:$0x3FAF] =	sst s5  }
0xe: {  	[smem:$0x3FB0] =	sst s6  }
0xf: {  	[smem:$0x3FB1] =	sst s7  }
0x10: {  	[smem:$0x3FB2] =	sst s8  }
0x11: {  	[smem:$0x3FB3] =	sst s9;
	s0 =	simm.s32 @!p0 $0x0  }
0x12: {  	s1 =	sld [smem:$0x3F99];
	s0 =	simm.s32 @p0 $0x1  }
0x13: {  	[smem:$0x3FB4] =	sst s0;
	s0 =	simm.s32 @!p1 $0x0  }
0x14: {  	s2 =	sld [smem:$0x3F98];
	s0 =	simm.s32 @p1 $0x1  }
0x15: {  	[smem:$0x3FB5] =	sst s0;
	s0 =	simm.s32 @!p2 $0x0  }
0x16: {  	s3 =	sld [smem:$0x3FDB];
	s0 =	simm.s32 @p2 $0x1  }
0x17: {  	s4 =	simm.s32 $0x1BF5;
	[smem:$0x3FB7] =	sst s0  }
0x18: {  	s0 =	sld [smem:$0x3F9A];
	_ =	swait.ge [sflag:s4], $0x0  }
0x19: {  	s7 =	sld [smem:$0x3F9B]  }
0x1a: {  	s8 =	sadd.s32 $0xFFFFE003, lr  }
0x1b: {  	s9 =	sadd.s32 $0xFFFFFEF7, lr;
	s5 =	simm.s32 $0xFFFFFFFF;
	p2 =	slt.u32 s8, $0xFFFFF086  }
0x1c: {  	p1 =	slt.u32 s9, $0xF7A;
	s5 =	simm.s32 @!p2 $0x0  }
0x1d: {  	s5 =	simm.s32 @p1 $0x1;
	p0 =	seq.s32 s7, s2  }
0x1e: {  	s7 =	smul.u32 @!p0 $0xF7A, s2;
	p2 =	seq.s32 @!p0 s5, $0x0  }
0x1f: {  	s9 =	smul.u32 $0xF7A, s1;
	s8 =	simm.s32 @!p0 $0x1BF5;
	p2 =	por !p2, p0  }
0x20: {  	[sflag:s8] =	ssyncset.s32 @!p0 $0xFFFFF086;
	s6 =	sadd.s32 @!p0 s3, s7;
	s7 =	simm.s32 @!p0 $0x108  }
0x21: {  	s3 =	sadd.s32 s3, s9;
	s6 =	sadd.s32 @!p0 $0x88, s6;
	s7 =	simm.s32 @p2 $0x1082  }
0x22: {  	[simem:s7], [sflag:s8] =	dma.local @!p0 [hbm:s6], $0xF7A  }
0x23: {  	s9 =	sor.u32 $0xD0000000, s2;
	s6 =	simm.s32 $0x108;
	_ =	swait.ge @!p0 [sflag:s8], $0x0  }
0x24: {  	s3 =	sadd.s32 $0x88, s3;
	s6 =	simm.s32 @!p1 $0x1082;
	[sflag:s4] =	ssyncset.s32 $0xFFFFF086  }
0x25: {  	[simem:s6], [sflag:s4] =	dma.local [hbm:s3], $0xF7A  }
0x26: {  	[smem:$0x3F9B] =	sst s1;
	(tag) =	ssettag s2;
	_ =	strace s9  }
0x27: {  	s1 =	sld [smem:$0x3FAB]  }
0x28: {  	s2 =	sld [smem:$0x3FAC]  }
0x29: {  	s4 =	sld [smem:$0x3FAE]  }
0x2a: {  	p0 =	seq.s32 s5, $0x0;
	s5 =	sld [smem:$0x3FAF]  }
0x2b: {  	s6 =	sld [smem:$0x3FB0]  }
0x2c: {  	s7 =	sld [smem:$0x3FB1]  }
0x2d: {  	s3 =	simm.s32 $0x108;
	s8 =	sld [smem:$0x3FB2]  }
0x2e: {  	s3 =	simm.s32 @!p0 $0x1082;
	s9 =	sld [smem:$0x3FB3]  }
0x2f: {  	lr =	sadd.s32 s0, s3;
	s0 =	sld [smem:$0x3FAA]  }
0x30: {  	s3 =	sld [smem:$0x3FAD]  }
0x31: {  	[smem:$0x3FB6] =	sst s10  }
0x32: {  	s10 =	sld [smem:$0x3FB4];
	_ =	sdelay $0x3  }
0x33: {  	p0 =	seq.s32 s10, $0x1;
	s10 =	sld [smem:$0x3FB6];
	_ =	sdelay $0x3  }
0x34: {  	[smem:$0x3FB6] =	sst s10  }
0x35: {  	s10 =	sld [smem:$0x3FB5];
	_ =	sdelay $0x3  }
0x36: {  	p1 =	seq.s32 s10, $0x1;
	s10 =	sld [smem:$0x3FB6];
	_ =	sdelay $0x3  }
0x37: {  	[smem:$0x3FB6] =	sst s10  }
0x38: {  	s10 =	sld [smem:$0x3FB7]  }
0x39: {  	_ = 	snop;
	(pc) =	sbr.ind lr, $3  }
0x3a: {  	_ = 	snop  }
0x3b: {  	_ = 	snop  }
0x3c: {  	p2 =	seq.s32 s10, $0x1;
	s10 =	sld [smem:$0x3FB6]  }
0x3d: {  	_ =	shalt  }
0x3e: {  	_ =	shalt  }
0x3f: {  	_ =	shalt  }
0x40: {  	_ =	shalt  }
0x41: {  	_ =	shalt  }
0x42: {  	_ =	shalt  }
0x43: {  	_ =	shalt  }
0x44: {  	_ =	shalt  }
0x45: {  	_ =	shalt  }
0x46: {  	_ =	shalt  }
0x47: {  	_ =	shalt  }
0x48: {  	_ =	shalt  }
0x49: {  	_ =	shalt  }
0x4a: {  	_ =	shalt  }
0x4b: {  	_ =	shalt  }
0x4c: {  	_ =	shalt  }
0x4d: {  	_ =	shalt  }
0x4e: {  	_ =	shalt  }
0x4f: {  	_ =	shalt  }
0x50: {  	_ =	shalt  }
0x51: {  	_ =	shalt  }
0x52: {  	_ =	shalt  }
0x53: {  	_ =	shalt  }
0x54: {  	_ =	shalt  }
0x55: {  	_ =	shalt  }
0x56: {  	_ =	shalt  }
0x57: {  	_ =	shalt  }
0x58: {  	_ =	shalt  }
0x59: {  	_ =	shalt  }
0x5a: {  	_ =	shalt  }
0x5b: {  	_ =	shalt  }
0x5c: {  	_ =	shalt  }
0x5d: {  	_ =	shalt  }
0x5e: {  	_ =	shalt  }
0x5f: {  	_ =	shalt  }
0x60: {  	_ =	shalt  }
0x61: {  	_ =	shalt  }
0x62: {  	_ =	shalt  }
0x63: {  	_ =	shalt  }
0x64: {  	_ =	shalt  }
0x65: {  	_ =	shalt  }
0x66: {  	_ =	shalt  }
0x67: {  	_ =	shalt  }
0x68: {  	_ =	shalt  }
0x69: {  	_ =	shalt  }
0x6a: {  	_ =	shalt  }
0x6b: {  	_ =	shalt  }
0x6c: {  	_ =	shalt  }
0x6d: {  	_ =	shalt  }
0x6e: {  	_ =	shalt  }
0x6f: {  	_ =	shalt  }
0x70: {  	_ =	shalt  }
0x71: {  	_ =	shalt  }
0x72: {  	_ =	shalt  }
0x73: {  	_ =	shalt  }
0x74: {  	_ =	shalt  }
0x75: {  	_ =	shalt  }
0x76: {  	_ =	shalt  }
0x77: {  	_ =	shalt  }
0x78: {  	_ =	shalt  }
0x79: {  	_ =	shalt  }
0x7a: {  	_ =	shalt  }
0x7b: {  	_ =	shalt  }
0x7c: {  	_ =	shalt  }
0x7d: {  	_ =	shalt  }
0x7e: {  	_ =	shalt  }
0x7f: {  	_ =	shalt  }
0x80: {  	_ =	shalt  }
0x81: {  	_ =	shalt  }
0x82: {  	_ =	shalt  }
0x83: {  	_ =	shalt  }
0x84: {  	_ =	shalt  }
0x85: {  	_ =	shalt  }
0x86: {  	_ =	shalt  }
0x87: {  	_ =	shalt  }
.Lfunc_end0:
.L_simem_size_0:
called_computation_lowered:
.L_overlay_start_0:
0x88: {  	s2 =	sld [smem:$0x3FD9]  }
0x89: {  	s3 =	sld [smem:$0x3FFE];
	_ =	sdelay $0x1  }
0x8a: {  	s1 =	srdreg.scid  }
0x8b: {  	s0 =	sand.u32 $0x1, s1  }
0x8c: {  	s14 =	sshll.u32 s0, $0xA;
	s2 =	sadd.s32 s3, s2  }
0x8d: {  	s2 =	sadd.s32 s2, s14  }
0x8e: {  	[smem:$0x3FC2] =	sst s2  }
0x8f: {  	_ = 	snop  }
0x90: {  	s2 =	sld [smem:$0x3FD0];
	_ =	sdelay $0x2  }
0x91: {  	s4 =	simm.s32 $0xA;
	s5 =	simm.s32 $0x10;
	s15 =	sld [smem:$0x3FC8]  }
0x92: {  	[smem:s5], [sflag:s4] =	dma.local [hbm:s2], $0x1  }
0x93: {  	_ =	swait.eq [sflag:s4], $0x1  }
0x94: {  	[sflag:s4] =	ssyncset.done $0x0  }
0x95: {  	[sflag:s4] =	ssyncadd.s32 $0xFFFFFFFF  }
0x96: {  	s16 =	sld [smem:$0x10];
	(tm) =	ssettm $0x1  }
0x97: {  	s17 =	sld [smem:$0x3FFB];
	_ =	sdelay $0x3  }
0x98: {  	_ =	strace s17  }
0x99: {  	s4 =	sld [smem:$0x3FFC];
	_ =	sdelay $0x3  }
0x9a: {  	_ =	strace s4  }
0x9b: {  	s4 =	sld [smem:$0x3FFD];
	_ =	sdelay $0x3  }
0x9c: {  	_ =	strace s4  }
0x9d: {  	_ =	strace $0x8FFFFFFF  }
0x9e: {  	s18 =	sld [smem:$0x3FDB];
	_ =	sdelay $0x1  }
0x9f: {  	s19 =	simm.s32 $_scs_section_size  }
0xa0: {  	s6 =	simm.s32 $_size__tile_overlayer_lowered;
	s7 =	simm.s32 $_tile_overlayer_lowered  }
0xa1: {  	s22 =	simm.s32 $0x1BFF;
	s21 =	sshll.u32 s7, $0x1;
	s4 =	sadd.s32 s19, s18  }
0xa2: {  	s8 =	simm.s32 $0x0;
	s20 =	sshll.u32 s6, $0x1;
	s6 =	sadd.s32 s21, s4  }
0xa3: {  	[timem:s8], [sflag:s22] =	dma.local [hbm:s6], s20  }
0xa4: {  	_ =	swait.ge [sflag:s22], s20  }
0xa5: {  	s5 =	ssub.s32 $0x0, s20;
	[sflag:s22] =	ssyncset.done $0x0  }
0xa6: {  	[sflag:s22] =	ssyncadd.s32 s5;
	_ =	sdelay $0x1  }
0xa7: {  	s23 =	simm.s32 $0x1B8B  }
0xa8: {  	_ =	swait.ge [sflag:s23], $0x1  }
0xa9: {  	[sflag:s23] =	ssyncset.done $0x0  }
0xaa: {  	s25 =	simm.s32 $0x1B8E;
	s24 =	sld [smem:$0x3FFE];
	[sflag:s23] =	ssyncadd.s32 $0xFFFFFFFF  }
0xab: {  	s26 =	simm.s32 $execute0_lowered;
	[smem:$0x3FD2] =	sst s25  }
0xac: {  	s6 =	sshll.u32 s26, $0x1;
	_ =	strace $0x80000046;
	[dreg:$0x1] =	wrdreg $0xFFFFFFFF  }
0xad: {  	s28 =	simm.s32 $_size_execute0_lowered;
	s4 =	sadd.s32 s4, s6;
	[dreg:$0x0] =	wrdreg $0x0  }
0xae: {  	s6 =	sshll.u32 s28, $0x1;
	[dreg:$0x2] =	wrdreg s4  }
0xaf: {  	[dreg:$0x3] =	wrdreg s6  }
0xb0: {  	[dreg:$0x4] =	wrdreg $0xC0  }
0xb1: {  	_ =	task [dreg:s8], $0x5FFFF  }
0xb2: {  	[dreg:$0x1] =	wrdreg $0xFFFFFFFF  }
0xb3: {  	[dreg:$0x0] =	wrdreg $0x60  }
0xb4: {  	[dreg:$0x2] =	wrdreg s16  }
0xb5: {  	[dreg:$0x3] =	wrdreg s15  }
0xb6: {  	[dreg:$0x4] =	wrdreg s24  }
0xb7: {  	[dreg:$0x5] =	wrdreg $0x9  }
0xb8: {  	_ =	task.clear_ibuf [dreg:s8], $0x6FFFF;
	_ =	strace $0x90000046  }
0xb9: {  	s29 =	simm.s32 $0x9;
	_ =	strace $0x80000048  }
0xba: {  	_ =	swait.ge [sflag:s29], $0x1  }
0xbb: {  	[sflag:s29] =	ssyncadd.s32 $0xFFFFFFFF  }
0xbc: {  	_ =	strace $0x90000048  }
0xbd: {  	_ =	sfence  }
0xbe: {  	s30 =	sld [smem:$0x0];
	_ =	sdelay $0x2  }
0xbf: {  	s31 =	sshll.u32 s1, $0xD;
	s1 =	sshrl.u32 s1, $0x2  }
0xc0: {  	s3 =	sand.u32 $0x4000, s31;
	s1 =	sadd.s32 s1, s30  }
0xc1: {  	s0 =	sor.u32 s3, s0;
	s1 =	sshll.u32 s1, $0x11  }
0xc2: {  	s0 =	sor.u32 s1, s0  }
0xc3: {  	s0 =	sadd.s32 $0x8F2B, s0  }
0xc4: {  	[sflag:s0] =	ssyncadd.remote.s32 $0x1  }
0xc5: {  	_ =	sfence.sel $0xFFFF  }
0xc6: {  	[dreg:$0x0] =	wrdreg $0xFFFFFFFF;
	(pc) =	sbr.abs _section_cstart, $3  }
0xc7: {  	[dreg:$0x1] =	wrdreg $0xFFFFFFFF  }
0xc8: {  	_ =	task.clear_ibuf [dreg:s8], $0x2FFFF;
	_ =	strace $0x9FFFFFFF  }
0xc9: {  	(tm) =	ssettm $0x7FFFFFFF  }
tec
execute0_lowered:
.L_overlay_start_1:
0x0: {  	(tag) =	ssettag $0x1  }
0x1: {  	s29 =	rddreg [dreg:$0x0];
	s0 =	srdreg.scid  }
0x2: {  	s1 =	stileid.u32;
	s2 =	rddreg [dreg:$0x2]  }
0x3: {  	s4 =	simm.s32 $0x0;
	s0 =	sand.u32 $0x1, s0;
	s3 =	sshll.u32 s1, $0x1  }
0x4: {  	s16 =	simm.s32 $0x9620;
	s3 =	sor.u32 s0, s3;
	s0 =	ssub.s32 $0x2, s0  }
0x5: {  	s17 =	simm.s32 $0x12C20;
	s5 =	smul.u32 $0x12C0, s3;
	s9 =	sshrl.u32 s0, $0x1  }
0x6: {  	s18 =	simm.s32 $0x40;
	s19 =	simm.s32 $0x1000;
	s0 =	ssub.s32 s0, s9  }
0x7: {  	[smem:$0x7FF] =	sst s4;
	s8 =	sadd.s32 s5, s2;
	s0 =	smax.u32 s0, $0x1  }
0x8: {  	_ =	strace $0x80000047;
	s23 =	sadd.s32 $0x2E00, s8;
	[dreg:$0x9] =	wrdreg s0  }
0x9: {  	s5 =	smul.u32 $0x18000, s3;
	s24 =	sadd.s32 $0x28600, s8;
	[dreg:$0x4] =	wrdreg s23  }
0xa: {  	s30 =	simm.s32 $0x4;
	s26 =	sadd.s32 $0x4DE00, s8;
	[dreg:$0x5] =	wrdreg s24  }
0xb: {  	s25 =	sshrl.u32 s5, $0x3;
	[dreg:$0x6] =	wrdreg s26;
	s31 =	sor.u32 $0x80, s5  }
0xc: {  	s6 =	sadd.s32 $0xD3600, s2;
	s28 =	sadd.s32 s29, s25;
	[dreg:$0x8] =	wrdreg s31  }
0xd: {  	v1 =	vimm.s32 $0x0;
	s7 =	sadd.s32 $0x133600, s2;
	s1 =	simm.s32 $0x0;
	[dreg:$0x7] =	wrdreg s28  }
.LBB2_1:
0xe: {  	[dreg:$0xa] =	wrdreg s1  }
0xf: {  	s0 =	rddreg [dreg:$0x1];
	s22 =	simm.s32 $0x1C220;
	s23 =	simm.s32 $0x5  }
0x10: {  	[tilespmem:s22], [sflag:$0x5] =	stream.linear.gather [hbm4b:s0+s4], $0x1000, $0x38;
	[tilespmem:$0x1F620] =	vst v63  }
0x11: {  	_ =	swait.ge [sflag:s23], $0x1000  }
0x12: {  	[sflag:s23] =	ssyncset.done $0x0  }
0x13: {  	s24 =	rddreg [dreg:$0x4];
	[sflag:s23] =	ssyncadd.s32 $0xFFFFF000  }
0x14: {  	[tilespmem:s4], [sflag:$0x5] =	stream.linear.gather [hbm4b:s24+s4], $0x9600, $0x38;
	[tilespmem:$0x1F620] =	vst v63  }
0x15: {  	_ =	swait.ge [sflag:s23], $0x9600  }
0x16: {  	[sflag:s23] =	ssyncset.done $0x0  }
0x17: {  	s25 =	rddreg [dreg:$0x5];
	[sflag:s23] =	ssyncadd.s32 $0xFFFF6A00  }
0x18: {  	[tilespmem:s16], [sflag:$0x5] =	stream.linear.gather [hbm4b:s25+s4], $0x9600, $0x38;
	[tilespmem:$0x1F620] =	vst v63  }
0x19: {  	_ =	swait.ge [sflag:s23], $0x9600  }
0x1a: {  	[sflag:s23] =	ssyncset.done $0x0  }
0x1b: {  	s26 =	rddreg [dreg:$0x6];
	[sflag:s23] =	ssyncadd.s32 $0xFFFF6A00  }
0x1c: {  	[tilespmem:s17], [sflag:$0x5] =	stream.linear.gather [hbm4b:s26+s4], $0x9600, $0x38;
	[tilespmem:$0x1F620] =	vst v63  }
0x1d: {  	_ =	swait.ge [sflag:s23], $0x9600  }
0x1e: {  	s31 =	simm.s32 $0x1D220;
	[sflag:s23] =	ssyncset.done $0x0  }
0x1f: {  	s2 =	simm.s32 $0x0;
	s28 =	rddreg [dreg:$0x7];
	[sflag:s23] =	ssyncadd.s32 $0xFFFF6A00  }
0x20: {  	[tilespmem:s31], [sflag:$0x1] =	stream.strided.gather [hbm4b:s28+s18], $0x600, s19, s18, $0x38;
	[tilespmem:$0x1F620] =	vst v63  }
.LBB2_2:
0x21: {  	s14 =	sshll.u32 s2, $0x7  }
0x22: {  	s1 =	simm.s32 $0x1;
	s3 =	sor.u32 $0x40, s14  }
0x23: {  	_ =	swait.ge [sflag:s1], $0x600;
	s0 =	sor.u32 s5, s3  }
0x24: {  	s20 =	simm.s32 $0x1D820;
	[sflag:s1] =	ssyncset.done $0x0;
	s0 =	sshrl.u32 s0, $0x3  }
0x25: {  	p0 =	seq.s32 s2, $0x0;
	[sflag:s1] =	ssyncadd.s32 $0xFFFFFA00;
	s8 =	sadd.s32 s29, s0  }
0x26: {  	[tilespmem:s20], [sflag:$0x2] =	stream.strided.gather [hbm4b:s8+s18], $0x600, s19, s18, $0x38;
	[tilespmem:$0x1F620] =	vst v63  }
0x27: {  	s8 =	simm.s32 @!p0 $0x3  }
0x28: {  	s9 =	sadd.s32 $0x1C220, s14;
	_ =	swait.ge @!p0 [sflag:s8], $0x600  }
0x29: {  	s21 =	simm.s32 $0x0;
	v0 =	vmov s9;
	[sflag:s8] =	ssyncset.done @!p0 $0x0  }
0x2a: {  	s10 =	smul.u32 $0xAB, s21;
	s11 =	sor.u32 $0x3, s21;
	[sflag:s8] =	ssyncadd.s32 @!p0 $0xFFFFFA00  }
0x2b: {  	s13 =	sand.u32 $0xFF, s11;
	_ =	swait.ge @!p0 [sflag:s8], $0x600  }
0x2c: {  	s10 =	sshrl.u32 s10, $0x8;
	s13 =	smul.u32 $0xAB, s13;
	[sflag:s8] =	ssyncset.done @!p0 $0x0  }
0x2d: {  	[sflag:s8] =	ssyncadd.s32 @!p0 $0xFFFFFA00;
	s8 =	sand.u32 $0xF0, s10  }
0x2e: {  	s22 =	sshrl.u32 s13, $0xC;
	v2 =	vld.idx.msk [tilespmem:v0+s8+$0x0 ss:$0x1], $0xffff  }
0x2f: {  	s10 =	smul.u32 $0x18, s22;
	_ =	sdelay $0x1  }
0x30: {  	s10 =	ssub.s32 s11, s10  }
0x31: {  	s10 =	sand.u32 $0xFF, s10  }
0x32: {  	s23 =	smul.u32 $0x64, s10;
	v4 =	vmul.u32 $0x960, v2;
	_ =	sdelay $0x1  }
0x33: {  	s26 =	sor.u32 $0x1, s21;
	s24 =	sshrl.u32 s8, $0x4;
	v6 =	vadd.s32 s23, v4  }
0x34: {  	s15 =	sand.u32 $0xFF, s26;
	s11 =	smul.u32 $0x18, s24;
	v2 =	vadd.s32 $0x3F, v6  }
0x35: {  	s9 =	sor.u32 $0x2, s21;
	s15 =	smul.u32 $0xAB, s15  }
0x36: {  	s20 =	sand.u32 $0xFF, s9;
	s11 =	ssub.s32 $0x0, s11;
	s10 =	sshll.u32 s10, $0x6  }
0x37: {  	s22 =	smul.u32 $0xAB, s20;
	s11 =	sand.u32 $0xFF, s11;
	s20 =	sadd.s32 s8, s10  }
0x38: {  	s15 =	sshrl.u32 s15, $0xC;
	v28 =	vld [tilespmem:s20+$0x1D220];
	s23 =	smul.u32 $0x64, s11  }
0x39: {  	s28 =	smul.u32 $0x18, s15;
	v3 =	vld.idx.msk [tilespmem:v2+s4+$0x0], $0xffff  }
0x3a: {  	v2 =	vadd.s32 s23, v4  }
0x3b: {  	s1 =	sshrl.u32 s22, $0xC;
	s10 =	ssub.s32 s26, s28;
	v5 =	vadd.s32 $0x3F, v2  }
0x3c: {  	s15 =	smul.u32 $0x18, s1;
	s13 =	sand.u32 $0xFF, s10  }
0x3d: {  	s12 =	smul.u32 $0x64, s13;
	s11 =	sshll.u32 s11, $0x6  }
0x3e: {  	s9 =	ssub.s32 s9, s15;
	s10 =	sor.u32 s8, s11;
	vm0 =	vlt.f32 v3, v28  }
0x3f: {  	s15 =	sand.u32 $0xFF, s9;
	v12 =	vld [tilespmem:s10+$0x1D220];
	v3 =	vadd.s32 s12, v4;
	v7 =	vsel vm0, $0x40, v1  }
0x40: {  	s9 =	smul.u32 $0x64, s15;
	v9 =	vadd.s32 $0xFFFFFFFF, v6;
	v8 =	vadd.s32 $0x3F, v3;
	v5 =	vld.idx.msk [tilespmem:v5+s4+$0x0], $0xffff;
	v10 =	vor.u32 $0x20, v7  }
0x41: {  	v11 =	vadd.s32 v9, v10  }
0x42: {  	s13 =	sshll.u32 s13, $0x6;
	v4 =	vadd.s32 s9, v4  }
0x43: {  	s9 =	sadd.s32 s8, s13;
	v15 =	vadd.s32 $0x3F, v4  }
0x44: {  	v14 =	vld [tilespmem:s9+$0x1D220]  }
0x45: {  	s21 =	sshll.u32 s15, $0x6;
	v16 =	vld.idx.msk [tilespmem:v8+s4+$0x0], $0xffff;
	vm0 =	vlt.f32 v5, v12  }
0x46: {  	s8 =	sor.u32 s8, s21;
	v17 =	vsel vm0, $0x40, v1;
	v5 =	vld.idx.msk [tilespmem:v11+s4+$0x0], $0xffff  }
0x47: {  	v35 =	vld [tilespmem:s8+$0x1D220];
	v8 =	vadd.s32 $0xFFFFFFFF, v2;
	v49 =	vor.u32 $0x20, v17  }
0x48: {  	v11 =	vld.idx.msk [tilespmem:v15+s4+$0x0], $0xffff;
	v19 =	vadd.s32 v8, v49;
	_ =	sdelay $0x1  }
0x49: {  	vm0 =	vlt.f32 v16, v14  }
0x4a: {  	v16 =	vsel vm0, $0x40, v1;
	vm0 =	vlt.f32 v5, v28  }
0x4b: {  	v5 =	vadd.s32 $0xFFFFFFFF, v3;
	v20 =	vor.u32 $0x20, v16;
	v10 =	vsel vm0, v10, v7  }
0x4c: {  	vm0 =	vlt.f32 v11, v35;
	v11 =	vadd.s32 v5, v20;
	v19 =	vld.idx.msk [tilespmem:v19+s4+$0x0], $0xffff;
	v21 =	vor.u32 $0x10, v10  }
0x4d: {  	v22 =	vsel vm0, $0x40, v1;
	v23 =	vadd.s32 v9, v21  }
0x4e: {  	v7 =	vadd.s32 $0xFFFFFFFF, v4;
	v24 =	vor.u32 $0x20, v22  }
0x4f: {  	v25 =	vadd.s32 v7, v24;
	_ =	sdelay $0x1  }
0x50: {  	v11 =	vld.idx.msk [tilespmem:v11+s4+$0x0], $0xffff;
	vm0 =	vlt.f32 v19, v12  }
0x51: {  	v15 =	vsel vm0, v49, v17;
	v50 =	vld.idx.msk [tilespmem:v23+s4+$0x0], $0xffff  }
0x52: {  	v19 =	vor.u32 $0x10, v15  }
0x53: {  	v23 =	vld.idx.msk [tilespmem:v25+s4+$0x0], $0xffff;
	v25 =	vadd.s32 v8, v19;
	_ =	sdelay $0x2  }
0x54: {  	vm2 =	vlt.u32 v21, $0x65;
	vm0 =	vlt.f32 v11, v14;
	vm1 =	vlt.f32 v50, v28  }
0x55: {  	v11 =	vsel vm0, v20, v16;
	vm0 =	vmand vm1, vm2  }
0x56: {  	v16 =	vor.u32 $0x10, v11;
	vm1 =	vlt.f32 v23, v35;
	v51 =	vld.idx.msk [tilespmem:v25+s4+$0x0], $0xffff;
	v10 =	vsel vm0, v21, v10  }
0x57: {  	v20 =	vsel vm1, v24, v22;
	v21 =	vadd.s32 v5, v16;
	v22 =	vor.u32 $0x8, v10  }
0x58: {  	v23 =	vor.u32 $0x10, v20;
	v24 =	vadd.s32 v9, v22  }
0x59: {  	v25 =	vadd.s32 v7, v23;
	_ =	sdelay $0x1  }
0x5a: {  	vm0 =	vlt.u32 v19, $0x65;
	vm1 =	vlt.f32 v51, v12  }
0x5b: {  	v52 =	vld.idx.msk [tilespmem:v21+s4+$0x0], $0xffff;
	vm0 =	vmand vm1, vm0  }
0x5c: {  	v15 =	vsel vm0, v19, v15;
	v19 =	vld.idx.msk [tilespmem:v24+s4+$0x0], $0xffff  }
0x5d: {  	v21 =	vld.idx.msk [tilespmem:v25+s4+$0x0], $0xffff;
	v24 =	vor.u32 $0x8, v15  }
0x5e: {  	v25 =	vadd.s32 v8, v24;
	_ =	sdelay $0x1  }
0x5f: {  	vm3 =	vlt.u32 v22, $0x65;
	vm0 =	vlt.u32 v16, $0x65;
	vm2 =	vlt.f32 v52, v14  }
0x60: {  	vm1 =	vlt.u32 v23, $0x65;
	vm0 =	vmand vm2, vm0;
	vm2 =	vlt.f32 v19, v28  }
0x61: {  	vm4 =	vlt.f32 v21, v35;
	v11 =	vsel vm0, v16, v11;
	vm0 =	vmand vm2, vm3  }
0x62: {  	vm1 =	vmand vm4, vm1;
	v16 =	vor.u32 $0x8, v11;
	v53 =	vld.idx.msk [tilespmem:v25+s4+$0x0], $0xffff;
	v10 =	vsel vm0, v22, v10  }
0x63: {  	v19 =	vsel vm1, v23, v20;
	v20 =	vadd.s32 v5, v16;
	v21 =	vadd.s32 $0x4, v10  }
0x64: {  	v22 =	vor.u32 $0x8, v19;
	v23 =	vadd.s32 v9, v21  }
0x65: {  	v25 =	vadd.s32 v7, v22;
	_ =	sdelay $0x1  }
0x66: {  	vm0 =	vlt.u32 v24, $0x65;
	vm1 =	vlt.f32 v53, v12  }
0x67: {  	v54 =	vld.idx.msk [tilespmem:v20+s4+$0x0], $0xffff;
	vm0 =	vmand vm1, vm0  }
0x68: {  	v15 =	vsel vm0, v24, v15;
	v20 =	vld.idx.msk [tilespmem:v23+s4+$0x0], $0xffff  }
0x69: {  	v23 =	vld.idx.msk [tilespmem:v25+s4+$0x0], $0xffff;
	v24 =	vadd.s32 $0x4, v15  }
0x6a: {  	v25 =	vadd.s32 v8, v24;
	_ =	sdelay $0x1  }
0x6b: {  	vm3 =	vlt.u32 v10, $0x61;
	vm0 =	vlt.u32 v16, $0x65;
	vm2 =	vlt.f32 v54, v14  }
0x6c: {  	vm1 =	vlt.u32 v22, $0x65;
	vm0 =	vmand vm2, vm0;
	vm2 =	vlt.f32 v20, v28  }
0x6d: {  	vm4 =	vlt.f32 v23, v35;
	v11 =	vsel vm0, v16, v11;
	vm0 =	vmand vm2, vm3  }
0x6e: {  	vm1 =	vmand vm4, vm1;
	v16 =	vadd.s32 $0x4, v11;
	v55 =	vld.idx.msk [tilespmem:v25+s4+$0x0], $0xffff;
	v10 =	vsel vm0, v21, v10  }
0x6f: {  	v19 =	vsel vm1, v22, v19;
	v20 =	vadd.s32 v5, v16;
	v21 =	vadd.s32 $0x2, v10  }
0x70: {  	v22 =	vadd.s32 $0x4, v19;
	v23 =	vadd.s32 v9, v21  }
0x71: {  	v25 =	vadd.s32 v7, v22;
	_ =	sdelay $0x1  }
0x72: {  	vm0 =	vlt.u32 v15, $0x61;
	vm1 =	vlt.f32 v55, v12  }
0x73: {  	v56 =	vld.idx.msk [tilespmem:v20+s4+$0x0], $0xffff;
	vm0 =	vmand vm1, vm0  }
0x74: {  	v15 =	vsel vm0, v24, v15;
	v20 =	vld.idx.msk [tilespmem:v23+s4+$0x0], $0xffff  }
0x75: {  	v23 =	vld.idx.msk [tilespmem:v25+s4+$0x0], $0xffff;
	v24 =	vadd.s32 $0x2, v15  }
0x76: {  	v25 =	vadd.s32 v8, v24;
	_ =	sdelay $0x1  }
0x77: {  	vm4 =	vlt.u32 v10, $0x63;
	vm1 =	vlt.u32 v19, $0x61  }
0x78: {  	vm0 =	vlt.u32 v11, $0x61;
	vm2 =	vlt.f32 v56, v14;
	vm3 =	vlt.f32 v20, v28  }
0x79: {  	vm0 =	vmand vm2, vm0;
	vm2 =	vlt.f32 v23, v35;
	vm3 =	vmand vm3, vm4  }
0x7a: {  	v11 =	vsel vm0, v16, v11;
	vm0 =	vmand vm2, vm1;
	v57 =	vld.idx.msk [tilespmem:v25+s4+$0x0], $0xffff;
	v10 =	vsel vm3, v21, v10  }
0x7b: {  	v58 =	vadd.s32 $0x2, v11;
	v19 =	vsel vm0, v22, v19;
	v20 =	vadd.s32 v6, v10  }
0x7c: {  	v21 =	vadd.s32 v5, v58;
	v22 =	vadd.s32 $0x2, v19  }
0x7d: {  	v23 =	vadd.s32 v7, v22;
	_ =	sdelay $0x1  }
0x7e: {  	vm0 =	vlt.u32 v15, $0x63;
	vm1 =	vlt.f32 v57, v12  }
0x7f: {  	vm0 =	vmand vm1, vm0;
	v59 =	vld.idx.msk [tilespmem:v20+s4+$0x0], $0xffff  }
0x80: {  	v20 =	vld.idx.msk [tilespmem:v21+s4+$0x0], $0xffff;
	v15 =	vsel vm0, v24, v15  }
0x81: {  	v21 =	vld.idx.msk [tilespmem:v23+s4+$0x0], $0xffff;
	v23 =	vadd.s32 v2, v15;
	_ =	sdelay $0x2  }
0x82: {  	s31 =	simm.s32 $0x4;
	vm2 =	vlt.u32 v10, $0x64;
	vm1 =	vlt.f32 v59, v28  }
0x83: {  	s22 =	smul.u32 $0xAB, s31;
	s23 =	sor.u32 $0x3, s31;
	vm0 =	vlt.u32 v11, $0x63;
	vm4 =	vlt.f32 v20, v14;
	vm1 =	vmand vm1, vm2  }
0x84: {  	s24 =	sand.u32 $0xFF, s23;
	vm0 =	vmand vm4, vm0;
	v60 =	vld.idx.msk [tilespmem:v23+s4+$0x0], $0xffff;
	v20 =	vsel vm1, $0x1, v1  }
0x85: {  	s11 =	sshrl.u32 s22, $0x8;
	s26 =	smul.u32 $0xAB, s24;
	[tilespmem:$0x1FEE0] =	vst v0;
	v11 =	vsel vm0, v58, v11;
	v13 =	vadd.s32 v20, v10  }
0x86: {  	s15 =	sand.u32 $0xF0, s11;
	vm3 =	vlt.u32 v19, $0x63;
	vm2 =	vlt.f32 v21, v35;
	v10 =	vadd.s32 v3, v11;
	[tilespmem:$0x1FF10] =	vst v13  }
0x87: {  	s28 =	sshrl.u32 s26, $0xC;
	vm0 =	vmand vm2, vm3;
	v21 =	vld.idx.msk [tilespmem:v0+s15+$0x0 ss:$0x1], $0xffff  }
0x88: {  	s11 =	smul.u32 $0x18, s28;
	v22 =	vsel vm0, v22, v19;
	vm0 =	vlt.u32 v15, $0x64  }
0x89: {  	v61 =	vmax.u32 v13, $0x1;
	v19 =	vadd.s32 v4, v22;
	vm1 =	vlt.f32 v60, v12  }
0x8a: {  	s11 =	ssub.s32 s23, s11;
	v17 =	vmin.u32 v61, $0x63;
	vm0 =	vmand vm1, vm0  }
0x8b: {  	s11 =	sand.u32 $0xFF, s11;
	v62 =	vadd.s32 v6, v17;
	v6 =	vld.idx.msk [tilespmem:v10+s4+$0x0], $0xffff;
	v10 =	vsel vm0, $0x1, v1  }
0x8c: {  	s24 =	smul.u32 $0x64, s11;
	v9 =	vadd.s32 v17, v9;
	v10 =	vadd.s32 v10, v15;
	v24 =	vmul.u32 $0x960, v21  }
0x8d: {  	v15 =	vmax.u32 v10, $0x1  }
0x8e: {  	v23 =	vld.idx.msk [tilespmem:v19+s4+$0x0], $0xffff;
	v19 =	vmin.u32 v15, $0x63;
	v18 =	vadd.s32 s24, v24  }
0x8f: {  	v15 =	vadd.s32 v19, v8;
	v8 =	vadd.s32 $0x3F, v18  }
0x90: {  	vm0 =	vlt.u32 v11, $0x64;
	vm2 =	vlt.f32 v6, v14  }
0x91: {  	v17 =	vld.idx.msk [tilespmem:v9+s4+$0x0], $0xffff;
	vm0 =	vmand vm2, vm0  }
0x92: {  	s1 =	sor.u32 $0x1, s31;
	s26 =	sshrl.u32 s15, $0x4;
	v25 =	vld.idx.msk [tilespmem:v62+s4+$0x0], $0xffff;
	v6 =	vsel vm0, $0x1, v1  }
0x93: {  	s12 =	sor.u32 $0x2, s31;
	s21 =	sand.u32 $0xFF, s1;
	s26 =	smul.u32 $0x18, s26;
	[tilespmem:$0x1FF30] =	vst v18;
	v11 =	vadd.s32 v6, v11  }
0x94: {  	s25 =	smov.u32 s29;
	s29 =	sand.u32 $0xFF, s12;
	s23 =	smul.u32 $0xAB, s21;
	v27 =	vld.idx.msk [tilespmem:v8+s4+$0x0], $0xffff;
	v8 =	vmax.u32 v11, $0x1  }
0x95: {  	s29 =	smul.u32 $0xAB, s29;
	s24 =	ssub.s32 $0x4, s26;
	v8 =	vmin.u32 v8, $0x63  }
0x96: {  	s23 =	sshrl.u32 s23, $0xC;
	v19 =	vadd.s32 v2, v19;
	s24 =	sand.u32 $0xFF, s24;
	v42 =	vadd.s32 v3, v8;
	v3 =	vld.idx.msk [tilespmem:v9+s16+$0x0], $0xffff  }
0x97: {  	s28 =	sshrl.u32 s29, $0xC;
	s11 =	sshll.u32 s11, $0x6;
	s29 =	smul.u32 $0x64, s24;
	v2 =	vsub.f32 v25, v17  }
0x98: {  	s23 =	smul.u32 $0x18, s23;
	s11 =	sadd.s32 s15, s11;
	vm1 =	vlt.u32 v22, $0x64;
	vm2 =	vlt.f32 v23, v35  }
0x99: {  	v0 =	vld [tilespmem:s11+$0x1D220];
	vm0 =	vmand vm2, vm1;
	(erf) = vrcp.f32 v2;
	v2 =	vadd.s32 s29, v24  }
0x9a: {  	s13 =	ssub.s32 s1, s23;
	s26 =	smul.u32 $0x18, s28;
	v6 =	vsel vm0, $0x1, v1;
	v26 =	vld.idx.msk [tilespmem:v15+s4+$0x0], $0xffff;
	v29 =	vadd.s32 $0x3F, v2  }
0x9b: {  	s23 =	sand.u32 $0xFF, s13;
	v22 =	vadd.s32 v6, v22;
	v13 =	vld.idx.msk [tilespmem:v19+s4+$0x0], $0xffff;
	[tilespmem:$0x1FF50] =	vst v3  }
0x9c: {  	vm5 =	vgt.u32 v10, $0x63;
	v50 =	vadd.s32 $0xFFFFFFFF, v18;
	s1 =	ssub.s32 s12, s26;
	s12 =	smul.u32 $0x64, s23;
	s21 =	sshll.u32 s24, $0x6;
	v23 =	vmax.u32 v22, $0x1;
	v47 =	vld.idx.msk [tilespmem:v62+s16+$0x0], $0xffff  }
0x9d: {  	s26 =	sand.u32 $0xFF, s1;
	s13 =	sor.u32 s15, s21;
	v20 =	vsub.f32 v28, v17;
	v43 =	vadd.s32 v8, v5;
	v5 =	vmin.u32 v23, $0x63;
	v36 =	vld.idx.msk [tilespmem:v9+s17+$0x0], $0xffff  }
0x9e: {  	v6 =	vadd.s32 s12, v24;
	s29 =	smul.u32 $0x64, s26;
	v40 =	vadd.s32 v5, v7;
	v48 =	vadd.s32 v4, v5;
	v5 =	vld [tilespmem:s13+$0x1D220]  }
0x9f: {  	s24 =	sshll.u32 s23, $0x6;
	vm2 =	veq.s32 v10, $0x0;
	v18 =	vsub.f32 v28, v25;
	v4 =	vadd.s32 $0x3F, v6;
	v10 =	vld.idx.msk [tilespmem:v29+s4+$0x0], $0xffff  }
0xa0: {  	v7 =	vadd.s32 s29, v24;
	s29 =	sadd.s32 s15, s24;
	v39 =	vld.idx.msk [tilespmem:v62+s17+$0x0], $0xffff;
	[tilespmem:$0x1FF20] =	vst v20  }
0xa1: {  	v9 =	vadd.s32 $0x3F, v7;
	v8 =	vld [tilespmem:s29+$0x1D220];
	[tilespmem:$0x1FEF0] =	vst v18;
	v18 =	vsub.f32 v12, v26  }
0xa2: {  	vm3 =	veq.s32 v11, $0x0;
	vm6 =	vgt.u32 v11, $0x63;
	v11 =	vpop (erf)  }
0xa3: {  	v30 =	vmul.f32 v11, v20;
	[tilespmem:$0x1FF80] =	vst v18;
	v20 =	vsub.f32 v47, v3  }
0xa4: {  	vm0 =	vlt.f32 v27, v0;
	v31 =	vld.idx.msk [tilespmem:v4+s4+$0x0], $0xffff  }
0xa5: {  	s28 =	sshll.u32 s26, $0x6;
	v27 =	vsel vm0, $0x40, v1;
	[tilespmem:$0x1FF40] =	vst v20  }
0xa6: {  	s15 =	sor.u32 s15, s28;
	v63 =	vor.u32 $0x20, v27;
	v32 =	vld.idx.msk [tilespmem:v9+s4+$0x0], $0xffff  }
0xa7: {  	v29 =	vadd.s32 v50, v63;
	v3 =	vld [tilespmem:s15+$0x1D220]  }
0xa8: {  	v4 =	vadd.s32 $0xFFFFFFFF, v2;
	v30 =	vmax.f32 v30, $0.0e+00;
	vm0 =	vlt.f32 v10, v5  }
0xa9: {  	v41 =	vmin.f32 v30, $1.000000000e+00;
	v30 =	vsel vm0, $0x40, v1;
	v33 =	vld.idx.msk [tilespmem:v43+s4+$0x0], $0xffff;
	vm0 =	vlt.f32 v31, v8  }
0xaa: {  	v34 =	vmul.f32 v20, v11;
	v45 =	vor.u32 $0x20, v30;
	v52 =	vsel vm0, $0x40, v1  }
0xab: {  	v49 =	vld.idx.msk [tilespmem:v40+s4+$0x0], $0xffff;
	v9 =	vadd.s32 $0xFFFFFFFF, v6;
	v31 =	vadd.s32 v4, v45;
	v54 =	vor.u32 $0x20, v52  }
0xac: {  	vm0 =	vlt.f32 v32, v3;
	v32 =	vadd.s32 v9, v54  }
0xad: {  	v10 =	vadd.f32 v39, v36;
	v29 =	vld.idx.msk [tilespmem:v29+s4+$0x0], $0xffff;
	v51 =	vadd.f32 v34, v34  }
0xae: {  	v46 =	vld.idx.msk [tilespmem:v42+s4+$0x0], $0xffff;
	v20 =	vsub.f32 v14, v33  }
0xaf: {  	v37 =	vld.idx.msk [tilespmem:v48+s4+$0x0], $0xffff;
	v53 =	vsub.f32 v10, v51;
	v10 =	vsub.f32 v12, v13  }
0xb0: {  	v21 =	vsub.f32 v35, v49;
	v55 =	vsel vm0, $0x40, v1;
	v31 =	vld.idx.msk [tilespmem:v31+s4+$0x0], $0xffff;
	[tilespmem:$0x1FFC0] =	vst v20  }
0xb1: {  	v11 =	vmov v2;
	v2 =	vadd.s32 $0xFFFFFFFF, v7;
	v56 =	vor.u32 $0x20, v55;
	v61 =	vld.idx.msk [tilespmem:v32+s4+$0x0], $0xffff;
	[tilespmem:$0x1FF60] =	vst v10  }
0xb2: {  	vm7 =	veq.s32 v22, $0x0;
	v57 =	vadd.s32 v2, v56;
	[tilespmem:$0x1FFF0] =	vst v21  }
0xb3: {  	vm8 =	vgt.u32 v22, $0x63;
	vm4 =	vlt.f32 v12, v26;
	v26 =	vsub.f32 v13, v26;
	v22 =	vld.idx.msk [tilespmem:v15+s16+$0x0], $0xffff  }
0xb4: {  	vm0 =	vlt.f32 v29, v0;
	v29 =	vsub.f32 v46, v33  }
0xb5: {  	(erf) = vrcp.f32 v26;
	v16 =	vsub.f32 v37, v49;
	v10 =	vsub.f32 v14, v46  }
0xb6: {  	(erf) = vrcp.f32 v29  }
0xb7: {  	v58 =	vsel vm0, v63, v27;
	(erf) = vrcp.f32 v16;
	v16 =	vld.idx.msk [tilespmem:v57+s4+$0x0], $0xffff;
	[tilespmem:$0x1FF70] =	vst v10  }
0xb8: {  	v59 =	vor.u32 $0x10, v58;
	[tilespmem:$0x1FFB0] =	vst v22  }
0xb9: {  	v60 =	vadd.s32 v50, v59;
	v23 =	vld.idx.msk [tilespmem:v19+s16+$0x0], $0xffff;
	_ =	sdelay $0x1  }
0xba: {  	v44 =	vsub.f32 $1.000000000e+00, v41;
	_ =	sdelay $0x1  }
0xbb: {  	v38 =	vmul.f32 v44, v41;
	vm0 =	vlt.f32 v31, v5  }
0xbc: {  	v57 =	vsel vm0, v45, v30;
	v45 =	vld.idx.msk [tilespmem:v60+s4+$0x0], $0xffff;
	[tilespmem:$0x1FF90] =	vst v23  }
0xbd: {  	v53 =	vmul.f32 v38, v53;
	v24 =	vld.idx.msk [tilespmem:v43+s16+$0x0], $0xffff;
	_ =	sdelay $0x1  }
0xbe: {  	v53 =	vadd.f32 v53, v34;
	_ =	sdelay $0x1  }
0xbf: {  	vm9 =	vlt.f32 v14, v33;
	v33 =	vmul.f32 v53, v53  }
0xc0: {  	[tilespmem:$0x1FFE0] =	vst v24  }
0xc1: {  	v32 =	vmul.f32 v41, v39;
	(erf) = vrcp.f32 v33;
	v25 =	vld.idx.msk [tilespmem:v42+s16+$0x0], $0xffff  }
0xc2: {  	vm1 =	vlt.u32 v59, $0x65;
	v14 =	vmul.f32 v38, v51  }
0xc3: {  	v33 =	vmul.f32 v44, v36;
	v12 =	vmul.f32 v32, v41;
	v51 =	vor.u32 $0x10, v57  }
0xc4: {  	v46 =	vmul.f32 v41, v34;
	vm0 =	vlt.f32 v61, v8;
	v60 =	vadd.s32 v4, v51  }
0xc5: {  	v33 =	vmul.f32 v33, v44;
	v12 =	vadd.f32 v14, v12;
	v52 =	vsel vm0, v54, v52  }
0xc6: {  	v44 =	vmul.f32 v34, v34;
	v54 =	vor.u32 $0x10, v52;
	vm0 =	vlt.f32 v16, v3;
	[tilespmem:$0x1FFA0] =	vst v25  }
0xc7: {  	v61 =	vpop (erf);
	v12 =	vadd.f32 v12, v33;
	v14 =	vadd.s32 v9, v54;
	v55 =	vsel vm0, v56, v55;
	v16 =	vld.idx.msk [tilespmem:v40+s16+$0x0], $0xffff  }
0xc8: {  	v41 =	vmul.f32 v46, v41;
	v46 =	vmul.f32 v61, v18;
	v56 =	vpop (erf);
	v62 =	vor.u32 $0x10, v55;
	v34 =	vld.idx.msk [tilespmem:v48+s16+$0x0], $0xffff  }
0xc9: {  	(erf) = vrcp.f32 v53;
	v32 =	vmul.f32 v12, v44;
	v63 =	vpop (erf);
	v44 =	vadd.s32 v2, v62;
	v60 =	vld.idx.msk [tilespmem:v60+s4+$0x0], $0xffff  }
0xca: {  	vm11 =	vlt.u32 v51, $0x65;
	v46 =	vmax.f32 v46, $0.0e+00;
	v33 =	vpop (erf);
	vm0 =	vlt.f32 v45, v0;
	v10 =	vld.idx.msk [tilespmem:v15+s17+$0x0], $0xffff  }
0xcb: {  	vm12 =	vlt.u32 v54, $0x65;
	v33 =	vmul.f32 v33, v32;
	vm0 =	vmand vm0, vm1;
	v15 =	vld.idx.msk [tilespmem:v19+s17+$0x0], $0xffff  }
0xcc: {  	v32 =	vmul.f32 v63, v21;
	vm1 =	vlt.f32 v28, v17;
	v59 =	vsel vm0, v59, v58;
	v28 =	vld.idx.msk [tilespmem:v14+s4+$0x0], $0xffff  }
0xcd: {  	v58 =	vsub.f32 v23, v22;
	v23 =	vor.u32 $0x8, v59;
	v45 =	vsub.f32 v25, v24;
	v12 =	vld.idx.msk [tilespmem:v43+s17+$0x0], $0xffff  }
0xce: {  	v46 =	vmin.f32 v46, $1.000000000e+00;
	v19 =	vmul.f32 v56, v20;
	v20 =	vadd.s32 v50, v23;
	v44 =	vld.idx.msk [tilespmem:v44+s4+$0x0], $0xffff  }
0xcf: {  	v14 =	vld.idx.msk [tilespmem:v42+s17+$0x0], $0xffff;
	v43 =	vmul.f32 v45, v56;
	v56 =	vmax.f32 v32, $0.0e+00;
	v32 =	vsub.f32 $1.000000000e+00, v46  }
0xd0: {  	vm13 =	vlt.u32 v62, $0x65;
	v42 =	vmul.f32 v58, v61;
	v13 =	vld.idx.msk [tilespmem:v40+s17+$0x0], $0xffff;
	v21 =	vmax.f32 v19, $0.0e+00  }
0xd1: {  	v19 =	vld.idx.msk [tilespmem:v48+s17+$0x0], $0xffff;
	v56 =	vmin.f32 v56, $1.000000000e+00;
	v30 =	vmul.f32 v32, v46;
	v53 =	vsub.f32 v34, v16  }
0xd2: {  	v21 =	vmin.f32 v21, $1.000000000e+00;
	vm0 =	vlt.f32 v60, v5;
	vm10 =	vlt.f32 v28, v8  }
0xd3: {  	vm0 =	vmand vm0, vm11;
	vm10 =	vmand vm10, vm12;
	v40 =	vmul.f32 v53, v63  }
0xd4: {  	v20 =	vld.idx.msk [tilespmem:v20+s4+$0x0], $0xffff;
	v48 =	vsel vm0, v51, v57;
	v51 =	vadd.f32 v42, v42;
	v63 =	vadd.f32 v15, v10  }
0xd5: {  	v52 =	vsel vm10, v54, v52;
	v54 =	vadd.f32 v43, v43;
	v57 =	vadd.f32 v14, v12  }
0xd6: {  	vm0 =	vlt.f32 v44, v3;
	v17 =	vadd.f32 v19, v13;
	v60 =	vadd.f32 v40, v40  }
0xd7: {  	vm10 =	vlt.u32 v23, $0x65;
	vm0 =	vmand vm0, vm13;
	v22 =	vor.u32 $0x8, v52  }
0xd8: {  	v55 =	vsel vm0, v62, v55;
	v62 =	vsub.f32 $1.000000000e+00, v21;
	v61 =	vsub.f32 v17, v60;
	v17 =	vld [tilespmem:$0x1FEF0]  }
0xd9: {  	v25 =	vadd.s32 v9, v22;
	vm0 =	vlt.f32 v20, v0;
	v20 =	vor.u32 $0x8, v48  }
0xda: {  	v44 =	vsub.f32 v63, v51;
	v63 =	vsub.f32 $1.000000000e+00, v56;
	v24 =	vadd.s32 v4, v20  }
0xdb: {  	v57 =	vsub.f32 v57, v54;
	v29 =	vmul.f32 v62, v21;
	vm0 =	vmand vm0, vm10  }
0xdc: {  	v31 =	vmul.f32 v63, v56;
	v23 =	vsel vm0, v23, v59;
	v59 =	vor.u32 $0x8, v55  }
0xdd: {  	v44 =	vmul.f32 v30, v44;
	v26 =	vadd.s32 v2, v59;
	v18 =	vmul.f32 v39, v17  }
0xde: {  	v57 =	vmul.f32 v29, v57;
	v61 =	vmul.f32 v31, v61;
	v28 =	vadd.s32 $0x4, v23;
	v25 =	vld.idx.msk [tilespmem:v25+s4+$0x0], $0xffff  }
0xdf: {  	v44 =	vadd.f32 v44, v42;
	v27 =	vadd.s32 v50, v28;
	v24 =	vld.idx.msk [tilespmem:v24+s4+$0x0], $0xffff;
	v17 =	vadd.f32 v18, v47  }
0xe0: {  	vm15 =	vlt.u32 v22, $0x65;
	v57 =	vadd.f32 v57, v43  }
0xe1: {  	vm10 =	vlt.f32 v35, v49;
	v61 =	vadd.f32 v61, v40;
	(erf) = vrcp.f32 v44;
	[tilespmem:$0x1FF00] =	vst v17  }
0xe2: {  	v49 =	vsub.f32 v35, v37;
	v44 =	vmul.f32 v44, v44;
	(erf) = vrcp.f32 v57;
	v26 =	vld.idx.msk [tilespmem:v26+s4+$0x0], $0xffff  }
0xe3: {  	vm13 =	vlt.u32 v20, $0x65;
	v37 =	vmul.f32 v57, v57;
	v57 =	vld [tilespmem:$0x1FF10];
	(erf) = vrcp.f32 v61  }
0xe4: {  	(erf) = vrcp.f32 v44;
	vm14 =	vlt.f32 v25, v8;
	vm12 =	vlt.f32 v24, v5;
	v27 =	vld.idx.msk [tilespmem:v27+s4+$0x0], $0xffff  }
0xe5: {  	v25 =	vmul.f32 v46, v15;
	(erf) = vrcp.f32 v37;
	vm12 =	vmand vm12, vm13  }
0xe6: {  	v24 =	vmul.f32 v61, v61;
	v20 =	vsel vm12, v20, v48;
	vm12 =	vmand vm14, vm15  }
0xe7: {  	v22 =	vsel vm12, v22, v52;
	vm12 =	vlt.u32 v59, $0x65;
	vm13 =	vlt.f32 v26, v3  }
0xe8: {  	v25 =	vmul.f32 v25, v46;
	vm0 =	vgt.u32 v57, $0x63;
	vm12 =	vmand vm13, vm12  }
0xe9: {  	v26 =	vsel vm12, v59, v55;
	vm12 =	vlt.f32 v27, v0;
	v27 =	vadd.s32 $0x4, v20  }
0xea: {  	vm11 =	veq.s32 v57, $0x0;
	v33 =	vsel vm0, v39, v33;
	v17 =	vadd.s32 v4, v27  }
0xeb: {  	(erf) = vrcp.f32 v24;
	v24 =	vmul.f32 v46, v42;
	v39 =	vadd.s32 $0x4, v22  }
0xec: {  	vm1 =	vmand vm1, vm11;
	v48 =	vmul.f32 v30, v51;
	v57 =	vadd.s32 v9, v39  }
0xed: {  	v52 =	vmul.f32 v21, v43;
	vm13 =	vlt.u32 v23, $0x61;
	v37 =	vadd.s32 $0x4, v26  }
0xee: {  	v55 =	vmul.f32 v21, v14;
	vm12 =	vmand vm12, vm13;
	v47 =	vadd.s32 v2, v37  }
0xef: {  	v30 =	vmul.f32 v30, v10;
	v59 =	vmul.f32 v56, v40;
	v23 =	vsel vm12, v28, v23;
	v51 =	vld.idx.msk [tilespmem:v17+s4+$0x0], $0xffff  }
0xf0: {  	v61 =	vmovc v0;
	v0 =	vld [tilespmem:$0x1FF20];
	v28 =	vmul.f32 v52, v21;
	v21 =	vmul.f32 v55, v21;
	v55 =	vadd.s32 $0x2, v23  }
0xf1: {  	v24 =	vmul.f32 v24, v46;
	v46 =	vld.idx.msk [tilespmem:v57+s4+$0x0], $0xffff;
	v57 =	vmul.f32 v59, v56;
	v59 =	vadd.s32 v50, v55  }
0xf2: {  	v38 =	vmul.f32 v38, v36;
	v35 =	vsel vm1, v36, v33  }
0xf3: {  	v24 =	vadd.f32 v30, v24;
	vm13 =	vlt.u32 v26, $0x61;
	v52 =	vmul.f32 v32, v10;
	v30 =	vld.idx.msk [tilespmem:v47+s4+$0x0], $0xffff  }
0xf4: {  	vm12 =	vlt.u32 v20, $0x61;
	v17 =	vmul.f32 v56, v19;
	vm11 =	vlt.f32 v51, v5  }
0xf5: {  	v32 =	vmul.f32 v52, v32;
	v52 =	vmul.f32 v63, v13;
	vm11 =	vmand vm11, vm12  }
0xf6: {  	v44 =	vmul.f32 v36, v0;
	v33 =	vmul.f32 v17, v56;
	v20 =	vsel vm11, v27, v20;
	v27 =	vld.idx.msk [tilespmem:v59+s4+$0x0], $0xffff  }
0xf7: {  	v17 =	vmul.f32 v29, v54;
	vm12 =	vlt.f32 v46, v8;
	vm11 =	vlt.u32 v22, $0x61  }
0xf8: {  	v29 =	vmul.f32 v29, v12;
	vm11 =	vmand vm12, vm11;
	vm12 =	vlt.f32 v30, v3  }
0xf9: {  	v56 =	vmovc v4;
	v54 =	vmovc v6;
	v6 =	vld [tilespmem:$0x1FF30];
	v30 =	vadd.s32 $0x2, v20;
	v22 =	vsel vm11, v39, v22;
	vm11 =	vmand vm12, vm13  }
0xfa: {  	v21 =	vadd.f32 v17, v21;
	v26 =	vsel vm11, v37, v26;
	v37 =	vadd.s32 v56, v30  }
0xfb: {  	vm12 =	vlt.u32 v23, $0x63;
	vm11 =	vlt.f32 v27, v61;
	v27 =	vadd.s32 $0x2, v22  }
0xfc: {  	v0 =	vld [tilespmem:$0x1FF40];
	v17 =	vmul.f32 v62, v12;
	v46 =	vadd.s32 v9, v27;
	vm11 =	vmand vm11, vm12  }
0xfd: {  	v28 =	vadd.f32 v29, v28;
	v29 =	vmul.f32 v31, v60;
	v23 =	vsel vm11, v55, v23  }
0xfe: {  	v31 =	vmul.f32 v31, v13;
	v39 =	vmul.f32 v52, v63;
	v52 =	vadd.s32 v6, v23  }
0xff: {  	v38 =	vadd.f32 v38, v41;
	v25 =	vadd.f32 v48, v25;
	v24 =	vmul.f32 v24, v58;
	v51 =	vpop (erf);
	v37 =	vld.idx.msk [tilespmem:v37+s4+$0x0], $0xffff  }
0x100: {  	v31 =	vadd.f32 v31, v57;
	v36 =	vmul.f32 v17, v62;
	v17 =	vpop (erf)  }
0x101: {  	v25 =	vadd.f32 v25, v32;
	v32 =	vmul.f32 v38, v0;
	v24 =	vmul.f32 v17, v24;
	v17 =	vld.idx.msk [tilespmem:v46+s4+$0x0], $0xffff  }
0x102: {  	v29 =	vadd.f32 v29, v33;
	v31 =	vmul.f32 v31, v53;
	v47 =	vadd.s32 $0x2, v26  }
0x103: {  	v33 =	vpop (erf);
	v48 =	vadd.s32 v2, v47;
	v55 =	vmov v3;
	v3 =	vmov v5;
	v52 =	vld.idx.msk [tilespmem:v52+s4+$0x0], $0xffff  }
0x104: {  	v28 =	vmul.f32 v28, v45;
	v45 =	vpop (erf);
	vm12 =	vlt.u32 v20, $0x63;
	vm11 =	vlt.f32 v37, v3  }
0x105: {  	v31 =	vmul.f32 v45, v31;
	v5 =	vmovc v8;
	v46 =	vmul.f32 v42, v42;
	vm11 =	vmand vm11, vm12  }
0x106: {  	v57 =	vmovc v2;
	v2 =	vld [tilespmem:$0x1FF50];
	v41 =	vsel vm11, v30, v20;
	vm11 =	vlt.u32 v22, $0x63;
	vm12 =	vlt.f32 v17, v5  }
0x107: {  	vm14 =	vlt.u32 v23, $0x64;
	v25 =	vmul.f32 v25, v46;
	vm11 =	vmand vm12, vm11  }
0x108: {  	v45 =	vld.idx.msk [tilespmem:v48+s4+$0x0], $0xffff;
	v20 =	vmul.f32 v40, v40;
	v40 =	vsel vm11, v27, v22;
	vm11 =	vlt.f32 v52, v61  }
0x109: {  	v32 =	vmul.f32 v51, v32;
	v22 =	vpop (erf);
	vm11 =	vmand vm11, vm14  }
0x10a: {  	v38 =	vmul.f32 v22, v25;
	v22 =	vsel vm11, $0x1, v1  }
0x10b: {  	v52 =	vadd.f32 v44, v2;
	v0 =	vadd.s32 v22, v23;
	v23 =	vadd.f32 v32, v2;
	v2 =	vld [tilespmem:$0x1FF80]  }
0x10c: {  	v29 =	vadd.f32 v29, v39  }
0x10d: {  	vm13 =	vlt.u32 v26, $0x63;
	vm12 =	vlt.f32 v45, v55  }
0x10e: {  	v53 =	vmov v7;
	v7 =	vld [tilespmem:$0x1FF60];
	v29 =	vmul.f32 v29, v20;
	vm12 =	vmand vm12, vm13;
	v20 =	vpop (erf)  }
0x10f: {  	v39 =	vsel vm12, v47, v26;
	v26 =	vpop (erf)  }
0x110: {  	v37 =	vmul.f32 v26, v29;
	v29 =	vmul.f32 v10, v2;
	v2 =	vld [tilespmem:$0x1FF90];
	_ =	sdelay $0x2  }
0x111: {  	v21 =	vadd.f32 v21, v36;
	v48 =	vmul.f32 v43, v43;
	v25 =	vmul.f32 v15, v7;
	v7 =	vld [tilespmem:$0x1FF70];
	_ =	sdelay $0x1  }
0x112: {  	v21 =	vmul.f32 v21, v48;
	v48 =	vadd.f32 v25, v2;
	v2 =	vld [tilespmem:$0x1FFA0]  }
0x113: {  	v30 =	vadd.s32 v11, v41;
	_ =	sdelay $0x1  }
0x114: {  	v26 =	vmul.f32 v14, v7  }
0x115: {  	v27 =	vadd.s32 v54, v40  }
0x116: {  	v47 =	vadd.f32 v26, v2;
	v2 =	vld [tilespmem:$0x1FFB0]  }
0x117: {  	v36 =	vmul.f32 v20, v21;
	v21 =	vld.idx.msk [tilespmem:v30+s4+$0x0], $0xffff;
	_ =	sdelay $0x2  }
0x118: {  	v17 =	vadd.s32 v53, v39;
	v27 =	vld.idx.msk [tilespmem:v27+s4+$0x0], $0xffff  }
0x119: {  	v46 =	vadd.f32 v24, v2;
	v29 =	vadd.f32 v29, v2;
	v2 =	vld [tilespmem:$0x1FFC0]  }
0x11a: {  	[tilespmem:$0x1FFD0] =	vst v0;
	vm14 =	vlt.f32 v21, v3;
	v21 =	vmax.u32 v0, $0x1;
	v0 =	vld [tilespmem:$0x1FFE0]  }
0x11b: {  	vm4 =	vmand vm4, vm2  }
0x11c: {  	vm3 =	vmand vm9, vm3;
	v28 =	vmul.f32 v33, v28;
	v21 =	vmin.u32 v21, $0x63  }
0x11d: {  	v30 =	vadd.s32 v21, v50;
	vm15 =	vlt.f32 v27, v5;
	v27 =	vadd.s32 v6, v21;
	v21 =	vld.idx.msk [tilespmem:v17+s4+$0x0], $0xffff  }
0x11e: {  	vm7 =	vmand vm10, vm7;
	v25 =	vmul.f32 v19, v49;
	v24 =	vmul.f32 v12, v2  }
0x11f: {  	vm2 =	vlt.u32 v41, $0x64;
	vm13 =	vmmov vm8;
	v32 =	vadd.f32 v28, v0  }
0x120: {  	vm12 =	vmmov vm5;
	v33 =	vadd.f32 v25, v34;
	v25 =	vadd.f32 v24, v0;
	v0 =	vld [tilespmem:$0x1FFF0]  }
0x121: {  	v58 =	vmovc v12;
	vm5 =	vlt.u32 v40, $0x64;
	vm11 =	vmmov vm6;
	vm2 =	vmand vm14, vm2  }
0x122: {  	v4 =	vmovc v10;
	v60 =	vmovc v9;
	vm6 =	vlt.u32 v39, $0x64;
	vm8 =	vlt.f32 v21, v55;
	v21 =	vsel vm2, $0x1, v1  }
0x123: {  	v62 =	vmovc v14;
	v59 =	vmovc v15;
	vm2 =	vmand vm15, vm5;
	v26 =	vadd.f32 v31, v16;
	v24 =	vadd.s32 v21, v41  }
0x124: {  	v63 =	vmovc v19;
	v8 =	vmovc v16;
	v21 =	vsel vm2, $0x1, v1;
	vm2 =	vmand vm8, vm6;
	v31 =	vmax.u32 v24, $0x1  }
0x125: {  	v20 =	vmovc v13;
	[tilespmem:s20+$0x1EA20] =	vst v35;
	v21 =	vadd.s32 v21, v40;
	v28 =	vsel vm2, $0x1, v1;
	v49 =	vmul.f32 v13, v0  }
.LBB2_3:
0x126: {  	v31 =	vmin.u32 v31, $0x63;
	v44 =	vld.idx.msk [tilespmem:v30+s4+$0x0], $0xffff  }
0x127: {  	v34 =	vmax.u32 v21, $0x1;
	v28 =	vadd.s32 v28, v39;
	v35 =	vld.idx.msk [tilespmem:v27+s4+$0x0], $0xffff;
	v39 =	vadd.s32 v31, v56  }
0x128: {  	v0 =	vld [tilespmem:$0x1FEE0];
	v9 =	vmin.u32 v34, $0x63;
	v45 =	vadd.s32 v11, v31  }
0x129: {  	v2 =	vld.idx.msk [tilespmem:v30+s16+$0x0], $0xffff;
	v43 =	vadd.s32 v9, v60  }
0x12a: {  	v17 =	vmax.u32 v28, $0x1;
	v34 =	vld.idx.msk [tilespmem:v27+s16+$0x0], $0xffff;
	v42 =	vadd.s32 v54, v9  }
0x12b: {  	s31 =	sadd.s32 $0x4, s31;
	v19 =	vsel vm13, v63, v37;
	v37 =	vld.idx.msk [tilespmem:v30+s17+$0x0], $0xffff;
	v6 =	vmin.u32 v17, $0x63  }
0x12c: {  	s22 =	smul.u32 $0xAB, s31;
	v41 =	vadd.s32 v6, v57;
	v40 =	vadd.s32 v53, v6;
	v6 =	vadd.f32 v49, v8;
	v8 =	vld.idx.msk [tilespmem:v39+s4+$0x0], $0xffff  }
0x12d: {  	vm9 =	veq.s32 v24, $0x0;
	vm5 =	vgt.u32 v24, $0x63;
	s24 =	sor.u32 $0x1, s31;
	s23 =	sor.u32 $0x2, s31;
	v15 =	vld.idx.msk [tilespmem:v45+s4+$0x0], $0xffff  }
0x12e: {  	vm10 =	veq.s32 v21, $0x0;
	s1 =	sor.u32 $0x3, s31;
	vm8 =	veq.s32 v28, $0x0;
	vm2 =	vgt.u32 v28, $0x63;
	s26 =	sand.u32 $0xFF, s24;
	s22 =	sshrl.u32 s22, $0x8;
	v28 =	vld.idx.msk [tilespmem:v43+s4+$0x0], $0xffff  }
0x12f: {  	vm6 =	vgt.u32 v21, $0x63;
	v10 =	vsel vm12, v59, v38;
	v21 =	vsel vm11, v47, v32;
	s12 =	sand.u32 $0xFF, s1;
	s26 =	smul.u32 $0xAB, s26;
	s22 =	sand.u32 $0xF0, s22;
	v31 =	vld.idx.msk [tilespmem:v42+s4+$0x0], $0xffff  }
0x130: {  	v24 =	vsel vm13, v33, v26;
	v12 =	vsel vm3, v25, v21;
	s28 =	sand.u32 $0xFF, s23;
	v17 =	vsel vm11, v62, v36;
	s12 =	smul.u32 $0xAB, s12;
	v7 =	vld.idx.msk [tilespmem:v0+s22+$0x0 ss:$0x1], $0xffff  }
0x131: {  	v9 =	vsel vm12, v48, v46;
	s28 =	smul.u32 $0xAB, s28;
	v13 =	vsel vm3, v58, v17;
	s21 =	sshrl.u32 s22, $0x4;
	v11 =	vsub.f32 v35, v44;
	[tilespmem:s9+$0x1DE20] =	vst v12;
	v0 =	vld [tilespmem:$0x1FF00]  }
0x132: {  	v10 =	vsel vm4, v4, v10;
	v9 =	vsel vm4, v29, v9;
	s12 =	sshrl.u32 s12, $0xC;
	s21 =	smul.u32 $0x18, s21;
	[tilespmem:s9+$0x1EA20] =	vst v13;
	v18 =	vld.idx.msk [tilespmem:v41+s4+$0x0], $0xffff  }
0x133: {  	v14 =	vsel vm7, v20, v19;
	s26 =	sshrl.u32 s26, $0xC;
	v16 =	vsub.f32 v61, v35;
	s12 =	smul.u32 $0x18, s12;
	(erf) = vrcp.f32 v11;
	v29 =	vld.idx.msk [tilespmem:v40+s4+$0x0], $0xffff;
	[tilespmem:s10+$0x1DE20] =	vst v9  }
0x134: {  	s28 =	sshrl.u32 s28, $0xC;
	v26 =	vsel vm7, v6, v24;
	v56 =	vsub.f32 v61, v44;
	s26 =	smul.u32 $0x18, s26;
	s21 =	ssub.s32 s31, s21;
	[tilespmem:s10+$0x1EA20] =	vst v10;
	v35 =	vld.idx.msk [tilespmem:v43+s16+$0x0], $0xffff  }
0x135: {  	s28 =	smul.u32 $0x18, s28;
	s1 =	ssub.s32 s1, s12;
	[tilespmem:s8+$0x1DE20] =	vst v26;
	v20 =	vld.idx.msk [tilespmem:v43+s17+$0x0], $0xffff;
	s21 =	sand.u32 $0xFF, s21;
	vm3 =	vlt.f32 v3, v8;
	v22 =	vsub.f32 v15, v8  }
0x136: {  	s26 =	ssub.s32 s24, s26;
	s24 =	sand.u32 $0xFF, s1;
	v21 =	vld.idx.msk [tilespmem:v45+s16+$0x0], $0xffff;
	s12 =	smul.u32 $0x64, s21;
	v9 =	vsub.f32 v5, v28;
	vm7 =	vlt.f32 v5, v28;
	v11 =	vsel vm0, v0, v23  }
0x137: {  	[tilespmem:s8+$0x1EA20] =	vst v14;
	s1 =	sand.u32 $0xFF, s26;
	v26 =	vld.idx.msk [tilespmem:v39+s17+$0x0], $0xffff;
	s26 =	smul.u32 $0x64, s24;
	v49 =	vmul.u32 $0x960, v7;
	v7 =	vsub.f32 v3, v8;
	(erf) = vrcp.f32 v22  }
0x138: {  	s23 =	ssub.s32 s23, s28;
	v25 =	vld.idx.msk [tilespmem:v41+s17+$0x0], $0xffff;
	s28 =	smul.u32 $0x64, s1;
	v22 =	vsub.f32 v29, v18;
	vm11 =	vlt.f32 v55, v18;
	v19 =	vsel vm1, v52, v11  }
0x139: {  	s10 =	smov.u32 s13;
	s21 =	sshll.u32 s21, $0x6;
	v52 =	vld.idx.msk [tilespmem:v27+s17+$0x0], $0xffff;
	v27 =	vsub.f32 v31, v28;
	v11 =	vsub.f32 v55, v18;
	v38 =	vadd.s32 s12, v49  }
0x13a: {  	s23 =	sand.u32 $0xFF, s23;
	s1 =	sshll.u32 s1, $0x6;
	s21 =	sor.u32 s22, s21;
	v8 =	vld.idx.msk [tilespmem:v39+s16+$0x0], $0xffff;
	v6 =	vadd.s32 s26, v49;
	v4 =	vadd.s32 s28, v49;
	v50 =	vadd.s32 $0x3F, v38  }
0x13b: {  	s1 =	sadd.s32 s22, s1;
	s13 =	smov.u32 s21;
	v23 =	vld.idx.msk [tilespmem:v42+s16+$0x0], $0xffff;
	s12 =	smul.u32 $0x64, s23;
	v59 =	vadd.s32 $0x3F, v6;
	v36 =	vadd.s32 $0xFFFFFFFF, v38;
	v60 =	vadd.s32 $0x3F, v4  }
0x13c: {  	s9 =	smov.u32 s29;
	s29 =	smov.u32 s1;
	v63 =	vld [tilespmem:s13+$0x1D220];
	[tilespmem:$0x1FE20] =	vst v4;
	v30 =	vadd.s32 $0xFFFFFFFF, v4;
	v28 =	vpop (erf);
	v4 =	vsub.f32 v34, v2;
	(erf) = vrcp.f32 v27  }
0x13d: {  	v10 =	vmovc v2;
	v57 =	vld [tilespmem:s29+$0x1D220];
	s28 =	sshll.u32 s24, $0x6;
	v2 =	vmovc v61;
	v0 =	vadd.s32 s12, v49;
	v58 =	vmul.f32 v28, v56;
	(erf) = vrcp.f32 v22  }
0x13e: {  	[tilespmem:s20+$0x1DE20] =	vst v19;
	s20 =	smov.u32 s11;
	s11 =	sadd.s32 s22, s28;
	v27 =	vld.idx.msk [tilespmem:v42+s17+$0x0], $0xffff;
	v22 =	vmul.f32 v37, v56;
	vm12 =	vlt.f32 v2, v44;
	v62 =	vadd.s32 $0x3F, v0  }
0x13f: {  	v53 =	vld [tilespmem:s11+$0x1D220];
	[tilespmem:$0x1FE30] =	vst v0;
	v24 =	vadd.s32 $0xFFFFFFFF, v0;
	v0 =	vsub.f32 v3, v15;
	v47 =	vmul.f32 v4, v28  }
0x140: {  	v39 =	vsub.f32 v21, v8;
	v42 =	vsub.f32 v23, v35;
	v3 =	vmax.f32 v58, $0.0e+00;
	v19 =	vld.idx.msk [tilespmem:v59+s4+$0x0], $0xffff  }
0x141: {  	v28 =	vadd.f32 v52, v37;
	[tilespmem:$0x1FE50] =	vst v0;
	v0 =	vsub.f32 v5, v31;
	v48 =	vmin.f32 v3, $1.000000000e+00;
	v59 =	vld.idx.msk [tilespmem:v50+s4+$0x0], $0xffff  }
0x142: {  	[tilespmem:$0x1FE00] =	vst v4;
	v12 =	vld.idx.msk [tilespmem:v60+s4+$0x0], $0xffff;
	v49 =	vsub.f32 $1.000000000e+00, v48;
	v50 =	vadd.f32 v47, v47;
	v60 =	vmul.f32 v48, v47  }
0x143: {  	v31 =	vadd.s32 $0xFFFFFFFF, v6;
	[tilespmem:$0x1FE60] =	vst v0;
	v0 =	vsub.f32 v55, v29;
	v54 =	vpop (erf);
	v13 =	vld.idx.msk [tilespmem:v62+s4+$0x0], $0xffff;
	v62 =	vmul.f32 v52, v16  }
0x144: {  	s23 =	sshll.u32 s23, $0x6;
	v4 =	vmovc v63;
	v46 =	vmul.f32 v49, v48;
	v63 =	vsub.f32 v28, v50;
	v17 =	vmul.f32 v54, v7  }
0x145: {  	s23 =	sor.u32 s22, s23;
	v32 =	vmul.f32 v60, v48;
	v43 =	vmul.f32 v39, v54;
	[tilespmem:$0x1FE80] =	vst v0;
	v0 =	vadd.f32 v62, v34  }
0x146: {  	s8 =	smov.u32 s15;
	s15 =	smov.u32 s23;
	[tilespmem:$0x1FE40] =	vst v8;
	v5 =	vmovc v57;
	v33 =	vmul.f32 v46, v63;
	v8 =	vmax.f32 v17, $0.0e+00;
	vm0 =	vlt.f32 v19, v53  }
0x147: {  	v3 =	vld [tilespmem:s15+$0x1D220];
	v56 =	vpop (erf);
	vm1 =	vlt.f32 v12, v5;
	v19 =	vmul.f32 v48, v52;
	v51 =	vsel vm0, $0x40, v1  }
0x148: {  	[tilespmem:$0x1FE70] =	vst v7;
	v29 =	vld.idx.msk [tilespmem:v41+s16+$0x0], $0xffff;
	v7 =	vmul.f32 v56, v9;
	v41 =	vmul.f32 v42, v56;
	v55 =	vor.u32 $0x20, v51  }
0x149: {  	v56 =	vadd.f32 v43, v43;
	vm0 =	vlt.f32 v59, v4;
	v34 =	vadd.s32 v31, v55  }
0x14a: {  	v58 =	vadd.f32 v33, v47;
	v61 =	vsel vm1, $0x40, v1;
	v33 =	vmul.f32 v46, v50  }
0x14b: {  	[tilespmem:$0x1FE90] =	vst v9;
	v12 =	vld.idx.msk [tilespmem:v40+s16+$0x0], $0xffff;
	v46 =	vmul.f32 v46, v37;
	v57 =	vsel vm0, $0x40, v1;
	v63 =	vor.u32 $0x20, v61  }
0x14c: {  	v9 =	vld [tilespmem:$0x1FFD0];
	[tilespmem:$0x1FF00] =	vst v0;
	v60 =	vor.u32 $0x20, v57;
	v14 =	vmul.f32 v58, v58;
	v0 =	vadd.s32 v30, v63  }
0x14d: {  	v59 =	vpop (erf);
	vm0 =	vlt.f32 v13, v3;
	v48 =	vmul.f32 v19, v48;
	v13 =	vadd.s32 v36, v60  }
0x14e: {  	[tilespmem:$0x1FE10] =	vst v6;
	v16 =	vmul.f32 v59, v11;
	v62 =	vsel vm0, $0x40, v1;
	(erf) = vrcp.f32 v14;
	v6 =	vld.idx.msk [tilespmem:v34+s4+$0x0], $0xffff  }
0x14f: {  	[tilespmem:$0x1FEC0] =	vst v23;
	v23 =	vld.idx.msk [tilespmem:v40+s17+$0x0], $0xffff;
	v7 =	vmax.f32 v7, $0.0e+00;
	v1 =	vor.u32 $0x20, v62;
	v33 =	vadd.f32 v33, v48  }
0x150: {  	v28 =	vld.idx.msk [tilespmem:v45+s17+$0x0], $0xffff;
	v16 =	vmax.f32 v16, $0.0e+00;
	v18 =	vadd.s32 v24, v1;
	v34 =	vmul.f32 v49, v37  }
0x151: {  	v40 =	vsub.f32 v12, v29;
	v50 =	vmin.f32 v16, $1.000000000e+00;
	vm1 =	veq.s32 v9, $0x0;
	v0 =	vld.idx.msk [tilespmem:v0+s4+$0x0], $0xffff  }
0x152: {  	[tilespmem:$0x1FEB0] =	vst v21;
	vm1 =	vmand vm12, vm1;
	v21 =	vsub.f32 $1.000000000e+00, v50;
	v15 =	vld.idx.msk [tilespmem:v13+s4+$0x0], $0xffff;
	v34 =	vmul.f32 v34, v49  }
0x153: {  	v45 =	vmul.f32 v40, v59;
	v49 =	vmin.f32 v7, $1.000000000e+00;
	vm0 =	vlt.f32 v6, v53  }
0x154: {  	[tilespmem:$0x1FED0] =	vst v12;
	v12 =	vadd.f32 v33, v34;
	v6 =	vmul.f32 v47, v47;
	v54 =	vsel vm0, v55, v51  }
0x155: {  	v33 =	vadd.f32 v28, v26;
	v51 =	vmin.f32 v8, $1.000000000e+00;
	v8 =	vor.u32 $0x10, v54  }
0x156: {  	v18 =	vld.idx.msk [tilespmem:v18+s4+$0x0], $0xffff;
	v34 =	vadd.f32 v23, v25;
	v6 =	vmul.f32 v12, v6;
	v7 =	vadd.s32 v31, v8  }
0x157: {  	v47 =	vsub.f32 $1.000000000e+00, v49;
	vm13 =	vlt.f32 v0, v5;
	v13 =	vpop (erf);
	vm4 =	vlt.f32 v15, v4  }
0x158: {  	vm0 =	vgt.u32 v9, $0x63;
	v16 =	vsel vm13, v63, v61;
	v6 =	vmul.f32 v13, v6  }
0x159: {  	v61 =	vadd.f32 v45, v45;
	(erf) = vrcp.f32 v58;
	v48 =	vsub.f32 $1.000000000e+00, v51  }
0x15a: {  	v12 =	vsub.f32 v33, v56;
	v0 =	vsel vm0, v52, v6;
	v6 =	vsel vm4, v60, v57  }
0x15b: {  	vm4 =	vlt.f32 v18, v3;
	v0 =	vsel vm1, v37, v0;
	v15 =	vor.u32 $0x10, v6;
	v7 =	vld.idx.msk [tilespmem:v7+s4+$0x0], $0xffff  }
0x15c: {  	v18 =	vor.u32 $0x10, v16;
	v1 =	vsel vm4, v1, v62;
	[tilespmem:s20+$0x1EA20] =	vst v0;
	v0 =	vadd.s32 v36, v15  }
0x15d: {  	v33 =	vadd.f32 v22, v10;
	v14 =	vadd.s32 v30, v18;
	v44 =	vor.u32 $0x10, v1  }
0x15e: {  	[tilespmem:$0x1FEA0] =	vst v11;
	vm15 =	vlt.u32 v8, $0x65;
	v55 =	vmul.f32 v48, v51;
	v17 =	vadd.s32 v24, v44  }
0x15f: {  	v11 =	vmovc v53;
	v63 =	vsub.f32 v34, v61;
	v57 =	vadd.f32 v41, v41;
	v60 =	vmul.f32 v47, v49  }
0x160: {  	v9 =	vmul.f32 v55, v26;
	v62 =	vmul.f32 v21, v50;
	vm14 =	vlt.f32 v7, v11  }
0x161: {  	vm12 =	vlt.u32 v18, $0x65;
	vm13 =	vlt.u32 v15, $0x65;
	v0 =	vld.idx.msk [tilespmem:v0+s4+$0x0], $0xffff;
	vm14 =	vmand vm14, vm15  }
0x162: {  	v63 =	vmul.f32 v62, v63;
	v52 =	vld.idx.msk [tilespmem:v14+s4+$0x0], $0xffff;
	v7 =	vadd.f32 v27, v20;
	v8 =	vsel vm14, v8, v54  }
0x163: {  	v34 =	vmovc v10;
	v10 =	vmul.f32 v62, v25;
	v61 =	vmul.f32 v62, v61;
	v53 =	vld.idx.msk [tilespmem:v17+s4+$0x0], $0xffff;
	v59 =	vor.u32 $0x8, v8  }
0x164: {  	v17 =	vmul.f32 v51, v43;
	v7 =	vsub.f32 v7, v57;
	v58 =	vadd.s32 v31, v59  }
0x165: {  	vm4 =	vlt.u32 v44, $0x65;
	v54 =	vmul.f32 v55, v12;
	v12 =	vmul.f32 v50, v45  }
0x166: {  	v17 =	vmul.f32 v17, v51;
	v7 =	vmul.f32 v60, v7;
	vm14 =	vlt.f32 v0, v4  }
0x167: {  	v0 =	vadd.f32 v54, v43;
	vm13 =	vmand vm14, vm13;
	vm14 =	vlt.f32 v52, v5  }
0x168: {  	v6 =	vsel vm13, v15, v6;
	vm12 =	vmand vm14, vm12;
	vm13 =	vlt.f32 v53, v3  }
0x169: {  	v15 =	vor.u32 $0x8, v6;
	v16 =	vsel vm12, v18, v16;
	vm4 =	vmand vm13, vm4;
	v18 =	vld.idx.msk [tilespmem:v58+s4+$0x0], $0xffff  }
0x16a: {  	v13 =	vadd.s32 v36, v15;
	v54 =	vor.u32 $0x8, v16;
	v1 =	vsel vm4, v44, v1  }
0x16b: {  	v52 =	vadd.f32 v63, v45;
	v14 =	vadd.s32 v30, v54;
	v63 =	vor.u32 $0x8, v1  }
0x16c: {  	v12 =	vmul.f32 v12, v50;
	v7 =	vadd.f32 v7, v41;
	v22 =	vadd.s32 v24, v63  }
0x16d: {  	v19 =	vmul.f32 v0, v0;
	v44 =	vpop (erf);
	vm4 =	vmand vm3, vm9;
	(erf) = vrcp.f32 v0  }
0x16e: {  	vm3 =	vmand vm7, vm10;
	vm9 =	vlt.u32 v59, $0x65;
	vm7 =	vlt.f32 v18, v11  }
0x16f: {  	v0 =	vmul.f32 v7, v7;
	(erf) = vrcp.f32 v7;
	v7 =	vld.idx.msk [tilespmem:v13+s4+$0x0], $0xffff;
	vm7 =	vmand vm7, vm9  }
0x170: {  	v9 =	vadd.f32 v9, v17;
	v17 =	vmul.f32 v21, v25;
	v18 =	vld.idx.msk [tilespmem:v14+s4+$0x0], $0xffff;
	v8 =	vsel vm7, v59, v8  }
0x171: {  	vm14 =	vlt.u32 v15, $0x65;
	v58 =	vmul.f32 v49, v41;
	v22 =	vld.idx.msk [tilespmem:v22+s4+$0x0], $0xffff;
	v2 =	vadd.s32 $0x4, v8  }
0x172: {  	vm13 =	vlt.u32 v54, $0x65;
	(erf) = vrcp.f32 v52;
	v14 =	vadd.s32 v31, v2  }
0x173: {  	vm12 =	vlt.u32 v63, $0x65;
	(erf) = vrcp.f32 v19;
	v19 =	vmul.f32 v55, v56  }
0x174: {  	(erf) = vrcp.f32 v0;
	vm7 =	vmand vm11, vm8;
	vm8 =	vlt.f32 v7, v4  }
0x175: {  	v0 =	vmul.f32 v60, v20;
	vm8 =	vmand vm8, vm14;
	vm9 =	vlt.f32 v18, v5  }
0x176: {  	v6 =	vsel vm8, v15, v6;
	vm8 =	vmand vm9, vm13;
	vm9 =	vlt.f32 v22, v3  }
0x177: {  	v22 =	vadd.s32 $0x4, v6;
	v16 =	vsel vm8, v54, v16;
	vm8 =	vmand vm9, vm12;
	v14 =	vld.idx.msk [tilespmem:v14+s4+$0x0], $0xffff  }
0x178: {  	v55 =	vadd.s32 v36, v22;
	v56 =	vadd.s32 $0x4, v16;
	v1 =	vsel vm8, v63, v1  }
0x179: {  	v7 =	vmul.f32 v60, v57;
	v57 =	vadd.s32 v30, v56;
	v60 =	vadd.s32 $0x4, v1  }
0x17a: {  	v53 =	vmul.f32 v51, v28;
	v17 =	vmul.f32 v17, v21;
	v63 =	vadd.s32 v24, v60  }
0x17b: {  	v58 =	vmul.f32 v58, v49;
	v13 =	vmul.f32 v50, v23;
	vm11 =	vmmov vm6  }
0x17c: {  	vm6 =	vlt.u32 v8, $0x61;
	vm12 =	vmmov vm5;
	vm5 =	vlt.f32 v14, v11  }
0x17d: {  	v0 =	vadd.f32 v0, v58;
	v59 =	vmul.f32 v49, v27;
	v55 =	vld.idx.msk [tilespmem:v55+s4+$0x0], $0xffff;
	vm5 =	vmand vm5, vm6  }
0x17e: {  	v13 =	vmul.f32 v13, v50;
	v14 =	vmul.f32 v53, v51;
	v53 =	vld.idx.msk [tilespmem:v57+s4+$0x0], $0xffff;
	v2 =	vsel vm5, v2, v8  }
0x17f: {  	vm10 =	vlt.u32 v6, $0x61;
	v62 =	vld.idx.msk [tilespmem:v63+s4+$0x0], $0xffff;
	v8 =	vmul.f32 v59, v49;
	v59 =	vadd.s32 $0x2, v2  }
0x180: {  	vm9 =	vlt.u32 v16, $0x61;
	vm8 =	vlt.u32 v1, $0x61;
	v50 =	vadd.s32 v31, v59  }
0x181: {  	v57 =	vmul.f32 v48, v26;
	v49 =	vmul.f32 v47, v20;
	v14 =	vadd.f32 v19, v14  }
0x182: {  	v58 =	vmovc v20;
	v20 =	vadd.f32 v46, v32;
	v7 =	vadd.f32 v7, v8;
	vm5 =	vlt.f32 v55, v4  }
0x183: {  	v21 =	vld [tilespmem:$0x1FE00];
	v8 =	vadd.f32 v10, v12;
	vm5 =	vmand vm5, vm10;
	vm6 =	vlt.f32 v53, v5  }
0x184: {  	v6 =	vsel vm5, v22, v6;
	vm5 =	vmand vm6, vm9;
	vm6 =	vlt.f32 v62, v3  }
0x185: {  	v10 =	vadd.f32 v61, v13;
	v13 =	vsel vm5, v56, v16;
	vm5 =	vmand vm6, vm8;
	v16 =	vld.idx.msk [tilespmem:v50+s4+$0x0], $0xffff  }
0x186: {  	v19 =	vmul.f32 v57, v48;
	v61 =	vmovc v11;
	v12 =	vadd.s32 $0x2, v6;
	v1 =	vsel vm5, v60, v1  }
0x187: {  	v11 =	vmovc v38;
	v57 =	vmovc v24;
	v22 =	vadd.s32 v36, v12;
	v48 =	vadd.s32 $0x2, v13;
	v53 =	vadd.s32 $0x2, v1  }
0x188: {  	v56 =	vmovc v36;
	v36 =	vadd.s32 v30, v48;
	v38 =	vadd.s32 v24, v53;
	v24 =	vmul.f32 v20, v21;
	v21 =	vld [tilespmem:$0x1FE10]  }
0x189: {  	v9 =	vmul.f32 v9, v39  }
0x18a: {  	v52 =	vmul.f32 v52, v52;
	v18 =	vpop (erf);
	vm10 =	vlt.u32 v2, $0x63;
	vm9 =	vlt.f32 v16, v61  }
0x18b: {  	v9 =	vmul.f32 v18, v9;
	v18 =	vld [tilespmem:$0x1FE60];
	v47 =	vmul.f32 v49, v47;
	vm9 =	vmand vm9, vm10  }
0x18c: {  	v14 =	vadd.f32 v14, v19;
	v19 =	vld.idx.msk [tilespmem:v22+s4+$0x0], $0xffff;
	v22 =	vmul.f32 v43, v43;
	v2 =	vsel vm9, v59, v2  }
0x18d: {  	(erf) = vrcp.f32 v52;
	v15 =	vpop (erf);
	v8 =	vmul.f32 v8, v40;
	v32 =	vld.idx.msk [tilespmem:v36+s4+$0x0], $0xffff;
	v46 =	vadd.s32 v21, v2  }
0x18e: {  	v54 =	vpop (erf);
	v7 =	vadd.f32 v7, v47;
	v47 =	vmul.f32 v41, v41;
	v14 =	vmul.f32 v14, v22;
	v22 =	vld [tilespmem:$0x1FE40]  }
0x18f: {  	v0 =	vmul.f32 v0, v42;
	v52 =	vpop (erf);
	v49 =	vmul.f32 v45, v45;
	v10 =	vadd.f32 v10, v17;
	v42 =	vld.idx.msk [tilespmem:v38+s4+$0x0], $0xffff  }
0x190: {  	vm13 =	vmmov vm2;
	v37 =	vpop (erf);
	v8 =	vmul.f32 v54, v8;
	v54 =	vld [tilespmem:$0x1FE20];
	v7 =	vmul.f32 v7, v47  }
0x191: {  	v55 =	vmovc v3;
	v3 =	vmovc v4;
	vm8 =	vlt.u32 v6, $0x63;
	v10 =	vmul.f32 v10, v49;
	v49 =	vld [tilespmem:$0x1FEA0];
	vm6 =	vlt.u32 v13, $0x63  }
0x192: {  	vm5 =	vlt.u32 v1, $0x63;
	v36 =	vmul.f32 v37, v7;
	vm2 =	vlt.f32 v19, v3;
	v50 =	vld.idx.msk [tilespmem:v46+s4+$0x0], $0xffff  }
0x193: {  	vm2 =	vmand vm2, vm8;
	vm8 =	vlt.f32 v32, v5;
	v46 =	vadd.f32 v9, v22;
	v9 =	vld [tilespmem:$0x1FE50]  }
0x194: {  	v7 =	vld [tilespmem:$0x1FEB0];
	v6 =	vsel vm2, v12, v6;
	vm2 =	vmand vm8, vm6;
	vm6 =	vlt.f32 v42, v55  }
0x195: {  	v13 =	vsel vm2, v48, v13;
	vm2 =	vmand vm6, vm5;
	v48 =	vld [tilespmem:$0x1FE90]  }
0x196: {  	v39 =	vsel vm2, v53, v1;
	v53 =	vld [tilespmem:$0x1FE30];
	_ =	sdelay $0x1  }
0x197: {  	v0 =	vmul.f32 v15, v0;
	v42 =	vadd.s32 v11, v6;
	v9 =	vmul.f32 v28, v9  }
0x198: {  	v18 =	vmul.f32 v27, v18;
	v15 =	vmul.f32 v44, v24;
	v19 =	vld [tilespmem:$0x1FE70];
	v43 =	vadd.s32 v54, v13  }
0x199: {  	v51 =	vpop (erf);
	v49 =	vmul.f32 v25, v49;
	v12 =	vmul.f32 v58, v48;
	v48 =	vadd.f32 v9, v7;
	v7 =	vld [tilespmem:$0x1FEC0]  }
0x19a: {  	v37 =	vmul.f32 v51, v10;
	v32 =	vadd.f32 v0, v35;
	v0 =	vld [tilespmem:$0x1FE80];
	v1 =	vadd.s32 v53, v39  }
0x19b: {  	vm9 =	vlt.u32 v2, $0x64;
	v38 =	vmul.f32 v52, v14;
	vm8 =	vlt.f32 v50, v61  }
0x19c: {  	vm6 =	vlt.u32 v6, $0x64;
	v16 =	vld.idx.msk [tilespmem:v42+s4+$0x0], $0xffff;
	v50 =	vimm.s32 $0x0;
	vm8 =	vmand vm8, vm9  }
0x19d: {  	v63 =	vmovc v23;
	vm5 =	vlt.u32 v13, $0x64;
	vm2 =	vlt.u32 v39, $0x64;
	v17 =	vld.idx.msk [tilespmem:v43+s4+$0x0], $0xffff;
	v14 =	vsel vm8, $0x1, v50  }
0x19e: {  	v4 =	vmovc v26;
	v19 =	vmul.f32 v26, v19;
	v2 =	vadd.s32 v14, v2;
	v47 =	vadd.f32 v18, v7;
	v7 =	vld [tilespmem:$0x1FED0]  }
0x19f: {  	v26 =	vadd.f32 v8, v29;
	v0 =	vmul.f32 v23, v0;
	[tilespmem:$0x1FFD0] =	vst v2;
	v2 =	vmax.u32 v2, $0x1;
	v1 =	vld.idx.msk [tilespmem:v1+s4+$0x0], $0xffff  }
0x1a0: {  	v60 =	vmovc v30;
	v8 =	vmovc v29;
	v23 =	vadd.f32 v15, v34;
	v29 =	vadd.f32 v19, v22;
	v2 =	vmin.u32 v2, $0x63  }
0x1a1: {  	p0 =	slt.u32 s31, $0x5C;
	v20 =	vmovc v25;
	v25 =	vadd.f32 v12, v35;
	vm8 =	vlt.f32 v16, v3;
	v30 =	vadd.s32 v2, v31  }
.Ltmp0:
0x1a2: {  	v62 =	vmovc v27;
	vm6 =	vmand vm8, vm6;
	vm8 =	vlt.f32 v17, v5;
	v27 =	vadd.s32 v21, v2;
	(pc) =	sbr.rel @p0 .LBB2_3-.Ltmp0, $4  }
0x1a3: {  	v52 =	vmovc v33;
	vm5 =	vmand vm8, vm5;
	v33 =	vadd.f32 v0, v7;
	v0 =	vimm.s32 $0x0  }
0x1a4: {  	v0 =	vsel vm6, $0x1, v0;
	vm6 =	vlt.f32 v1, v55;
	v1 =	vimm.s32 $0x0  }
0x1a5: {  	v24 =	vadd.s32 v0, v6;
	v0 =	vsel vm5, $0x1, v1;
	vm2 =	vmand vm6, vm2  }
0x1a6: {  	v59 =	vmovc v28;
	v31 =	vmax.u32 v24, $0x1;
	v21 =	vadd.s32 v0, v13;
	v28 =	vsel vm2, $0x1, v1  }
0x1a7: {  	_ =	sdelay $0x3  }
0x1a8: {  	v0 =	vld.idx.msk [tilespmem:v30+s4+$0x0], $0xffff  }
0x1a9: {  	v2 =	vld.idx.msk [tilespmem:v27+s4+$0x0], $0xffff;
	_ =	sdelay $0x2  }
0x1aa: {  	v1 =	vmin.u32 v31, $0x63  }
0x1ab: {  	v12 =	vadd.s32 v1, v56  }
0x1ac: {  	v6 =	vmax.u32 v21, $0x1;
	v13 =	vadd.s32 v11, v1;
	v1 =	vsub.f32 v2, v0  }
0x1ad: {  	v7 =	vadd.s32 v28, v39;
	v6 =	vmin.u32 v6, $0x63  }
0x1ae: {  	v14 =	vadd.s32 v6, v60;
	(erf) = vrcp.f32 v1;
	v1 =	vmax.u32 v7, $0x1  }
0x1af: {  	v22 =	vadd.s32 v54, v6;
	v6 =	vmin.u32 v1, $0x63;
	v1 =	vld.idx.msk [tilespmem:v30+s16+$0x0], $0xffff  }
0x1b0: {  	v11 =	vld.idx.msk [tilespmem:v12+s4+$0x0], $0xffff  }
0x1b1: {  	v35 =	vld.idx.msk [tilespmem:v13+s4+$0x0], $0xffff  }
0x1b2: {  	v15 =	vsel vm12, v59, v38  }
0x1b3: {  	v28 =	vsel vm13, v33, v26;
	v39 =	vld.idx.msk [tilespmem:v14+s4+$0x0], $0xffff;
	v40 =	vadd.s32 v6, v57;
	v57 =	vsel vm13, v63, v37  }
0x1b4: {  	v26 =	vsel vm4, v4, v15;
	v41 =	vadd.s32 v53, v6;
	v15 =	vsel vm7, v20, v57;
	v20 =	vld [tilespmem:$0x1FFD0];
	[tilespmem:$0x1FDF0] =	vst v1  }
0x1b5: {  	vm8 =	veq.s32 v24, $0x0;
	v34 =	vld.idx.msk [tilespmem:v27+s16+$0x0], $0xffff  }
0x1b6: {  	vm10 =	veq.s32 v7, $0x0;
	vm2 =	vgt.u32 v7, $0x63;
	v7 =	vsub.f32 v35, v11;
	v42 =	vld.idx.msk [tilespmem:v22+s4+$0x0], $0xffff  }
0x1b7: {  	vm6 =	vgt.u32 v24, $0x63;
	v8 =	vadd.f32 v49, v8;
	vm9 =	veq.s32 v21, $0x0;
	v31 =	vld.idx.msk [tilespmem:v27+s17+$0x0], $0xffff  }
0x1b8: {  	vm5 =	vgt.u32 v21, $0x63;
	v18 =	vsel vm11, v47, v32;
	(erf) = vrcp.f32 v7;
	v44 =	vld.idx.msk [tilespmem:v40+s4+$0x0], $0xffff  }
0x1b9: {  	v19 =	vsel vm11, v62, v36;
	v24 =	vsel vm3, v25, v18;
	v43 =	vsub.f32 v61, v0;
	v45 =	vld.idx.msk [tilespmem:v41+s4+$0x0], $0xffff  }
0x1ba: {  	v18 =	vsel vm7, v8, v28;
	v2 =	vsub.f32 v61, v2;
	v28 =	vsub.f32 v3, v11;
	v30 =	vld.idx.msk [tilespmem:v30+s17+$0x0], $0xffff;
	v6 =	vpop (erf)  }
0x1bb: {  	v7 =	vsel vm12, v48, v46;
	v9 =	vmul.f32 v6, v43;
	v16 =	vsub.f32 v34, v1;
	v1 =	vld [tilespmem:$0x1FF00]  }
0x1bc: {  	v27 =	vsel vm4, v29, v7;
	vm4 =	vlt.f32 v5, v39;
	vm7 =	veq.s32 v20, $0x0  }
0x1bd: {  	v7 =	vld.idx.msk [tilespmem:v14+s16+$0x0], $0xffff;
	v49 =	vmul.f32 v16, v6;
	v6 =	vmax.f32 v9, $0.0e+00;
	v9 =	vsub.f32 v42, v39  }
0x1be: {  	v8 =	vld.idx.msk [tilespmem:v40+s16+$0x0], $0xffff;
	v10 =	vsub.f32 v45, v44;
	v2 =	vmul.f32 v31, v2;
	v50 =	vmin.f32 v6, $1.000000000e+00  }
0x1bf: {  	v6 =	vadd.f32 v31, v30;
	v51 =	vsub.f32 $1.000000000e+00, v50;
	(erf) = vrcp.f32 v9;
	v9 =	vld.idx.msk [tilespmem:v13+s16+$0x0], $0xffff  }
0x1c0: {  	v21 =	vadd.f32 v49, v49;
	(erf) = vrcp.f32 v10;
	v29 =	vsel vm0, v1, v23;
	v10 =	vld.idx.msk [tilespmem:v22+s16+$0x0], $0xffff  }
0x1c1: {  	v32 =	vpop (erf);
	v23 =	vsel vm3, v58, v19;
	vm3 =	vlt.f32 v3, v11;
	v11 =	vld.idx.msk [tilespmem:v41+s16+$0x0], $0xffff;
	v58 =	vmul.f32 v50, v31  }
0x1c2: {  	v59 =	vmul.f32 v32, v28;
	v38 =	vmul.f32 v51, v50;
	v17 =	vsub.f32 v6, v21;
	v6 =	vld.idx.msk [tilespmem:v12+s16+$0x0], $0xffff  }
0x1c3: {  	v25 =	vsub.f32 v55, v44;
	v12 =	vld.idx.msk [tilespmem:v12+s17+$0x0], $0xffff;
	v36 =	vmul.f32 v58, v50;
	v58 =	vmul.f32 v51, v30  }
0x1c4: {  	v46 =	vmax.f32 v59, $0.0e+00;
	v17 =	vmul.f32 v38, v17;
	v62 =	vmul.f32 v38, v21;
	v21 =	vld.idx.msk [tilespmem:v22+s17+$0x0], $0xffff  }
0x1c5: {  	vm0 =	vlt.f32 v61, v0;
	v3 =	vsub.f32 v3, v35;
	v22 =	vld.idx.msk [tilespmem:v41+s17+$0x0], $0xffff;
	v41 =	vmin.f32 v46, $1.000000000e+00  }
0x1c6: {  	v38 =	vmul.f32 v38, v30;
	v51 =	vmul.f32 v58, v51;
	v33 =	vadd.f32 v17, v49  }
0x1c7: {  	v17 =	vsel vm1, v52, v29;
	v29 =	vsub.f32 v5, v39;
	v47 =	vsub.f32 v9, v6  }
0x1c8: {  	v4 =	vmovc v55;
	v53 =	vsub.f32 v10, v7;
	v5 =	vsub.f32 v5, v42;
	v19 =	vmul.f32 v33, v33  }
0x1c9: {  	[tilespmem:s10+$0x1EA20] =	vst v26;
	v55 =	vsub.f32 v11, v8;
	v26 =	vmul.f32 v12, v28;
	v32 =	vmul.f32 v47, v32  }
0x1ca: {  	v36 =	vadd.f32 v62, v36;
	v37 =	vpop (erf);
	v5 =	vmul.f32 v21, v5;
	(erf) = vrcp.f32 v19;
	v19 =	vld.idx.msk [tilespmem:v13+s17+$0x0], $0xffff  }
0x1cb: {  	vm1 =	vgt.u32 v20, $0x63;
	v60 =	vmul.f32 v37, v29;
	v52 =	vpop (erf);
	v13 =	vld.idx.msk [tilespmem:v14+s17+$0x0], $0xffff;
	v37 =	vmul.f32 v53, v37  }
0x1cc: {  	v14 =	vld.idx.msk [tilespmem:v40+s17+$0x0], $0xffff;
	v63 =	vmul.f32 v52, v25;
	v52 =	vmul.f32 v55, v52;
	v57 =	vadd.f32 v32, v32  }
0x1cd: {  	(erf) = vrcp.f32 v33;
	v48 =	vmax.f32 v60, $0.0e+00;
	v59 =	vadd.f32 v37, v37  }
0x1ce: {  	v60 =	vmax.f32 v63, $0.0e+00;
	v46 =	vmin.f32 v48, $1.000000000e+00;
	v48 =	vsub.f32 $1.000000000e+00, v41  }
0x1cf: {  	v1 =	vadd.f32 v52, v52;
	v40 =	vmin.f32 v60, $1.000000000e+00;
	v54 =	vsub.f32 $1.000000000e+00, v46  }
0x1d0: {  	v20 =	vmul.f32 v46, v21;
	v56 =	vsub.f32 $1.000000000e+00, v40;
	v60 =	vadd.f32 v19, v12  }
0x1d1: {  	v61 =	vadd.f32 v21, v13;
	v62 =	vmul.f32 v48, v41;
	v63 =	vadd.f32 v22, v14  }
0x1d2: {  	v3 =	vmul.f32 v19, v3;
	v29 =	vmul.f32 v13, v29;
	v60 =	vsub.f32 v60, v57  }
0x1d3: {  	v58 =	vmul.f32 v54, v46;
	v20 =	vmul.f32 v20, v46;
	v61 =	vsub.f32 v61, v59  }
0x1d4: {  	v63 =	vsub.f32 v63, v1;
	v0 =	vmul.f32 v56, v40;
	v60 =	vmul.f32 v62, v60  }
0x1d5: {  	v36 =	vadd.f32 v36, v51;
	v51 =	vmul.f32 v58, v61;
	v61 =	vmul.f32 v50, v49  }
0x1d6: {  	v49 =	vmul.f32 v49, v49;
	v63 =	vmul.f32 v0, v63  }
0x1d7: {  	v1 =	vmul.f32 v0, v1;
	v0 =	vmul.f32 v0, v14  }
0x1d8: {  	v60 =	vadd.f32 v60, v32;
	v50 =	vmul.f32 v61, v50;
	v33 =	vadd.f32 v51, v37  }
0x1d9: {  	v36 =	vmul.f32 v36, v49;
	v49 =	vadd.f32 v63, v52;
	v51 =	vmul.f32 v41, v32  }
0x1da: {  	v32 =	vmul.f32 v32, v32;
	(erf) = vrcp.f32 v60  }
0x1db: {  	vm6 =	vmmov vm6;
	v63 =	vmul.f32 v60, v60;
	v60 =	vmul.f32 v49, v49  }
0x1dc: {  	vm5 =	vmmov vm5;
	v61 =	vpop (erf);
	v39 =	vmul.f32 v51, v41;
	v51 =	vmul.f32 v40, v22  }
0x1dd: {  	vm4 =	vmand vm4, vm9;
	(erf) = vrcp.f32 v33;
	v35 =	vmul.f32 v61, v36  }
0x1de: {  	vm11 =	vlt.f32 v4, v44;
	v36 =	vmul.f32 v30, v43;
	v33 =	vmul.f32 v33, v33  }
0x1df: {  	v4 =	vsub.f32 v4, v45;
	v61 =	vmul.f32 v41, v19;
	(erf) = vrcp.f32 v49  }
0x1e0: {  	v2 =	vadd.f32 v2, v34;
	v49 =	vmul.f32 v40, v52;
	(erf) = vrcp.f32 v63  }
0x1e1: {  	v63 =	vmul.f32 v46, v37;
	v31 =	vsel vm1, v31, v35;
	v35 =	vmul.f32 v51, v40  }
0x1e2: {  	vm0 =	vmand vm0, vm7;
	(erf) = vrcp.f32 v33;
	v33 =	vmul.f32 v61, v41  }
0x1e3: {  	v30 =	vsel vm0, v30, v31;
	v31 =	vmul.f32 v62, v57;
	v61 =	vmul.f32 v58, v59  }
0x1e4: {  	vm7 =	vmand vm3, vm8;
	v41 =	vmul.f32 v49, v40;
	v49 =	vmul.f32 v56, v14  }
0x1e5: {  	v5 =	vadd.f32 v5, v10;
	(erf) = vrcp.f32 v60;
	v60 =	vmul.f32 v62, v12  }
0x1e6: {  	v3 =	vadd.f32 v3, v9;
	v34 =	vmul.f32 v63, v46;
	v63 =	vmul.f32 v48, v12  }
0x1e7: {  	v62 =	vmul.f32 v58, v13;
	v46 =	vmul.f32 v54, v13;
	v39 =	vadd.f32 v60, v39  }
0x1e8: {  	v1 =	vadd.f32 v1, v35;
	v31 =	vadd.f32 v31, v33;
	v51 =	vmul.f32 v63, v48  }
0x1e9: {  	v58 =	vpop (erf);
	v57 =	vmul.f32 v49, v56;
	v34 =	vadd.f32 v62, v34;
	v39 =	vmul.f32 v39, v47  }
0x1ea: {  	[tilespmem:s10+$0x1DE20] =	vst v27;
	v20 =	vadd.f32 v61, v20;
	v61 =	vmul.f32 v37, v37;
	v59 =	vpop (erf);
	v31 =	vadd.f32 v31, v51  }
0x1eb: {  	[tilespmem:s9+$0x1DE20] =	vst v24;
	v0 =	vadd.f32 v0, v41;
	v34 =	vmul.f32 v34, v53;
	v60 =	vpop (erf);
	v39 =	vmul.f32 v59, v39  }
0x1ec: {  	[tilespmem:s8+$0x1DE20] =	vst v18;
	v62 =	vmul.f32 v52, v52;
	v1 =	vadd.f32 v1, v57;
	v63 =	vpop (erf);
	v27 =	vmul.f32 v31, v32  }
0x1ed: {  	[tilespmem:s9+$0x1EA20] =	vst v23;
	v40 =	vmul.f32 v46, v54;
	v34 =	vmul.f32 v60, v34;
	v23 =	vpop (erf);
	v24 =	vadd.f32 v39, v6  }
0x1ee: {  	[tilespmem:s8+$0x1EA20] =	vst v15;
	v1 =	vmul.f32 v1, v62;
	v18 =	vpop (erf);
	v23 =	vmul.f32 v23, v27;
	v6 =	vadd.f32 v26, v6  }
0x1ef: {  	[tilespmem:s20+$0x1DE20] =	vst v17;
	v0 =	vmul.f32 v0, v55;
	v28 =	vadd.f32 v34, v7;
	v9 =	vpop (erf);
	v3 =	vsel vm6, v3, v24  }
0x1f0: {  	[tilespmem:s11+$0x1EA20] =	vst v30;
	v1 =	vmul.f32 v9, v1;
	v9 =	vsel vm6, v19, v23;
	v3 =	vsel vm7, v6, v3  }
0x1f1: {  	v20 =	vadd.f32 v20, v40;
	v7 =	vadd.f32 v29, v7;
	v6 =	vsel vm7, v12, v9;
	[tilespmem:s13+$0x1DE20] =	vst v3  }
0x1f2: {  	v4 =	vmul.f32 v22, v4;
	v38 =	vadd.f32 v38, v50;
	v5 =	vsel vm5, v5, v28;
	[tilespmem:s13+$0x1EA20] =	vst v6  }
0x1f3: {  	v20 =	vmul.f32 v20, v61;
	v0 =	vmul.f32 v63, v0;
	v5 =	vsel vm4, v7, v5;
	v7 =	vld [tilespmem:$0x1FDF0]  }
0x1f4: {  	v4 =	vadd.f32 v4, v11;
	v16 =	vmul.f32 v38, v16  }
0x1f5: {  	v25 =	vmul.f32 v14, v25;
	v39 =	vmul.f32 v18, v20;
	v0 =	vadd.f32 v0, v8  }
0x1f6: {  	vm2 =	vmmov vm2;
	vm3 =	vmand vm11, vm10;
	v16 =	vmul.f32 v58, v16  }
0x1f7: {  	v0 =	vsel vm2, v4, v0;
	v3 =	vadd.f32 v25, v8;
	v8 =	vsel vm5, v21, v39  }
0x1f8: {  	v1 =	vsel vm2, v22, v1;
	v4 =	vsel vm4, v13, v8;
	[tilespmem:s29+$0x1DE20] =	vst v5;
	v6 =	vadd.f32 v16, v7  }
0x1f9: {  	v1 =	vsel vm3, v14, v1;
	[tilespmem:s29+$0x1EA20] =	vst v4;
	v5 =	vadd.f32 v36, v7  }
0x1fa: {  	s1 =	sor.u32 s5, s14;
	v0 =	vsel vm3, v3, v0;
	[tilespmem:s15+$0x1EA20] =	vst v1;
	v2 =	vsel vm1, v2, v6  }
0x1fb: {  	s1 =	sshrl.u32 s1, $0x3;
	[tilespmem:s15+$0x1DE20] =	vst v0;
	v0 =	vsel vm0, v5, v2  }
0x1fc: {  	s10 =	sadd.s32 s6, s1;
	[tilespmem:s11+$0x1DE20] =	vst v0;
	s11 =	simm.s32 $0x1DE20  }
0x1fd: {  	[hbm4b:s10+s18] =	stream.strided.scatter [tilespmem:s11], [sflag:$0x3], $0x600, s19, s18, $0x38;
	[tilespmem:$0x1F620] =	vst v63  }
0x1fe: {  	s12 =	simm.s32 $0x1EA20;
	s1 =	sadd.s32 s7, s1;
	s13 =	simm.s32 $0x2  }
0x1ff: {  	[hbm4b:s1+s18] =	stream.strided.scatter [tilespmem:s12], [sflag:$0x3], $0x600, s19, s18, $0x38;
	[tilespmem:$0x1F620] =	vst v63  }
0x200: {  	_ =	swait.ge [sflag:s13], $0x600  }
0x201: {  	p0 =	seq.s32 s2, $0x1F;
	s1 =	rddreg [dreg:$0x8]  }
0x202: {  	p1 =	seq.s32 @!p0 s2, $0x0;
	s8 =	simm.s32 @!p0 $0x40;
	s1 =	sadd.s32 @!p0 s1, s14  }
0x203: {  	s9 =	simm.s32 @!p0 $0x1000;
	[sflag:s13] =	ssyncset.done $0x0;
	s1 =	sshrl.u32 @!p0 s1, $0x3  }
0x204: {  	s10 =	simm.s32 @!p0 $0x1D220;
	[sflag:s13] =	ssyncadd.s32 $0xFFFFFA00;
	s1 =	sadd.s32 @!p0 s25, s1  }
0x205: {  	[tilespmem:s10], [sflag:$0x1] =	stream.strided.gather @!p0 [hbm4b:s1+s8], $0x600, s9, s8, $0x38;
	[tilespmem:$0x1F620] =	vst v63  }
0x206: {  	p0 =	por p0, !p1  }
0x207: {  	s15 =	sadd.s32 $0x1C220, s3;
	_ =	swait.ge @p0 [sflag:s30], $0x600  }
0x208: {  	s20 =	simm.s32 $0x0;
	v18 =	vmov s15;
	[sflag:s30] =	ssyncset.done @p0 $0x0  }
0x209: {  	s21 =	smul.u32 $0xAB, s20;
	s22 =	sor.u32 $0x3, s20;
	[sflag:s30] =	ssyncadd.s32 @p0 $0xFFFFFA00  }
0x20a: {  	s23 =	sand.u32 $0xFF, s22;
	_ =	swait.ge @p0 [sflag:s30], $0x600  }
0x20b: {  	s3 =	sshrl.u32 s21, $0x8;
	s9 =	smul.u32 $0xAB, s23;
	[sflag:s30] =	ssyncset.done @p0 $0x0  }
0x20c: {  	s24 =	sand.u32 $0xF0, s3;
	[sflag:s30] =	ssyncadd.s32 @p0 $0xFFFFFA00  }
0x20d: {  	s29 =	smov.u32 s25;
	s25 =	sshrl.u32 s9, $0xC;
	v0 =	vld.idx.msk [tilespmem:v18+s24+$0x0 ss:$0x1], $0xffff  }
0x20e: {  	s3 =	smul.u32 $0x18, s25;
	_ =	sdelay $0x1  }
0x20f: {  	s3 =	ssub.s32 s22, s3  }
0x210: {  	s3 =	sand.u32 $0xFF, s3  }
0x211: {  	s26 =	smul.u32 $0x64, s3;
	v0 =	vmul.u32 $0x960, v0;
	_ =	sdelay $0x1  }
0x212: {  	s31 =	sor.u32 $0x1, s20;
	s28 =	sshrl.u32 s24, $0x4;
	v6 =	vadd.s32 s26, v0  }
0x213: {  	s14 =	sand.u32 $0xFF, s31;
	s8 =	smul.u32 $0x18, s28;
	v2 =	vadd.s32 $0x3F, v6  }
0x214: {  	s1 =	sor.u32 $0x2, s20;
	s10 =	smul.u32 $0xAB, s14  }
0x215: {  	s12 =	sand.u32 $0xFF, s1;
	s8 =	ssub.s32 $0x0, s8;
	s3 =	sshll.u32 s3, $0x6  }
0x216: {  	s12 =	smul.u32 $0xAB, s12;
	s8 =	sand.u32 $0xFF, s8;
	s3 =	sadd.s32 s24, s3  }
0x217: {  	s10 =	sshrl.u32 s10, $0xC;
	s15 =	smul.u32 $0x64, s8;
	v13 =	vld [tilespmem:s3+$0x1D820]  }
0x218: {  	s10 =	smul.u32 $0x18, s10;
	v3 =	vld.idx.msk [tilespmem:v2+s4+$0x0], $0xffff  }
0x219: {  	s12 =	sshrl.u32 s12, $0xC;
	v2 =	vadd.s32 s15, v0  }
0x21a: {  	s12 =	smul.u32 $0x18, s12;
	s9 =	ssub.s32 s31, s10;
	v4 =	vadd.s32 $0x3F, v2  }
0x21b: {  	s9 =	sand.u32 $0xFF, s9  }
0x21c: {  	s8 =	sshll.u32 s8, $0x6;
	s1 =	ssub.s32 s1, s12;
	s20 =	smul.u32 $0x64, s9  }
0x21d: {  	v35 =	vimm.s32 $0x0;
	s10 =	sor.u32 s24, s8;
	s1 =	sand.u32 $0xFF, s1;
	vm0 =	vlt.f32 v3, v13  }
0x21e: {  	v12 =	vld [tilespmem:s10+$0x1D820];
	s21 =	smul.u32 $0x64, s1;
	v3 =	vadd.s32 s20, v0;
	v7 =	vsel vm0, $0x40, v35  }
0x21f: {  	v9 =	vadd.s32 $0xFFFFFFFF, v6;
	v5 =	vadd.s32 $0x3F, v3;
	v8 =	vld.idx.msk [tilespmem:v4+s4+$0x0], $0xffff;
	v10 =	vor.u32 $0x20, v7  }
0x220: {  	v4 =	vadd.s32 s21, v0;
	v0 =	vadd.s32 v9, v10  }
0x221: {  	s22 =	sshll.u32 s9, $0x6  }
0x222: {  	s9 =	sadd.s32 s24, s22;
	v11 =	vadd.s32 $0x3F, v4  }
0x223: {  	v14 =	vld [tilespmem:s9+$0x1D820]  }
0x224: {  	s1 =	sshll.u32 s1, $0x6;
	v5 =	vld.idx.msk [tilespmem:v5+s4+$0x0], $0xffff;
	vm0 =	vlt.f32 v8, v12  }
0x225: {  	s8 =	sor.u32 s24, s1;
	v40 =	vsel vm0, $0x40, v35;
	v0 =	vld.idx.msk [tilespmem:v0+s4+$0x0], $0xffff  }
0x226: {  	v1 =	vld [tilespmem:s8+$0x1D820];
	v8 =	vadd.s32 $0xFFFFFFFF, v2;
	v41 =	vor.u32 $0x20, v40  }
0x227: {  	v11 =	vld.idx.msk [tilespmem:v11+s4+$0x0], $0xffff;
	v42 =	vadd.s32 v8, v41;
	_ =	sdelay $0x1  }
0x228: {  	vm0 =	vlt.f32 v5, v14  }
0x229: {  	v19 =	vsel vm0, $0x40, v35;
	vm0 =	vlt.f32 v0, v13  }
0x22a: {  	v5 =	vadd.s32 $0xFFFFFFFF, v3;
	v0 =	vor.u32 $0x20, v19;
	v10 =	vsel vm0, v10, v7  }
0x22b: {  	vm0 =	vlt.f32 v11, v1;
	v11 =	vadd.s32 v5, v0;
	v17 =	vld.idx.msk [tilespmem:v42+s4+$0x0], $0xffff;
	v20 =	vor.u32 $0x10, v10  }
0x22c: {  	v21 =	vsel vm0, $0x40, v35;
	v22 =	vadd.s32 v9, v20  }
0x22d: {  	v7 =	vadd.s32 $0xFFFFFFFF, v4;
	v23 =	vor.u32 $0x20, v21  }
0x22e: {  	v24 =	vadd.s32 v7, v23;
	_ =	sdelay $0x1  }
0x22f: {  	v11 =	vld.idx.msk [tilespmem:v11+s4+$0x0], $0xffff;
	vm0 =	vlt.f32 v17, v12  }
0x230: {  	v15 =	vsel vm0, v41, v40;
	v43 =	vld.idx.msk [tilespmem:v22+s4+$0x0], $0xffff  }
0x231: {  	v44 =	vor.u32 $0x10, v15  }
0x232: {  	v22 =	vld.idx.msk [tilespmem:v24+s4+$0x0], $0xffff;
	v24 =	vadd.s32 v8, v44;
	_ =	sdelay $0x2  }
0x233: {  	vm2 =	vlt.u32 v20, $0x65;
	vm0 =	vlt.f32 v11, v14;
	vm1 =	vlt.f32 v43, v13  }
0x234: {  	v0 =	vsel vm0, v0, v19;
	vm0 =	vmand vm1, vm2  }
0x235: {  	v11 =	vor.u32 $0x10, v0;
	vm1 =	vlt.f32 v22, v1;
	v45 =	vld.idx.msk [tilespmem:v24+s4+$0x0], $0xffff;
	v10 =	vsel vm0, v20, v10  }
0x236: {  	v19 =	vsel vm1, v23, v21;
	v20 =	vadd.s32 v5, v11;
	v21 =	vor.u32 $0x8, v10  }
0x237: {  	v22 =	vor.u32 $0x10, v19;
	v23 =	vadd.s32 v9, v21  }
0x238: {  	v24 =	vadd.s32 v7, v22;
	_ =	sdelay $0x1  }
0x239: {  	vm0 =	vlt.u32 v44, $0x65;
	vm1 =	vlt.f32 v45, v12  }
0x23a: {  	v46 =	vld.idx.msk [tilespmem:v20+s4+$0x0], $0xffff;
	vm0 =	vmand vm1, vm0  }
0x23b: {  	v15 =	vsel vm0, v44, v15;
	v47 =	vld.idx.msk [tilespmem:v23+s4+$0x0], $0xffff  }
0x23c: {  	v20 =	vld.idx.msk [tilespmem:v24+s4+$0x0], $0xffff;
	v23 =	vor.u32 $0x8, v15  }
0x23d: {  	v24 =	vadd.s32 v8, v23;
	_ =	sdelay $0x1  }
0x23e: {  	vm3 =	vlt.u32 v21, $0x65;
	vm0 =	vlt.u32 v11, $0x65;
	vm2 =	vlt.f32 v46, v14  }
0x23f: {  	vm1 =	vlt.u32 v22, $0x65;
	vm0 =	vmand vm2, vm0;
	vm2 =	vlt.f32 v47, v13  }
0x240: {  	vm4 =	vlt.f32 v20, v1;
	v0 =	vsel vm0, v11, v0;
	vm0 =	vmand vm2, vm3  }
0x241: {  	vm1 =	vmand vm4, vm1;
	v11 =	vor.u32 $0x8, v0;
	v48 =	vld.idx.msk [tilespmem:v24+s4+$0x0], $0xffff;
	v10 =	vsel vm0, v21, v10  }
0x242: {  	v49 =	vsel vm1, v22, v19;
	v19 =	vadd.s32 v5, v11;
	v20 =	vadd.s32 $0x4, v10  }
0x243: {  	v21 =	vor.u32 $0x8, v49;
	v22 =	vadd.s32 v9, v20  }
0x244: {  	v24 =	vadd.s32 v7, v21;
	_ =	sdelay $0x1  }
0x245: {  	vm0 =	vlt.u32 v23, $0x65;
	vm1 =	vlt.f32 v48, v12  }
0x246: {  	v50 =	vld.idx.msk [tilespmem:v19+s4+$0x0], $0xffff;
	vm0 =	vmand vm1, vm0  }
0x247: {  	v15 =	vsel vm0, v23, v15;
	v19 =	vld.idx.msk [tilespmem:v22+s4+$0x0], $0xffff  }
0x248: {  	v22 =	vld.idx.msk [tilespmem:v24+s4+$0x0], $0xffff;
	v23 =	vadd.s32 $0x4, v15  }
0x249: {  	v24 =	vadd.s32 v8, v23;
	_ =	sdelay $0x1  }
0x24a: {  	vm3 =	vlt.u32 v10, $0x61;
	vm0 =	vlt.u32 v11, $0x65;
	vm2 =	vlt.f32 v50, v14  }
0x24b: {  	vm1 =	vlt.u32 v21, $0x65;
	vm0 =	vmand vm2, vm0;
	vm2 =	vlt.f32 v19, v13  }
0x24c: {  	vm4 =	vlt.f32 v22, v1;
	v0 =	vsel vm0, v11, v0;
	vm0 =	vmand vm2, vm3  }
0x24d: {  	vm1 =	vmand vm4, vm1;
	v11 =	vadd.s32 $0x4, v0;
	v51 =	vld.idx.msk [tilespmem:v24+s4+$0x0], $0xffff;
	v10 =	vsel vm0, v20, v10  }
0x24e: {  	v17 =	vsel vm1, v21, v49;
	v19 =	vadd.s32 v5, v11;
	v20 =	vadd.s32 $0x2, v10  }
0x24f: {  	v21 =	vadd.s32 $0x4, v17;
	v22 =	vadd.s32 v9, v20  }
0x250: {  	v24 =	vadd.s32 v7, v21;
	_ =	sdelay $0x1  }
0x251: {  	vm0 =	vlt.u32 v15, $0x61;
	vm1 =	vlt.f32 v51, v12  }
0x252: {  	v52 =	vld.idx.msk [tilespmem:v19+s4+$0x0], $0xffff;
	vm0 =	vmand vm1, vm0  }
0x253: {  	v15 =	vsel vm0, v23, v15;
	v19 =	vld.idx.msk [tilespmem:v22+s4+$0x0], $0xffff  }
0x254: {  	v22 =	vld.idx.msk [tilespmem:v24+s4+$0x0], $0xffff;
	v23 =	vadd.s32 $0x2, v15  }
0x255: {  	v24 =	vadd.s32 v8, v23;
	_ =	sdelay $0x1  }
0x256: {  	vm4 =	vlt.u32 v10, $0x63;
	vm1 =	vlt.u32 v17, $0x61  }
0x257: {  	vm0 =	vlt.u32 v0, $0x61;
	vm2 =	vlt.f32 v52, v14;
	vm3 =	vlt.f32 v19, v13  }
0x258: {  	vm0 =	vmand vm2, vm0;
	vm2 =	vlt.f32 v22, v1;
	vm3 =	vmand vm3, vm4  }
0x259: {  	v0 =	vsel vm0, v11, v0;
	vm0 =	vmand vm2, vm1;
	v11 =	vld.idx.msk [tilespmem:v24+s4+$0x0], $0xffff;
	v10 =	vsel vm3, v20, v10  }
0x25a: {  	v53 =	vadd.s32 $0x2, v0;
	v17 =	vsel vm0, v21, v17;
	v19 =	vadd.s32 v6, v10  }
0x25b: {  	v20 =	vadd.s32 v5, v53;
	v21 =	vadd.s32 $0x2, v17  }
0x25c: {  	v22 =	vadd.s32 v7, v21;
	_ =	sdelay $0x1  }
0x25d: {  	vm0 =	vlt.u32 v15, $0x63;
	vm1 =	vlt.f32 v11, v12  }
0x25e: {  	vm0 =	vmand vm1, vm0;
	v11 =	vld.idx.msk [tilespmem:v19+s4+$0x0], $0xffff  }
0x25f: {  	v19 =	vld.idx.msk [tilespmem:v20+s4+$0x0], $0xffff;
	v15 =	vsel vm0, v23, v15  }
0x260: {  	v20 =	vld.idx.msk [tilespmem:v22+s4+$0x0], $0xffff;
	v22 =	vadd.s32 v2, v15;
	_ =	sdelay $0x2  }
0x261: {  	s20 =	simm.s32 $0x4;
	vm2 =	vlt.u32 v10, $0x64;
	vm1 =	vlt.f32 v11, v13  }
0x262: {  	s23 =	smul.u32 $0xAB, s20;
	s24 =	sor.u32 $0x3, s20;
	vm0 =	vlt.u32 v0, $0x63;
	vm4 =	vlt.f32 v19, v14;
	vm1 =	vmand vm1, vm2  }
0x263: {  	s25 =	sand.u32 $0xFF, s24;
	vm3 =	vlt.u32 v17, $0x63;
	vm0 =	vmand vm4, vm0;
	v11 =	vld.idx.msk [tilespmem:v22+s4+$0x0], $0xffff;
	v19 =	vsel vm1, $0x1, v35  }
0x264: {  	s1 =	sshrl.u32 s23, $0x8;
	s12 =	smul.u32 $0xAB, s25;
	vm2 =	vlt.f32 v20, v1;
	[tilespmem:$0x1FCF0] =	vst v18;
	v0 =	vsel vm0, v53, v0;
	v19 =	vadd.s32 v19, v10  }
0x265: {  	s15 =	sand.u32 $0xF0, s1;
	vm0 =	vmand vm2, vm3;
	v10 =	vadd.s32 v3, v0;
	[tilespmem:$0x1FD20] =	vst v19  }
0x266: {  	s26 =	sshrl.u32 s12, $0xC;
	v54 =	vsel vm0, v21, v17;
	v21 =	vld.idx.msk [tilespmem:v18+s15+$0x0 ss:$0x1], $0xffff  }
0x267: {  	s1 =	smul.u32 $0x18, s26;
	vm0 =	vlt.u32 v15, $0x64  }
0x268: {  	v55 =	vmax.u32 v19, $0x1;
	v19 =	vadd.s32 v4, v54;
	vm1 =	vlt.f32 v11, v12  }
0x269: {  	s1 =	ssub.s32 s24, s1;
	v17 =	vmin.u32 v55, $0x63;
	vm0 =	vmand vm1, vm0  }
0x26a: {  	s1 =	sand.u32 $0xFF, s1;
	v11 =	vadd.s32 v6, v17;
	v6 =	vld.idx.msk [tilespmem:v10+s4+$0x0], $0xffff;
	v10 =	vsel vm0, $0x1, v35  }
0x26b: {  	s23 =	smul.u32 $0x64, s1;
	v10 =	vadd.s32 v10, v15;
	v24 =	vmul.u32 $0x960, v21  }
0x26c: {  	v9 =	vadd.s32 v17, v9;
	v15 =	vmax.u32 v10, $0x1  }
0x26d: {  	v22 =	vld.idx.msk [tilespmem:v19+s4+$0x0], $0xffff;
	v19 =	vmin.u32 v15, $0x63;
	v56 =	vadd.s32 s23, v24  }
0x26e: {  	v15 =	vadd.s32 v19, v8;
	v8 =	vadd.s32 $0x3F, v56  }
0x26f: {  	s28 =	sor.u32 $0x1, s20;
	vm0 =	vlt.u32 v0, $0x64;
	vm2 =	vlt.f32 v6, v14  }
0x270: {  	s22 =	sand.u32 $0xFF, s28;
	vm0 =	vmand vm2, vm0  }
0x271: {  	s13 =	smul.u32 $0xAB, s22;
	s22 =	sshrl.u32 s15, $0x4;
	v18 =	vld.idx.msk [tilespmem:v9+s4+$0x0], $0xffff;
	v6 =	vsel vm0, $0x1, v35  }
0x272: {  	s31 =	sor.u32 $0x2, s20;
	s24 =	smul.u32 $0x18, s22;
	v25 =	vld.idx.msk [tilespmem:v11+s4+$0x0], $0xffff;
	[tilespmem:$0x1FD40] =	vst v56;
	v0 =	vadd.s32 v6, v0  }
0x273: {  	s21 =	sand.u32 $0xFF, s31;
	v26 =	vld.idx.msk [tilespmem:v8+s4+$0x0], $0xffff;
	v8 =	vmax.u32 v0, $0x1  }
0x274: {  	s21 =	smul.u32 $0xAB, s21;
	s13 =	sshrl.u32 s13, $0xC;
	s14 =	ssub.s32 $0x4, s24;
	v19 =	vadd.s32 v2, v19;
	v8 =	vmin.u32 v8, $0x63  }
0x275: {  	s13 =	smul.u32 $0x18, s13;
	s14 =	sand.u32 $0xFF, s14;
	vm1 =	vlt.u32 v54, $0x64;
	vm2 =	vlt.f32 v22, v1;
	v42 =	vadd.s32 v3, v8;
	v3 =	vld.idx.msk [tilespmem:v9+s16+$0x0], $0xffff  }
0x276: {  	s25 =	smul.u32 $0x64, s14;
	vm0 =	vmand vm2, vm1  }
0x277: {  	v6 =	vsel vm0, $0x1, v35  }
0x278: {  	s21 =	sshrl.u32 s21, $0xC;
	s13 =	ssub.s32 s28, s13;
	s1 =	sshll.u32 s1, $0x6;
	v2 =	vsub.f32 v25, v18;
	v22 =	vld.idx.msk [tilespmem:v15+s4+$0x0], $0xffff;
	v16 =	vadd.s32 v6, v54;
	v6 =	vadd.s32 s25, v24  }
0x279: {  	s21 =	smul.u32 $0x18, s21;
	s26 =	sand.u32 $0xFF, s13;
	s11 =	sadd.s32 s15, s1;
	v28 =	vld.idx.msk [tilespmem:v19+s4+$0x0], $0xffff;
	v27 =	vadd.s32 $0x3F, v6  }
0x27a: {  	s13 =	smul.u32 $0x64, s26;
	(erf) = vrcp.f32 v2;
	v2 =	vld [tilespmem:s11+$0x1D820];
	v23 =	vmax.u32 v16, $0x1;
	[tilespmem:$0x1FD60] =	vst v3  }
0x27b: {  	s12 =	ssub.s32 s31, s21;
	s14 =	sshll.u32 s14, $0x6;
	v43 =	vadd.s32 v8, v5;
	v5 =	vmin.u32 v23, $0x63;
	v47 =	vld.idx.msk [tilespmem:v11+s16+$0x0], $0xffff  }
0x27c: {  	s12 =	sand.u32 $0xFF, s12;
	v40 =	vadd.s32 v5, v7;
	v7 =	vadd.s32 s13, v24;
	s13 =	sor.u32 s15, s14;
	v36 =	vld.idx.msk [tilespmem:v9+s17+$0x0], $0xffff  }
0x27d: {  	s28 =	smul.u32 $0x64, s12;
	v21 =	vsub.f32 v13, v18;
	v48 =	vadd.s32 v4, v5;
	v4 =	vadd.s32 $0x3F, v7;
	v5 =	vld [tilespmem:s13+$0x1D820]  }
0x27e: {  	s1 =	sshll.u32 s26, $0x6;
	v57 =	vsub.f32 v13, v25;
	vm3 =	veq.s32 v0, $0x0;
	vm6 =	vgt.u32 v0, $0x63;
	v0 =	vld.idx.msk [tilespmem:v27+s4+$0x0], $0xffff  }
0x27f: {  	v8 =	vadd.s32 s28, v24;
	s14 =	sadd.s32 s15, s1;
	v20 =	vsub.f32 v12, v22;
	v39 =	vld.idx.msk [tilespmem:v11+s17+$0x0], $0xffff;
	[tilespmem:$0x1FD30] =	vst v21  }
0x280: {  	v9 =	vadd.s32 $0x3F, v8;
	v17 =	vld [tilespmem:s14+$0x1D820];
	[tilespmem:$0x1FD00] =	vst v57  }
0x281: {  	vm0 =	vlt.f32 v26, v2;
	[tilespmem:$0x1FD90] =	vst v20  }
0x282: {  	vm5 =	vgt.u32 v10, $0x63;
	v26 =	vsel vm0, $0x40, v35;
	v29 =	vld.idx.msk [tilespmem:v4+s4+$0x0], $0xffff;
	v4 =	vsub.f32 v47, v3  }
0x283: {  	v50 =	vadd.s32 $0xFFFFFFFF, v56;
	vm2 =	veq.s32 v10, $0x0;
	v27 =	vor.u32 $0x20, v26;
	v10 =	vpop (erf)  }
0x284: {  	s31 =	sshll.u32 s12, $0x6;
	v11 =	vadd.s32 v50, v27;
	v58 =	vmul.f32 v10, v21;
	[tilespmem:$0x1FD50] =	vst v4  }
0x285: {  	vm7 =	veq.s32 v16, $0x0;
	s15 =	sor.u32 s15, s31;
	v31 =	vld.idx.msk [tilespmem:v9+s4+$0x0], $0xffff  }
0x286: {  	vm8 =	vgt.u32 v16, $0x63;
	v16 =	vmax.f32 v58, $0.0e+00;
	vm0 =	vlt.f32 v0, v5;
	v3 =	vld [tilespmem:s15+$0x1D820]  }
0x287: {  	v41 =	vmin.f32 v16, $1.000000000e+00;
	v16 =	vsel vm0, $0x40, v35  }
0x288: {  	v34 =	vmul.f32 v4, v10;
	v10 =	vadd.f32 v39, v36;
	vm0 =	vlt.f32 v29, v17;
	v0 =	vld.idx.msk [tilespmem:v43+s4+$0x0], $0xffff  }
0x289: {  	v32 =	vor.u32 $0x20, v16;
	v9 =	vadd.s32 $0xFFFFFFFF, v6;
	v59 =	vld.idx.msk [tilespmem:v11+s4+$0x0], $0xffff;
	v51 =	vsel vm0, $0x40, v35  }
0x28a: {  	v49 =	vld.idx.msk [tilespmem:v40+s4+$0x0], $0xffff;
	v11 =	vadd.s32 $0xFFFFFFFF, v7;
	v29 =	vadd.s32 v9, v32;
	v53 =	vor.u32 $0x20, v51  }
0x28b: {  	v33 =	vsub.f32 $1.000000000e+00, v41;
	vm0 =	vlt.f32 v31, v3;
	v31 =	vadd.s32 v11, v53  }
0x28c: {  	v46 =	vadd.f32 v34, v34  }
0x28d: {  	vm4 =	vlt.f32 v12, v22;
	v45 =	vld.idx.msk [tilespmem:v42+s4+$0x0], $0xffff;
	v38 =	vmul.f32 v33, v41;
	v21 =	vsub.f32 v14, v0  }
0x28e: {  	v37 =	vld.idx.msk [tilespmem:v48+s4+$0x0], $0xffff;
	v60 =	vsub.f32 v10, v46;
	v10 =	vmov v6;
	v6 =	vsub.f32 v12, v28  }
0x28f: {  	v30 =	vsub.f32 v28, v22;
	v22 =	vsub.f32 v1, v49;
	v54 =	vsel vm0, $0x40, v35;
	v63 =	vld.idx.msk [tilespmem:v29+s4+$0x0], $0xffff;
	[tilespmem:$0x1FDC0] =	vst v21  }
0x290: {  	v4 =	vadd.s32 $0xFFFFFFFF, v8;
	v52 =	vmul.f32 v38, v60;
	v55 =	vor.u32 $0x20, v54;
	v60 =	vld.idx.msk [tilespmem:v31+s4+$0x0], $0xffff;
	[tilespmem:$0x1FD70] =	vst v6  }
0x291: {  	(erf) = vrcp.f32 v30;
	v62 =	vadd.s32 v4, v55;
	[tilespmem:$0x1FDE0] =	vst v22  }
0x292: {  	v61 =	vsub.f32 v45, v0;
	vm0 =	vlt.f32 v59, v2;
	v52 =	vadd.f32 v52, v34;
	v23 =	vld.idx.msk [tilespmem:v15+s16+$0x0], $0xffff  }
0x293: {  	vm9 =	vlt.f32 v14, v0;
	v58 =	vsel vm0, v27, v26;
	v26 =	vsub.f32 v37, v49  }
0x294: {  	(erf) = vrcp.f32 v61;
	v0 =	vmul.f32 v52, v52;
	v6 =	vsub.f32 v14, v45  }
0x295: {  	(erf) = vrcp.f32 v26  }
0x296: {  	(erf) = vrcp.f32 v0;
	v0 =	vld.idx.msk [tilespmem:v62+s4+$0x0], $0xffff;
	[tilespmem:$0x1FD80] =	vst v6  }
0x297: {  	v59 =	vor.u32 $0x10, v58;
	[tilespmem:$0x1FDB0] =	vst v23  }
0x298: {  	v30 =	vadd.s32 v50, v59;
	v25 =	vld.idx.msk [tilespmem:v19+s16+$0x0], $0xffff;
	_ =	sdelay $0x4  }
0x299: {  	v45 =	vld.idx.msk [tilespmem:v30+s4+$0x0], $0xffff;
	[tilespmem:$0x1FDA0] =	vst v25  }
0x29a: {  	v61 =	vmul.f32 v41, v39;
	v24 =	vld.idx.msk [tilespmem:v43+s16+$0x0], $0xffff  }
0x29b: {  	vm0 =	vlt.f32 v63, v5  }
0x29c: {  	v12 =	vmul.f32 v61, v41;
	vm1 =	vlt.u32 v59, $0x65;
	v56 =	vsel vm0, v32, v16  }
0x29d: {  	v63 =	vmul.f32 v33, v36;
	v62 =	vmul.f32 v38, v46;
	v57 =	vor.u32 $0x10, v56  }
0x29e: {  	v46 =	vmul.f32 v41, v34;
	v44 =	vadd.s32 v9, v57;
	vm0 =	vlt.f32 v60, v17  }
0x29f: {  	v14 =	vmul.f32 v63, v33;
	v12 =	vadd.f32 v62, v12;
	v51 =	vsel vm0, v53, v51;
	[tilespmem:$0x1FDD0] =	vst v24  }
0x2a0: {  	v53 =	vmul.f32 v34, v34;
	vm0 =	vlt.f32 v0, v3;
	v0 =	vor.u32 $0x10, v51;
	v33 =	vld.idx.msk [tilespmem:v42+s16+$0x0], $0xffff  }
0x2a1: {  	v60 =	vpop (erf);
	v12 =	vadd.f32 v12, v14;
	v54 =	vsel vm0, v55, v54;
	v14 =	vadd.s32 v11, v0;
	v16 =	vld.idx.msk [tilespmem:v40+s16+$0x0], $0xffff  }
0x2a2: {  	v41 =	vmul.f32 v46, v41;
	v46 =	vmul.f32 v60, v20;
	v61 =	vor.u32 $0x10, v54;
	v34 =	vld.idx.msk [tilespmem:v48+s16+$0x0], $0xffff  }
0x2a3: {  	vm0 =	vlt.f32 v45, v2;
	v45 =	vmul.f32 v12, v53;
	v53 =	vadd.s32 v4, v61;
	v63 =	vld.idx.msk [tilespmem:v44+s4+$0x0], $0xffff  }
0x2a4: {  	(erf) = vrcp.f32 v52;
	vm11 =	vlt.u32 v57, $0x65;
	v46 =	vmax.f32 v46, $0.0e+00;
	v6 =	vld.idx.msk [tilespmem:v15+s17+$0x0], $0xffff  }
0x2a5: {  	v55 =	vpop (erf);
	v46 =	vmin.f32 v46, $1.000000000e+00;
	vm12 =	vlt.u32 v0, $0x65;
	vm0 =	vmand vm0, vm1;
	v15 =	vld.idx.msk [tilespmem:v19+s17+$0x0], $0xffff  }
0x2a6: {  	v62 =	vpop (erf);
	vm1 =	vlt.f32 v13, v18;
	v59 =	vsel vm0, v59, v58;
	v19 =	vmul.f32 v55, v21;
	v18 =	vld.idx.msk [tilespmem:v14+s4+$0x0], $0xffff  }
0x2a7: {  	v32 =	vpop (erf);
	vm13 =	vlt.u32 v61, $0x65;
	v58 =	vsub.f32 v25, v23;
	v23 =	vor.u32 $0x8, v59  }
0x2a8: {  	v44 =	vmul.f32 v32, v45;
	v32 =	vmul.f32 v62, v22;
	v53 =	vld.idx.msk [tilespmem:v53+s4+$0x0], $0xffff;
	v22 =	vmax.f32 v19, $0.0e+00  }
0x2a9: {  	v21 =	vadd.s32 v50, v23;
	v14 =	vld.idx.msk [tilespmem:v42+s17+$0x0], $0xffff;
	v42 =	vmul.f32 v58, v60;
	v22 =	vmin.f32 v22, $1.000000000e+00  }
0x2aa: {  	v12 =	vld.idx.msk [tilespmem:v43+s17+$0x0], $0xffff;
	v45 =	vsub.f32 v33, v24;
	v52 =	vsub.f32 v34, v16;
	vm0 =	vlt.f32 v63, v5  }
0x2ab: {  	vm10 =	vlt.f32 v18, v17;
	v63 =	vadd.f32 v15, v6;
	vm0 =	vmand vm0, vm11  }
0x2ac: {  	v13 =	vld.idx.msk [tilespmem:v40+s17+$0x0], $0xffff;
	vm10 =	vmand vm10, vm12;
	v43 =	vmul.f32 v45, v55;
	v55 =	vmax.f32 v32, $0.0e+00  }
0x2ad: {  	v19 =	vld.idx.msk [tilespmem:v48+s17+$0x0], $0xffff;
	v40 =	vmul.f32 v52, v62;
	v32 =	vsub.f32 $1.000000000e+00, v46;
	v48 =	vsel vm0, v57, v56  }
0x2ae: {  	v56 =	vadd.f32 v42, v42;
	vm0 =	vlt.f32 v53, v3;
	v30 =	vsel vm10, v0, v51  }
0x2af: {  	v21 =	vld.idx.msk [tilespmem:v21+s4+$0x0], $0xffff;
	v57 =	vadd.f32 v14, v12;
	v62 =	vsub.f32 $1.000000000e+00, v22;
	vm10 =	vlt.u32 v23, $0x65  }
0x2b0: {  	v18 =	vld [tilespmem:$0x1FD00];
	vm0 =	vmand vm0, vm13;
	v55 =	vmin.f32 v55, $1.000000000e+00;
	v0 =	vor.u32 $0x8, v48  }
0x2b1: {  	v20 =	vor.u32 $0x8, v30;
	v51 =	vadd.f32 v43, v43;
	v54 =	vsel vm0, v61, v54  }
0x2b2: {  	v53 =	vsub.f32 v63, v56;
	v29 =	vmul.f32 v32, v46;
	v60 =	vadd.f32 v40, v40  }
0x2b3: {  	v61 =	vadd.f32 v19, v13;
	v63 =	vsub.f32 $1.000000000e+00, v55;
	v28 =	vmul.f32 v62, v22  }
0x2b4: {  	v24 =	vadd.s32 v11, v20;
	vm0 =	vlt.f32 v21, v2;
	v21 =	vadd.s32 v9, v0  }
0x2b5: {  	v18 =	vmul.f32 v39, v18;
	v57 =	vsub.f32 v57, v51;
	vm0 =	vmand vm0, vm10  }
0x2b6: {  	v61 =	vsub.f32 v61, v60;
	v23 =	vsel vm0, v23, v59;
	v59 =	vor.u32 $0x8, v54  }
0x2b7: {  	v53 =	vmul.f32 v29, v53;
	v31 =	vmul.f32 v63, v55;
	v25 =	vadd.s32 v4, v59  }
0x2b8: {  	v18 =	vadd.f32 v18, v47;
	v57 =	vmul.f32 v28, v57;
	v27 =	vadd.s32 $0x4, v23  }
0x2b9: {  	v61 =	vmul.f32 v31, v61;
	v53 =	vadd.f32 v53, v42;
	v26 =	vadd.s32 v50, v27;
	v21 =	vld.idx.msk [tilespmem:v21+s4+$0x0], $0xffff  }
0x2ba: {  	v24 =	vld.idx.msk [tilespmem:v24+s4+$0x0], $0xffff;
	v57 =	vadd.f32 v57, v43  }
0x2bb: {  	vm13 =	vlt.u32 v0, $0x65;
	v61 =	vadd.f32 v61, v40;
	(erf) = vrcp.f32 v53;
	[tilespmem:$0x1FD10] =	vst v18;
	v18 =	vld [tilespmem:$0x1FD20]  }
0x2bc: {  	vm15 =	vlt.u32 v20, $0x65;
	v53 =	vmul.f32 v53, v53;
	(erf) = vrcp.f32 v57;
	v25 =	vld.idx.msk [tilespmem:v25+s4+$0x0], $0xffff  }
0x2bd: {  	vm10 =	vlt.f32 v1, v49;
	v49 =	vsub.f32 v1, v37;
	(erf) = vrcp.f32 v61  }
0x2be: {  	v1 =	vmul.f32 v57, v57;
	(erf) = vrcp.f32 v53;
	v26 =	vld.idx.msk [tilespmem:v26+s4+$0x0], $0xffff;
	vm12 =	vlt.f32 v21, v5  }
0x2bf: {  	vm14 =	vlt.f32 v24, v17;
	v24 =	vmul.f32 v46, v15;
	vm12 =	vmand vm12, vm13  }
0x2c0: {  	vm0 =	vgt.u32 v18, $0x63;
	v0 =	vsel vm12, v0, v48;
	vm12 =	vmand vm14, vm15  }
0x2c1: {  	vm13 =	vlt.f32 v25, v3;
	v20 =	vsel vm12, v20, v30;
	vm12 =	vlt.u32 v59, $0x65  }
0x2c2: {  	(erf) = vrcp.f32 v1;
	v21 =	vmul.f32 v61, v61;
	vm12 =	vmand vm13, vm12  }
0x2c3: {  	v25 =	vsel vm12, v59, v54;
	vm12 =	vlt.f32 v26, v2;
	v26 =	vadd.s32 $0x4, v0  }
0x2c4: {  	v1 =	vmul.f32 v22, v43;
	v24 =	vmul.f32 v24, v46;
	v30 =	vadd.s32 v9, v26  }
0x2c5: {  	v37 =	vsel vm0, v39, v44;
	(erf) = vrcp.f32 v21;
	v21 =	vmul.f32 v46, v42  }
0x2c6: {  	v48 =	vmul.f32 v22, v14;
	vm13 =	vlt.u32 v23, $0x61;
	v39 =	vadd.s32 $0x4, v20  }
0x2c7: {  	v21 =	vmul.f32 v21, v46;
	v46 =	vadd.s32 v11, v39;
	vm12 =	vmand vm12, vm13  }
0x2c8: {  	v47 =	vadd.s32 $0x4, v25;
	v23 =	vsel vm12, v27, v23;
	v27 =	vmul.f32 v1, v22;
	v1 =	vld [tilespmem:$0x1FD30]  }
0x2c9: {  	v22 =	vmul.f32 v48, v22;
	v48 =	vadd.s32 v4, v47;
	v30 =	vld.idx.msk [tilespmem:v30+s4+$0x0], $0xffff  }
0x2ca: {  	v53 =	vmul.f32 v29, v56;
	v56 =	vadd.s32 $0x2, v23  }
0x2cb: {  	v38 =	vmul.f32 v38, v36;
	vm11 =	veq.s32 v18, $0x0;
	v59 =	vadd.s32 v50, v56  }
0x2cc: {  	v29 =	vmul.f32 v29, v6;
	vm1 =	vmand vm1, vm11;
	v54 =	vmul.f32 v55, v19;
	v46 =	vld.idx.msk [tilespmem:v46+s4+$0x0], $0xffff  }
0x2cd: {  	v24 =	vadd.f32 v53, v24;
	v44 =	vmul.f32 v36, v1;
	v1 =	vmul.f32 v55, v40  }
0x2ce: {  	v21 =	vadd.f32 v29, v21;
	vm12 =	vlt.u32 v0, $0x61;
	v29 =	vld.idx.msk [tilespmem:v48+s4+$0x0], $0xffff;
	vm11 =	vlt.f32 v30, v5  }
0x2cf: {  	vm13 =	vlt.u32 v25, $0x61;
	v57 =	vmul.f32 v1, v55;
	vm11 =	vmand vm11, vm12  }
0x2d0: {  	v1 =	vsel vm1, v36, v37;
	v37 =	vmul.f32 v28, v51;
	v0 =	vsel vm11, v26, v0;
	v26 =	vld.idx.msk [tilespmem:v59+s4+$0x0], $0xffff  }
0x2d1: {  	v48 =	vmul.f32 v32, v6;
	vm12 =	vlt.f32 v46, v17;
	vm11 =	vlt.u32 v20, $0x61  }
0x2d2: {  	v36 =	vmul.f32 v54, v55;
	v22 =	vadd.f32 v37, v22;
	vm11 =	vmand vm12, vm11  }
0x2d3: {  	v54 =	vmovc v6;
	v6 =	vld [tilespmem:$0x1FD40];
	vm12 =	vlt.f32 v29, v3;
	v29 =	vadd.s32 $0x2, v0;
	v20 =	vsel vm11, v39, v20  }
0x2d4: {  	vm11 =	vmand vm12, vm13;
	v37 =	vadd.s32 v9, v29;
	vm12 =	vlt.u32 v23, $0x63  }
0x2d5: {  	v25 =	vsel vm11, v47, v25;
	vm11 =	vlt.f32 v26, v2;
	v26 =	vadd.s32 $0x2, v20  }
0x2d6: {  	v53 =	vmul.f32 v63, v13;
	v46 =	vadd.s32 v11, v26;
	vm11 =	vmand vm11, vm12  }
0x2d7: {  	v23 =	vsel vm11, v56, v23  }
0x2d8: {  	v28 =	vmul.f32 v28, v12;
	v39 =	vmul.f32 v53, v63;
	v53 =	vadd.s32 v6, v23  }
0x2d9: {  	v21 =	vmul.f32 v21, v58;
	v37 =	vld.idx.msk [tilespmem:v37+s4+$0x0], $0xffff  }
0x2da: {  	v61 =	vmovc v2;
	v30 =	vmul.f32 v48, v32;
	v27 =	vadd.f32 v28, v27;
	v32 =	vmul.f32 v62, v12;
	v2 =	vld [tilespmem:$0x1FD50]  }
0x2db: {  	v38 =	vadd.f32 v38, v41;
	v51 =	vpop (erf);
	v28 =	vmul.f32 v31, v60;
	v31 =	vmul.f32 v31, v13;
	v41 =	vld.idx.msk [tilespmem:v46+s4+$0x0], $0xffff  }
0x2dc: {  	v32 =	vmul.f32 v32, v62;
	v62 =	vpop (erf);
	v27 =	vmul.f32 v27, v45;
	v47 =	vadd.s32 $0x2, v25  }
0x2dd: {  	v24 =	vadd.f32 v24, v30;
	v21 =	vmul.f32 v62, v21;
	v63 =	vpop (erf);
	v48 =	vadd.s32 v4, v47;
	v46 =	vld.idx.msk [tilespmem:v53+s4+$0x0], $0xffff  }
0x2de: {  	v27 =	vmul.f32 v63, v27;
	vm12 =	vlt.u32 v0, $0x63;
	vm11 =	vlt.f32 v37, v5  }
0x2df: {  	v63 =	vmul.f32 v42, v42;
	v30 =	vmul.f32 v38, v2;
	vm11 =	vmand vm11, vm12  }
0x2e0: {  	v2 =	vld [tilespmem:$0x1FD60];
	v0 =	vsel vm11, v29, v0;
	vm11 =	vlt.u32 v20, $0x63;
	vm12 =	vlt.f32 v41, v17  }
0x2e1: {  	v24 =	vmul.f32 v24, v63;
	vm14 =	vlt.u32 v23, $0x64;
	vm11 =	vmand vm12, vm11  }
0x2e2: {  	v45 =	vpop (erf);
	v62 =	vld.idx.msk [tilespmem:v48+s4+$0x0], $0xffff;
	v48 =	vmul.f32 v40, v40;
	v40 =	vsel vm11, v26, v20;
	vm11 =	vlt.f32 v46, v61  }
0x2e3: {  	v31 =	vadd.f32 v31, v57;
	v30 =	vmul.f32 v51, v30;
	v20 =	vpop (erf);
	vm11 =	vmand vm11, vm14  }
0x2e4: {  	v29 =	vadd.s32 v10, v0;
	v38 =	vmul.f32 v20, v24;
	v20 =	vsel vm11, $0x1, v35  }
0x2e5: {  	v57 =	vmovc v4;
	v4 =	vadd.f32 v44, v2;
	v20 =	vadd.s32 v20, v23;
	v23 =	vadd.f32 v30, v2;
	v2 =	vld [tilespmem:$0x1FD90];
	_ =	sdelay $0x1  }
0x2e6: {  	v28 =	vadd.f32 v28, v36  }
0x2e7: {  	v42 =	vmov v7;
	v26 =	vadd.s32 v7, v40;
	v7 =	vld [tilespmem:$0x1FD70]  }
0x2e8: {  	v28 =	vadd.f32 v28, v39;
	v51 =	vmov v3;
	v24 =	vld.idx.msk [tilespmem:v29+s4+$0x0], $0xffff  }
0x2e9: {  	vm13 =	vlt.u32 v25, $0x63;
	vm12 =	vlt.f32 v62, v51;
	v29 =	vmul.f32 v54, v2;
	v2 =	vld [tilespmem:$0x1FDA0]  }
0x2ea: {  	v28 =	vmul.f32 v28, v48;
	vm12 =	vmand vm12, vm13;
	v62 =	vpop (erf)  }
0x2eb: {  	v39 =	vsel vm12, v47, v25;
	v25 =	vpop (erf)  }
0x2ec: {  	v37 =	vmul.f32 v25, v28;
	v25 =	vmul.f32 v15, v7;
	_ =	sdelay $0x1  }
0x2ed: {  	v48 =	vadd.f32 v25, v2;
	v2 =	vld [tilespmem:$0x1FDB0];
	_ =	sdelay $0x4  }
0x2ee: {  	v46 =	vadd.f32 v21, v2;
	v29 =	vadd.f32 v29, v2;
	v2 =	vld [tilespmem:$0x1FDC0];
	_ =	sdelay $0x1  }
0x2ef: {  	v7 =	vld [tilespmem:$0x1FD80];
	_ =	sdelay $0x2  }
0x2f0: {  	vm4 =	vmand vm4, vm2;
	vm3 =	vmand vm9, vm3;
	v21 =	vmul.f32 v12, v2;
	v2 =	vld [tilespmem:$0x1FDD0]  }
0x2f1: {  	vm7 =	vmand vm10, vm7;
	v31 =	vmul.f32 v31, v52;
	v63 =	vadd.s32 v8, v39  }
0x2f2: {  	v22 =	vadd.f32 v22, v32;
	v28 =	vmul.f32 v14, v7;
	v25 =	vmul.f32 v19, v49  }
0x2f3: {  	v31 =	vmul.f32 v45, v31;
	v45 =	vmul.f32 v43, v43;
	vm14 =	vlt.f32 v24, v5  }
0x2f4: {  	v26 =	vld.idx.msk [tilespmem:v26+s4+$0x0], $0xffff;
	v24 =	vmax.u32 v20, $0x1;
	v47 =	vadd.f32 v28, v33;
	v33 =	vadd.f32 v25, v34  }
0x2f5: {  	v32 =	vadd.f32 v27, v2;
	v25 =	vadd.f32 v21, v2;
	v21 =	vmin.u32 v24, $0x63;
	v2 =	vld [tilespmem:$0x1FDE0]  }
0x2f6: {  	v22 =	vmul.f32 v22, v45;
	v30 =	vadd.s32 v21, v50;
	v27 =	vadd.s32 v6, v21;
	v21 =	vld.idx.msk [tilespmem:v63+s4+$0x0], $0xffff  }
0x2f7: {  	vm2 =	vlt.u32 v0, $0x64;
	vm13 =	vmmov vm8;
	vm12 =	vmmov vm5  }
0x2f8: {  	vm5 =	vlt.u32 v40, $0x64;
	v36 =	vmul.f32 v62, v22;
	vm11 =	vmmov vm6  }
0x2f9: {  	v58 =	vmovc v14;
	v55 =	vmovc v12;
	vm6 =	vlt.u32 v39, $0x64;
	vm2 =	vmand vm14, vm2;
	vm15 =	vlt.f32 v26, v17  }
0x2fa: {  	v60 =	vmovc v11;
	v59 =	vmovc v19;
	v26 =	vadd.f32 v31, v16;
	[tilespmem:s3+$0x1F020] =	vst v1;
	v1 =	vimm.s32 $0x0;
	v49 =	vmul.f32 v13, v2  }
0x2fb: {  	v52 =	vmovc v13;
	v11 =	vmovc v9;
	vm8 =	vlt.f32 v21, v51;
	v21 =	vsel vm2, $0x1, v35;
	vm2 =	vmand vm15, vm5  }
0x2fc: {  	v56 =	vmovc v15;
	v3 =	vmovc v17;
	v24 =	vadd.s32 v21, v0;
	v0 =	vsel vm2, $0x1, v35;
	vm2 =	vmand vm8, vm6  }
0x2fd: {  	v53 =	vmovc v8;
	v50 =	vmovc v16;
	v31 =	vmax.u32 v24, $0x1;
	v21 =	vadd.s32 v0, v40;
	v28 =	vsel vm2, $0x1, v1  }
.LBB2_5:
0x2fe: {  	v0 =	vmin.u32 v31, $0x63  }
0x2ff: {  	v31 =	vmax.u32 v21, $0x1;
	v28 =	vadd.s32 v28, v39;
	v39 =	vadd.s32 v0, v11  }
0x300: {  	v2 =	vld [tilespmem:$0x1FCF0];
	v9 =	vmin.u32 v31, $0x63;
	v45 =	vadd.s32 v10, v0  }
0x301: {  	s20 =	sadd.s32 $0x4, s20;
	v44 =	vld.idx.msk [tilespmem:v30+s4+$0x0], $0xffff;
	v43 =	vadd.s32 v9, v60  }
0x302: {  	v34 =	vld.idx.msk [tilespmem:v27+s4+$0x0], $0xffff;
	s1 =	smul.u32 $0xAB, s20;
	s24 =	sor.u32 $0x1, s20;
	v42 =	vadd.s32 v42, v9  }
0x303: {  	v19 =	vsel vm13, v59, v37;
	v37 =	vld.idx.msk [tilespmem:v30+s17+$0x0], $0xffff;
	s23 =	sor.u32 $0x2, s20;
	v31 =	vmax.u32 v28, $0x1;
	s26 =	sor.u32 $0x3, s20;
	s12 =	sand.u32 $0xFF, s24  }
0x304: {  	v0 =	vmin.u32 v31, $0x63;
	s28 =	sand.u32 $0xFF, s26;
	s1 =	sshrl.u32 s1, $0x8;
	s12 =	smul.u32 $0xAB, s12;
	v7 =	vld.idx.msk [tilespmem:v39+s4+$0x0], $0xffff  }
0x305: {  	s21 =	sand.u32 $0xFF, s23;
	v41 =	vadd.s32 v0, v57;
	s31 =	smul.u32 $0xAB, s28;
	s22 =	sand.u32 $0xF0, s1;
	v15 =	vld.idx.msk [tilespmem:v45+s4+$0x0], $0xffff  }
0x306: {  	vm8 =	veq.s32 v28, $0x0;
	vm2 =	vgt.u32 v28, $0x63;
	v40 =	vadd.s32 v53, v0;
	s21 =	smul.u32 $0xAB, s21;
	s25 =	sshrl.u32 s22, $0x4;
	v28 =	vld.idx.msk [tilespmem:v43+s4+$0x0], $0xffff  }
0x307: {  	vm9 =	veq.s32 v24, $0x0;
	vm10 =	veq.s32 v21, $0x0;
	s1 =	sshrl.u32 s31, $0xC;
	s28 =	smul.u32 $0x18, s25;
	v31 =	vld.idx.msk [tilespmem:v42+s4+$0x0], $0xffff  }
0x308: {  	vm6 =	vgt.u32 v21, $0x63;
	v8 =	vsel vm12, v48, v46;
	v17 =	vsel vm11, v58, v36;
	s12 =	sshrl.u32 s12, $0xC;
	s1 =	smul.u32 $0x18, s1;
	v6 =	vld.idx.msk [tilespmem:v2+s22+$0x0 ss:$0x1], $0xffff  }
0x309: {  	v21 =	vsel vm13, v33, v26;
	v11 =	vsel vm11, v47, v32;
	s21 =	sshrl.u32 s21, $0xC;
	v10 =	vsub.f32 v34, v44;
	s12 =	smul.u32 $0x18, s12;
	v2 =	vld [tilespmem:$0x1FD10]  }
0x30a: {  	v8 =	vsel vm4, v29, v8;
	v12 =	vsel vm3, v55, v17;
	v9 =	vsel vm12, v56, v38;
	s21 =	smul.u32 $0x18, s21;
	v18 =	vld.idx.msk [tilespmem:v41+s4+$0x0], $0xffff  }
0x30b: {  	v0 =	vadd.f32 v49, v50;
	v9 =	vsel vm4, v54, v9;
	(erf) = vrcp.f32 v10;
	s28 =	ssub.s32 s20, s28;
	s1 =	ssub.s32 s26, s1;
	v50 =	vld.idx.msk [tilespmem:v40+s4+$0x0], $0xffff;
	[tilespmem:s10+$0x1E420] =	vst v8  }
0x30c: {  	vm5 =	vgt.u32 v24, $0x63;
	v14 =	vsel vm7, v52, v19;
	v52 =	vld.idx.msk [tilespmem:v27+s17+$0x0], $0xffff;
	v11 =	vsel vm3, v25, v11;
	s12 =	ssub.s32 s24, s12;
	s21 =	ssub.s32 s23, s21;
	[tilespmem:s10+$0x1F020] =	vst v9;
	s10 =	smov.u32 s13  }
0x30d: {  	v16 =	vsub.f32 v61, v34;
	v0 =	vsel vm7, v0, v21;
	v34 =	vld.idx.msk [tilespmem:v27+s16+$0x0], $0xffff;
	v35 =	vsub.f32 v61, v44;
	s28 =	sand.u32 $0xFF, s28;
	s24 =	sand.u32 $0xFF, s1;
	s31 =	sand.u32 $0xFF, s12  }
0x30e: {  	s12 =	sand.u32 $0xFF, s21;
	v25 =	vld.idx.msk [tilespmem:v39+s17+$0x0], $0xffff;
	s26 =	smul.u32 $0x64, s28;
	s25 =	sshll.u32 s28, $0x6;
	v8 =	vsub.f32 v5, v7;
	vm3 =	vlt.f32 v5, v7;
	v22 =	vsub.f32 v15, v7  }
0x30f: {  	[tilespmem:s9+$0x1E420] =	vst v11;
	v27 =	vld.idx.msk [tilespmem:v45+s17+$0x0], $0xffff;
	s23 =	smul.u32 $0x64, s24;
	s1 =	sshll.u32 s31, $0x6;
	s25 =	sor.u32 s22, s25;
	v62 =	vsub.f32 v31, v28;
	vm7 =	vlt.f32 v3, v28;
	v13 =	vmul.u32 $0x960, v6  }
0x310: {  	[tilespmem:s9+$0x1F020] =	vst v12;
	s28 =	smul.u32 $0x64, s31;
	s1 =	sadd.s32 s22, s1;
	s13 =	smov.u32 s25;
	v10 =	vsel vm0, v2, v23;
	v6 =	vld.idx.msk [tilespmem:v30+s16+$0x0], $0xffff;
	(erf) = vrcp.f32 v22;
	v22 =	vsub.f32 v50, v18  }
0x311: {  	s9 =	smov.u32 s14;
	[tilespmem:s8+$0x1E420] =	vst v0;
	s31 =	smul.u32 $0x64, s12;
	s14 =	smov.u32 s1;
	v0 =	vld [tilespmem:s13+$0x1D820];
	vm11 =	vlt.f32 v51, v18;
	v19 =	vsel vm1, v4, v10;
	v24 =	vadd.s32 s23, v13  }
0x312: {  	[tilespmem:s8+$0x1F020] =	vst v14;
	v63 =	vld [tilespmem:s14+$0x1D820];
	v10 =	vsub.f32 v3, v28;
	v36 =	vadd.s32 s26, v13;
	v58 =	vadd.s32 $0x3F, v24  }
0x313: {  	v30 =	vld.idx.msk [tilespmem:v41+s16+$0x0], $0xffff;
	v4 =	vadd.s32 s28, v13;
	v2 =	vadd.s32 s31, v13;
	s31 =	sshll.u32 s24, $0x6;
	v29 =	vadd.s32 $0x3F, v36  }
0x314: {  	[tilespmem:s3+$0x1E420] =	vst v19;
	s3 =	smov.u32 s11;
	v13 =	vld.idx.msk [tilespmem:v40+s16+$0x0], $0xffff;
	v59 =	vadd.s32 $0x3F, v4;
	v21 =	vadd.s32 $0xFFFFFFFF, v2;
	v60 =	vadd.s32 $0x3F, v2;
	v28 =	vpop (erf);
	s11 =	sadd.s32 s22, s31  }
0x315: {  	[tilespmem:$0x1FC30] =	vst v2;
	(erf) = vrcp.f32 v62;
	v2 =	vsub.f32 v5, v15;
	v56 =	vmul.f32 v28, v35;
	v53 =	vld [tilespmem:s11+$0x1D820]  }
0x316: {  	(erf) = vrcp.f32 v22;
	v22 =	vmul.f32 v37, v35;
	v35 =	vld.idx.msk [tilespmem:v43+s16+$0x0], $0xffff;
	v32 =	vsub.f32 v34, v6  }
0x317: {  	v11 =	vadd.s32 $0xFFFFFFFF, v36;
	v23 =	vadd.s32 $0xFFFFFFFF, v4;
	[tilespmem:$0x1FC50] =	vst v2;
	v2 =	vsub.f32 v3, v31;
	v19 =	vld.idx.msk [tilespmem:v58+s4+$0x0], $0xffff  }
0x318: {  	[tilespmem:$0x1FC10] =	vst v4;
	v15 =	vadd.f32 v27, v25;
	v3 =	vmax.f32 v56, $0.0e+00;
	v47 =	vmul.f32 v32, v28;
	v57 =	vld.idx.msk [tilespmem:v29+s4+$0x0], $0xffff  }
0x319: {  	[tilespmem:$0x1FC60] =	vst v2;
	v2 =	vsub.f32 v51, v50;
	v48 =	vmin.f32 v3, $1.000000000e+00;
	v58 =	vld.idx.msk [tilespmem:v59+s4+$0x0], $0xffff;
	v59 =	vadd.f32 v52, v37  }
0x31a: {  	v62 =	vmul.f32 v52, v16;
	v4 =	vmovc v20;
	v49 =	vsub.f32 $1.000000000e+00, v48;
	v29 =	vld.idx.msk [tilespmem:v42+s16+$0x0], $0xffff;
	v50 =	vadd.f32 v47, v47  }
0x31b: {  	s12 =	sshll.u32 s12, $0x6;
	[tilespmem:$0x1FC70] =	vst v8;
	v20 =	vsub.f32 v51, v18;
	v5 =	vmov v0;
	v0 =	vld.idx.msk [tilespmem:v60+s4+$0x0], $0xffff;
	v60 =	vmul.f32 v48, v47;
	v54 =	vpop (erf)  }
0x31c: {  	s12 =	sor.u32 s22, s12;
	v33 =	vmovc v63;
	v46 =	vmul.f32 v49, v48;
	v12 =	vmul.f32 v54, v8;
	v63 =	vsub.f32 v59, v50  }
0x31d: {  	s8 =	smov.u32 s15;
	s15 =	smov.u32 s12;
	v31 =	vadd.s32 $0xFFFFFFFF, v24;
	[tilespmem:$0x1FC90] =	vst v2;
	v2 =	vadd.f32 v62, v34;
	v38 =	vmul.f32 v60, v48  }
0x31e: {  	[tilespmem:$0x1FC20] =	vst v24;
	v3 =	vld [tilespmem:s15+$0x1D820];
	v8 =	vmax.f32 v12, $0.0e+00;
	vm0 =	vlt.f32 v19, v53;
	v34 =	vmul.f32 v46, v63  }
0x31f: {  	v24 =	vld.idx.msk [tilespmem:v42+s17+$0x0], $0xffff;
	v56 =	vpop (erf);
	vm1 =	vlt.f32 v58, v33;
	v19 =	vmul.f32 v48, v52;
	v42 =	vsub.f32 v29, v35  }
0x320: {  	[tilespmem:$0x1FCD0] =	vst v29;
	v58 =	vpop (erf);
	v29 =	vld.idx.msk [tilespmem:v40+s17+$0x0], $0xffff;
	v40 =	vsub.f32 v13, v30;
	v51 =	vsel vm0, $0x40, v1;
	vm0 =	vlt.f32 v57, v5  }
0x321: {  	[tilespmem:$0x1FD10] =	vst v2;
	v2 =	vmovc v61;
	v60 =	vsel vm1, $0x40, v1;
	v12 =	vmul.f32 v58, v20;
	v55 =	vor.u32 $0x20, v51  }
0x322: {  	v7 =	vld.idx.msk [tilespmem:v39+s16+$0x0], $0xffff;
	vm1 =	veq.s32 v4, $0x0;
	vm12 =	vlt.f32 v2, v44;
	v14 =	vadd.s32 v31, v55  }
0x323: {  	v28 =	vld.idx.msk [tilespmem:v45+s16+$0x0], $0xffff;
	v57 =	vsel vm0, $0x40, v1;
	vm0 =	vlt.f32 v0, v3;
	v0 =	vadd.f32 v34, v47  }
0x324: {  	v62 =	vor.u32 $0x20, v60;
	v48 =	vmul.f32 v19, v48;
	v45 =	vmul.f32 v40, v58  }
0x325: {  	vm1 =	vmand vm12, vm1;
	v59 =	vor.u32 $0x20, v57;
	v39 =	vmul.f32 v0, v0  }
0x326: {  	v61 =	vsel vm0, $0x40, v1;
	v1 =	vadd.s32 v23, v62;
	v16 =	vmax.f32 v12, $0.0e+00  }
0x327: {  	[tilespmem:$0x1FC40] =	vst v7;
	v9 =	vmovc v6;
	v63 =	vor.u32 $0x20, v61;
	v34 =	vadd.s32 v11, v59;
	(erf) = vrcp.f32 v39;
	v6 =	vld.idx.msk [tilespmem:v14+s4+$0x0], $0xffff  }
0x328: {  	[tilespmem:$0x1FCB0] =	vst v20;
	v18 =	vadd.s32 v21, v63;
	v39 =	vsub.f32 v28, v7;
	v7 =	vmul.f32 v56, v10  }
0x329: {  	[tilespmem:$0x1FCC0] =	vst v28;
	v28 =	vld.idx.msk [tilespmem:v41+s17+$0x0], $0xffff;
	v41 =	vmul.f32 v46, v50;
	v50 =	vmin.f32 v16, $1.000000000e+00;
	v14 =	vmul.f32 v49, v37  }
0x32a: {  	v26 =	vld.idx.msk [tilespmem:v43+s17+$0x0], $0xffff;
	[tilespmem:$0x1FCE0] =	vst v13;
	v46 =	vmul.f32 v46, v37;
	v20 =	vsub.f32 $1.000000000e+00, v50;
	v2 =	vmul.f32 v50, v45  }
0x32b: {  	[tilespmem:$0x1FC80] =	vst v35;
	v7 =	vmax.f32 v7, $0.0e+00;
	v13 =	vadd.f32 v41, v48;
	v1 =	vld.idx.msk [tilespmem:v1+s4+$0x0], $0xffff;
	v14 =	vmul.f32 v14, v49  }
0x32c: {  	v43 =	vmul.f32 v39, v54;
	v41 =	vmul.f32 v42, v56;
	v35 =	vld.idx.msk [tilespmem:v34+s4+$0x0], $0xffff;
	vm0 =	vlt.f32 v6, v53  }
0x32d: {  	v34 =	vadd.f32 v13, v14;
	v6 =	vmul.f32 v47, v47;
	v54 =	vsel vm0, v55, v51  }
0x32e: {  	v18 =	vld.idx.msk [tilespmem:v18+s4+$0x0], $0xffff;
	v49 =	vmin.f32 v7, $1.000000000e+00;
	v51 =	vmin.f32 v8, $1.000000000e+00;
	v8 =	vor.u32 $0x10, v54  }
0x32f: {  	v58 =	vadd.f32 v41, v41;
	v6 =	vmul.f32 v34, v6;
	v7 =	vadd.s32 v31, v8  }
0x330: {  	v2 =	vmul.f32 v2, v50;
	v17 =	vadd.f32 v29, v28;
	v47 =	vsub.f32 $1.000000000e+00, v49;
	v12 =	vpop (erf)  }
0x331: {  	vm13 =	vlt.f32 v1, v33;
	vm4 =	vlt.f32 v35, v5;
	v6 =	vmul.f32 v12, v6  }
0x332: {  	vm0 =	vgt.u32 v4, $0x63;
	v4 =	vadd.f32 v22, v9;
	v48 =	vsub.f32 $1.000000000e+00, v51  }
0x333: {  	v1 =	vsel vm0, v52, v6;
	v6 =	vsel vm4, v59, v57;
	vm4 =	vlt.f32 v18, v3  }
0x334: {  	v18 =	vsel vm13, v62, v60;
	v1 =	vsel vm1, v37, v1;
	v16 =	vor.u32 $0x10, v6;
	v7 =	vld.idx.msk [tilespmem:v7+s4+$0x0], $0xffff  }
0x335: {  	v35 =	vsel vm4, v63, v61;
	v44 =	vor.u32 $0x10, v18;
	[tilespmem:s3+$0x1F020] =	vst v1;
	v1 =	vadd.s32 v11, v16  }
0x336: {  	(erf) = vrcp.f32 v0;
	v52 =	vor.u32 $0x10, v35;
	v13 =	vadd.s32 v23, v44  }
0x337: {  	[tilespmem:$0x1FCA0] =	vst v10;
	vm15 =	vlt.u32 v8, $0x65;
	v56 =	vmul.f32 v48, v51;
	v14 =	vadd.s32 v21, v52  }
0x338: {  	v10 =	vmovc v53;
	v57 =	vadd.f32 v43, v43;
	v60 =	vmul.f32 v47, v49;
	v61 =	vadd.f32 v45, v45  }
0x339: {  	v62 =	vmul.f32 v20, v50;
	vm13 =	vlt.u32 v16, $0x65;
	vm14 =	vlt.f32 v7, v10  }
0x33a: {  	vm12 =	vlt.u32 v44, $0x65;
	v63 =	vsub.f32 v17, v61;
	v1 =	vld.idx.msk [tilespmem:v1+s4+$0x0], $0xffff;
	vm14 =	vmand vm14, vm15  }
0x33b: {  	v34 =	vsub.f32 v15, v57;
	v15 =	vmul.f32 v51, v43;
	v53 =	vld.idx.msk [tilespmem:v13+s4+$0x0], $0xffff;
	v8 =	vsel vm14, v8, v54  }
0x33c: {  	v63 =	vmul.f32 v62, v63;
	v7 =	vadd.f32 v24, v26;
	v55 =	vld.idx.msk [tilespmem:v14+s4+$0x0], $0xffff;
	v59 =	vor.u32 $0x8, v8  }
0x33d: {  	vm4 =	vlt.u32 v52, $0x65;
	v61 =	vmul.f32 v62, v61;
	v0 =	vadd.s32 v31, v59  }
0x33e: {  	v15 =	vmul.f32 v15, v51;
	v12 =	vadd.f32 v63, v45;
	v7 =	vsub.f32 v7, v58  }
0x33f: {  	v54 =	vmul.f32 v56, v34;
	v34 =	vmovc v9;
	v9 =	vmul.f32 v62, v28;
	vm14 =	vlt.f32 v1, v5  }
0x340: {  	v7 =	vmul.f32 v60, v7;
	vm13 =	vmand vm14, vm13;
	vm14 =	vlt.f32 v53, v33  }
0x341: {  	v6 =	vsel vm13, v16, v6;
	vm12 =	vmand vm14, vm12;
	vm13 =	vlt.f32 v55, v3  }
0x342: {  	v16 =	vor.u32 $0x8, v6;
	v18 =	vsel vm12, v44, v18;
	vm4 =	vmand vm13, vm4;
	v0 =	vld.idx.msk [tilespmem:v0+s4+$0x0], $0xffff  }
0x343: {  	v13 =	vadd.s32 v11, v16;
	v55 =	vor.u32 $0x8, v18;
	v35 =	vsel vm4, v52, v35  }
0x344: {  	v1 =	vadd.f32 v54, v43;
	v14 =	vadd.s32 v23, v55;
	v63 =	vor.u32 $0x8, v35  }
0x345: {  	v2 =	vadd.f32 v9, v2;
	v7 =	vadd.f32 v7, v41;
	v22 =	vadd.s32 v21, v63  }
0x346: {  	v17 =	vmul.f32 v1, v1;
	v44 =	vpop (erf);
	(erf) = vrcp.f32 v1;
	vm4 =	vmand vm3, vm9  }
0x347: {  	vm3 =	vmand vm7, vm10;
	vm9 =	vlt.u32 v59, $0x65;
	vm7 =	vlt.f32 v0, v10  }
0x348: {  	v1 =	vmul.f32 v7, v7;
	(erf) = vrcp.f32 v7;
	v7 =	vld.idx.msk [tilespmem:v13+s4+$0x0], $0xffff;
	vm7 =	vmand vm7, vm9  }
0x349: {  	v54 =	vmul.f32 v51, v27;
	v53 =	vmul.f32 v49, v41;
	v0 =	vld.idx.msk [tilespmem:v14+s4+$0x0], $0xffff;
	v8 =	vsel vm7, v59, v8  }
0x34a: {  	vm14 =	vlt.u32 v16, $0x65;
	(erf) = vrcp.f32 v12;
	v22 =	vld.idx.msk [tilespmem:v22+s4+$0x0], $0xffff;
	v19 =	vadd.s32 $0x4, v8  }
0x34b: {  	vm13 =	vlt.u32 v55, $0x65;
	(erf) = vrcp.f32 v17;
	v13 =	vadd.s32 v31, v19  }
0x34c: {  	vm12 =	vlt.u32 v63, $0x65;
	v17 =	vmul.f32 v56, v57;
	(erf) = vrcp.f32 v1  }
0x34d: {  	v1 =	vmul.f32 v60, v26;
	vm7 =	vmand vm11, vm8;
	vm8 =	vlt.f32 v7, v5  }
0x34e: {  	v14 =	vmul.f32 v56, v25;
	vm8 =	vmand vm8, vm14;
	vm9 =	vlt.f32 v0, v33  }
0x34f: {  	v6 =	vsel vm8, v16, v6;
	vm8 =	vmand vm9, vm13;
	vm9 =	vlt.f32 v22, v3  }
0x350: {  	v22 =	vadd.s32 $0x4, v6;
	v18 =	vsel vm8, v55, v18;
	vm8 =	vmand vm9, vm12;
	v13 =	vld.idx.msk [tilespmem:v13+s4+$0x0], $0xffff  }
0x351: {  	v56 =	vadd.s32 v11, v22;
	v57 =	vadd.s32 $0x4, v18;
	v35 =	vsel vm8, v63, v35  }
0x352: {  	v0 =	vmul.f32 v60, v58;
	v58 =	vadd.s32 v23, v57;
	v60 =	vadd.s32 $0x4, v35  }
0x353: {  	v2 =	vmul.f32 v2, v40;
	v53 =	vmul.f32 v53, v49;
	v63 =	vadd.s32 v21, v60  }
0x354: {  	v52 =	vmul.f32 v12, v12;
	v12 =	vmul.f32 v50, v29;
	vm11 =	vmmov vm6  }
0x355: {  	vm6 =	vlt.u32 v8, $0x61;
	vm12 =	vmmov vm5;
	vm5 =	vlt.f32 v13, v10  }
0x356: {  	v12 =	vmul.f32 v12, v50;
	v59 =	vmul.f32 v49, v24;
	v56 =	vld.idx.msk [tilespmem:v56+s4+$0x0], $0xffff;
	vm5 =	vmand vm5, vm6  }
0x357: {  	v1 =	vadd.f32 v1, v53;
	v13 =	vmul.f32 v54, v51;
	v54 =	vld.idx.msk [tilespmem:v58+s4+$0x0], $0xffff;
	v8 =	vsel vm5, v19, v8  }
0x358: {  	v9 =	vadd.f32 v61, v12;
	v62 =	vld.idx.msk [tilespmem:v63+s4+$0x0], $0xffff;
	v19 =	vmul.f32 v59, v49;
	v59 =	vadd.s32 $0x2, v8  }
0x359: {  	v14 =	vadd.f32 v14, v15;
	v58 =	vmul.f32 v48, v25;
	v50 =	vadd.s32 v31, v59  }
0x35a: {  	vm10 =	vlt.u32 v6, $0x61;
	vm9 =	vlt.u32 v18, $0x61;
	vm8 =	vlt.u32 v35, $0x61  }
0x35b: {  	v13 =	vadd.f32 v17, v13;
	v17 =	vmul.f32 v58, v48;
	vm5 =	vlt.f32 v56, v5  }
0x35c: {  	v0 =	vadd.f32 v0, v19;
	vm5 =	vmand vm5, vm10;
	vm6 =	vlt.f32 v54, v33  }
0x35d: {  	v6 =	vsel vm5, v22, v6;
	vm5 =	vmand vm6, vm9;
	vm6 =	vlt.f32 v62, v3  }
0x35e: {  	v12 =	vadd.s32 $0x2, v6;
	v18 =	vsel vm5, v57, v18;
	vm5 =	vmand vm6, vm8;
	v19 =	vld.idx.msk [tilespmem:v50+s4+$0x0], $0xffff  }
0x35f: {  	v22 =	vadd.s32 v11, v12;
	v48 =	vadd.s32 $0x2, v18;
	v35 =	vsel vm5, v60, v35  }
0x360: {  	v15 =	vmul.f32 v20, v28;
	v63 =	vadd.s32 v23, v48;
	v53 =	vadd.s32 $0x2, v35  }
0x361: {  	(erf) = vrcp.f32 v52;
	v61 =	vmovc v10;
	v10 =	vmovc v36;
	v57 =	vmov v21;
	v36 =	vadd.s32 v21, v53;
	v21 =	vld [tilespmem:$0x1FC20]  }
0x362: {  	v1 =	vmul.f32 v1, v42;
	v15 =	vmul.f32 v15, v20  }
0x363: {  	v20 =	vadd.f32 v46, v38;
	vm10 =	vlt.u32 v8, $0x63;
	vm9 =	vlt.f32 v19, v61  }
0x364: {  	v7 =	vpop (erf);
	v14 =	vmul.f32 v14, v39;
	v49 =	vmul.f32 v47, v26;
	v62 =	vld.idx.msk [tilespmem:v22+s4+$0x0], $0xffff;
	vm9 =	vmand vm9, vm10  }
0x365: {  	v16 =	vpop (erf);
	v9 =	vadd.f32 v9, v15;
	v20 =	vmul.f32 v20, v32;
	v19 =	vld.idx.msk [tilespmem:v63+s4+$0x0], $0xffff;
	v8 =	vsel vm9, v59, v8  }
0x366: {  	v55 =	vpop (erf);
	v47 =	vmul.f32 v49, v47;
	v49 =	vmul.f32 v45, v45;
	v63 =	vld.idx.msk [tilespmem:v36+s4+$0x0], $0xffff;
	v46 =	vadd.s32 v21, v8  }
0x367: {  	v7 =	vmul.f32 v7, v14;
	vm13 =	vmmov vm2;
	v2 =	vmul.f32 v55, v2;
	v58 =	vmovc v24;
	v24 =	vld [tilespmem:$0x1FC40]  }
0x368: {  	v42 =	vld [tilespmem:$0x1FC10];
	v14 =	vmul.f32 v44, v20;
	v9 =	vmul.f32 v9, v49;
	vm8 =	vlt.u32 v6, $0x63  }
0x369: {  	v49 =	vld [tilespmem:$0x1FCA0];
	vm6 =	vlt.u32 v18, $0x63;
	vm5 =	vlt.u32 v35, $0x63;
	vm2 =	vlt.f32 v62, v5  }
0x36a: {  	v20 =	vld [tilespmem:$0x1FC70];
	v22 =	vmul.f32 v43, v43;
	vm2 =	vmand vm2, vm8;
	vm8 =	vlt.f32 v19, v33  }
0x36b: {  	v6 =	vsel vm2, v12, v6;
	vm2 =	vmand vm8, vm6;
	vm6 =	vlt.f32 v63, v3;
	v62 =	vld.idx.msk [tilespmem:v46+s4+$0x0], $0xffff  }
0x36c: {  	v43 =	vsel vm2, v48, v18;
	vm2 =	vmand vm6, vm5;
	v46 =	vadd.f32 v7, v24;
	v7 =	vld [tilespmem:$0x1FC50]  }
0x36d: {  	v13 =	vadd.f32 v13, v17;
	v48 =	vadd.s32 v42, v43;
	v39 =	vsel vm2, v53, v35;
	v53 =	vld [tilespmem:$0x1FC30]  }
0x36e: {  	v55 =	vmov v26;
	v12 =	vmul.f32 v26, v49;
	v26 =	vadd.f32 v2, v30;
	v2 =	vld [tilespmem:$0x1FCC0]  }
0x36f: {  	v54 =	vmov v25;
	v13 =	vmul.f32 v13, v22;
	v22 =	vmul.f32 v25, v20;
	v25 =	vld [tilespmem:$0x1FC80]  }
0x370: {  	v63 =	vadd.s32 v10, v6  }
0x371: {  	v0 =	vadd.f32 v0, v47;
	v47 =	vmul.f32 v41, v41;
	v19 =	vld [tilespmem:$0x1FC60];
	v7 =	vmul.f32 v27, v7  }
0x372: {  	v1 =	vmul.f32 v16, v1;
	v52 =	vpop (erf);
	v18 =	vadd.s32 v53, v39;
	v17 =	vld.idx.msk [tilespmem:v48+s4+$0x0], $0xffff  }
0x373: {  	v37 =	vpop (erf);
	v0 =	vmul.f32 v0, v47;
	v48 =	vadd.f32 v7, v2;
	v2 =	vld [tilespmem:$0x1FCD0]  }
0x374: {  	v51 =	vpop (erf);
	v60 =	vmov v23;
	v23 =	vadd.f32 v14, v34;
	v32 =	vadd.f32 v1, v25;
	v1 =	vld [tilespmem:$0x1FC90]  }
0x375: {  	v36 =	vmul.f32 v37, v0;
	v37 =	vmul.f32 v51, v9;
	vm9 =	vlt.u32 v8, $0x64;
	v15 =	vld.idx.msk [tilespmem:v63+s4+$0x0], $0xffff  }
0x376: {  	v38 =	vmul.f32 v52, v13;
	v19 =	vmul.f32 v58, v19;
	vm8 =	vlt.f32 v62, v61;
	v62 =	vld [tilespmem:$0x1FCB0]  }
0x377: {  	vm6 =	vlt.u32 v6, $0x64;
	vm5 =	vlt.u32 v43, $0x64;
	v25 =	vadd.f32 v12, v25;
	v63 =	vld.idx.msk [tilespmem:v18+s4+$0x0], $0xffff  }
0x378: {  	vm8 =	vmand vm8, vm9;
	v18 =	vimm.s32 $0x0;
	v47 =	vadd.f32 v19, v2;
	v2 =	vld [tilespmem:$0x1FCE0]  }
0x379: {  	v59 =	vmovc v29;
	v51 =	vmovc v3;
	vm2 =	vlt.u32 v39, $0x64;
	v1 =	vmul.f32 v29, v1;
	v18 =	vsel vm8, $0x1, v18  }
0x37a: {  	v3 =	vmovc v33;
	v29 =	vadd.f32 v22, v24;
	vm8 =	vlt.f32 v15, v5;
	v20 =	vadd.s32 v18, v8  }
0x37b: {  	p0 =	slt.u32 s20, $0x5C;
	vm6 =	vmand vm8, vm6;
	vm8 =	vlt.f32 v17, v3;
	v0 =	vmax.u32 v20, $0x1  }
.Ltmp1:
0x37c: {  	v49 =	vmul.f32 v28, v62;
	vm5 =	vmand vm8, vm5;
	v0 =	vmin.u32 v0, $0x63;
	(pc) =	sbr.rel @p0 .LBB2_5-.Ltmp1, $4  }
0x37d: {  	v50 =	vmovc v30;
	v30 =	vadd.s32 v0, v31;
	v33 =	vadd.f32 v1, v2;
	v1 =	vimm.s32 $0x0  }
0x37e: {  	v56 =	vmovc v27;
	v27 =	vadd.s32 v21, v0;
	v0 =	vsel vm6, $0x1, v1;
	vm6 =	vlt.f32 v63, v51  }
0x37f: {  	v24 =	vadd.s32 v0, v6;
	v0 =	vsel vm5, $0x1, v1;
	vm2 =	vmand vm6, vm2  }
0x380: {  	v52 =	vmovc v28;
	v31 =	vmax.u32 v24, $0x1;
	v21 =	vadd.s32 v0, v43;
	v28 =	vsel vm2, $0x1, v1  }
0x381: {  	_ =	sdelay $0x3  }
0x382: {  	v2 =	vld.idx.msk [tilespmem:v30+s4+$0x0], $0xffff  }
0x383: {  	v6 =	vld.idx.msk [tilespmem:v27+s4+$0x0], $0xffff;
	_ =	sdelay $0x3  }
0x384: {  	v0 =	vmin.u32 v31, $0x63;
	v1 =	vmax.u32 v21, $0x1  }
0x385: {  	v12 =	vadd.s32 v0, v11;
	v13 =	vadd.s32 v10, v0;
	v0 =	vsub.f32 v6, v2  }
0x386: {  	v1 =	vmin.u32 v1, $0x63  }
0x387: {  	v14 =	vadd.s32 v1, v60;
	(erf) = vrcp.f32 v0;
	v0 =	vld.idx.msk [tilespmem:v30+s16+$0x0], $0xffff;
	_ =	sdelay $0x1  }
0x388: {  	v7 =	vadd.s32 v28, v39;
	v22 =	vadd.s32 v42, v1  }
0x389: {  	v1 =	vmax.u32 v7, $0x1;
	v11 =	vld.idx.msk [tilespmem:v12+s4+$0x0], $0xffff  }
0x38a: {  	v8 =	vmin.u32 v1, $0x63;
	v16 =	vld.idx.msk [tilespmem:v13+s4+$0x0], $0xffff  }
0x38b: {  	v39 =	vadd.s32 v8, v57;
	v35 =	vld.idx.msk [tilespmem:v14+s4+$0x0], $0xffff;
	[tilespmem:$0x1FC00] =	vst v0  }
0x38c: {  	v40 =	vadd.s32 v53, v8;
	v34 =	vld.idx.msk [tilespmem:v27+s16+$0x0], $0xffff  }
0x38d: {  	vm8 =	veq.s32 v24, $0x0;
	vm6 =	vgt.u32 v24, $0x63;
	v41 =	vld.idx.msk [tilespmem:v22+s4+$0x0], $0xffff  }
0x38e: {  	vm9 =	veq.s32 v21, $0x0;
	vm5 =	vgt.u32 v21, $0x63;
	v62 =	vsel vm12, v48, v46;
	v30 =	vld.idx.msk [tilespmem:v30+s17+$0x0], $0xffff  }
0x38f: {  	v63 =	vsel vm12, v56, v38;
	v18 =	vsel vm11, v47, v32;
	v48 =	vsel vm11, v58, v36;
	v31 =	vld.idx.msk [tilespmem:v27+s17+$0x0], $0xffff  }
0x390: {  	v19 =	vsel vm13, v33, v26;
	vm12 =	veq.s32 v20, $0x0;
	v28 =	vsub.f32 v16, v11;
	v43 =	vld.idx.msk [tilespmem:v39+s4+$0x0], $0xffff  }
0x391: {  	vm10 =	veq.s32 v7, $0x0;
	vm2 =	vgt.u32 v7, $0x63;
	v26 =	vsel vm4, v54, v63;
	v44 =	vld.idx.msk [tilespmem:v40+s4+$0x0], $0xffff  }
0x392: {  	v24 =	vsel vm3, v25, v18;
	v42 =	vsub.f32 v61, v2;
	(erf) = vrcp.f32 v28  }
0x393: {  	v8 =	vadd.f32 v49, v50;
	v46 =	vsub.f32 v61, v6;
	vm14 =	vlt.f32 v61, v2;
	v9 =	vpop (erf)  }
0x394: {  	v6 =	vld.idx.msk [tilespmem:v12+s16+$0x0], $0xffff;
	v28 =	vsub.f32 v5, v11;
	v27 =	vmul.f32 v9, v42;
	v1 =	vsub.f32 v34, v0  }
0x395: {  	v18 =	vsel vm7, v8, v19;
	v7 =	vld.idx.msk [tilespmem:v14+s16+$0x0], $0xffff;
	v57 =	vsub.f32 v41, v35;
	v60 =	vadd.f32 v31, v30  }
0x396: {  	v15 =	vsub.f32 v44, v43;
	v0 =	vld [tilespmem:$0x1FD10];
	v25 =	vsub.f32 v51, v43;
	v53 =	vmax.f32 v27, $0.0e+00  }
0x397: {  	v10 =	vld.idx.msk [tilespmem:v22+s16+$0x0], $0xffff;
	v27 =	vsel vm4, v29, v62;
	v45 =	vmul.f32 v1, v9;
	v49 =	vmin.f32 v53, $1.000000000e+00  }
0x398: {  	v8 =	vld.idx.msk [tilespmem:v39+s16+$0x0], $0xffff;
	v29 =	vsub.f32 v3, v35;
	(erf) = vrcp.f32 v57;
	v50 =	vsub.f32 $1.000000000e+00, v49  }
0x399: {  	v9 =	vld.idx.msk [tilespmem:v13+s16+$0x0], $0xffff;
	v53 =	vsel vm13, v59, v37;
	(erf) = vrcp.f32 v15;
	v21 =	vadd.f32 v45, v45  }
0x39a: {  	v19 =	vld.idx.msk [tilespmem:v13+s17+$0x0], $0xffff;
	vm13 =	vgt.u32 v20, $0x63;
	v58 =	vmul.f32 v49, v31;
	v38 =	vmul.f32 v50, v49  }
0x39b: {  	v13 =	vld.idx.msk [tilespmem:v14+s17+$0x0], $0xffff;
	v33 =	vpop (erf);
	v56 =	vsel vm0, v0, v23;
	v23 =	vsel vm3, v55, v48;
	v17 =	vsub.f32 v60, v21  }
0x39c: {  	vm3 =	vlt.f32 v5, v11;
	v11 =	vld.idx.msk [tilespmem:v40+s16+$0x0], $0xffff;
	v59 =	vmul.f32 v33, v28;
	v36 =	vmul.f32 v58, v49  }
0x39d: {  	v14 =	vld.idx.msk [tilespmem:v39+s17+$0x0], $0xffff;
	v15 =	vsel vm7, v52, v53;
	v58 =	vmul.f32 v50, v30;
	v17 =	vmul.f32 v38, v17  }
0x39e: {  	v53 =	vsub.f32 v10, v7;
	v48 =	vsub.f32 v9, v6;
	v62 =	vmul.f32 v38, v21;
	v21 =	vld.idx.msk [tilespmem:v22+s17+$0x0], $0xffff  }
0x39f: {  	v47 =	vmax.f32 v59, $0.0e+00;
	v22 =	vld.idx.msk [tilespmem:v40+s17+$0x0], $0xffff;
	v50 =	vmul.f32 v58, v50;
	v32 =	vadd.f32 v17, v45  }
0x3a0: {  	v38 =	vmul.f32 v38, v30;
	v33 =	vmul.f32 v48, v33;
	v17 =	vsel vm1, v4, v56;
	v4 =	vmovc v51  }
0x3a1: {  	v55 =	vsub.f32 v11, v8;
	v37 =	vpop (erf);
	vm15 =	vlt.f32 v4, v43;
	v57 =	vmul.f32 v32, v32  }
0x3a2: {  	v4 =	vsub.f32 v4, v44;
	v60 =	vmul.f32 v37, v29;
	v52 =	vpop (erf);
	v37 =	vmul.f32 v53, v37  }
0x3a3: {  	v40 =	vmin.f32 v47, $1.000000000e+00;
	v29 =	vmul.f32 v13, v29;
	v63 =	vmul.f32 v52, v25  }
0x3a4: {  	v12 =	vld.idx.msk [tilespmem:v12+s17+$0x0], $0xffff;
	v36 =	vadd.f32 v62, v36;
	v52 =	vmul.f32 v55, v52;
	v4 =	vmul.f32 v22, v4  }
0x3a5: {  	v61 =	vadd.f32 v21, v13;
	v25 =	vmul.f32 v14, v25;
	(erf) = vrcp.f32 v57  }
0x3a6: {  	v51 =	vmax.f32 v60, $0.0e+00;
	v57 =	vadd.f32 v33, v33;
	v59 =	vadd.f32 v37, v37  }
0x3a7: {  	v60 =	vmax.f32 v63, $0.0e+00;
	v47 =	vmin.f32 v51, $1.000000000e+00;
	v51 =	vsub.f32 $1.000000000e+00, v40  }
0x3a8: {  	v2 =	vadd.f32 v52, v52;
	v63 =	vadd.f32 v22, v14;
	(erf) = vrcp.f32 v32  }
0x3a9: {  	v39 =	vmin.f32 v60, $1.000000000e+00;
	v54 =	vsub.f32 $1.000000000e+00, v47;
	v60 =	vadd.f32 v19, v12  }
0x3aa: {  	v61 =	vsub.f32 v61, v59;
	v20 =	vmul.f32 v47, v21;
	v56 =	vsub.f32 $1.000000000e+00, v39  }
0x3ab: {  	v62 =	vmul.f32 v51, v40;
	v60 =	vsub.f32 v60, v57;
	v58 =	vmul.f32 v54, v47  }
0x3ac: {  	v36 =	vadd.f32 v36, v50;
	v20 =	vmul.f32 v20, v47;
	v0 =	vmul.f32 v56, v39  }
0x3ad: {  	v63 =	vsub.f32 v63, v2;
	v60 =	vmul.f32 v62, v60;
	v50 =	vmul.f32 v58, v61  }
0x3ae: {  	v61 =	vmul.f32 v49, v45;
	v45 =	vmul.f32 v45, v45  }
0x3af: {  	vm6 =	vmmov vm6;
	v63 =	vmul.f32 v0, v63;
	v2 =	vmul.f32 v0, v2  }
0x3b0: {  	v0 =	vmul.f32 v0, v14;
	v60 =	vadd.f32 v60, v33;
	v49 =	vmul.f32 v61, v49  }
0x3b1: {  	v32 =	vadd.f32 v50, v37;
	v36 =	vmul.f32 v36, v45;
	v61 =	vmul.f32 v31, v46  }
0x3b2: {  	v45 =	vadd.f32 v63, v52;
	v63 =	vmul.f32 v40, v33;
	(erf) = vrcp.f32 v60  }
0x3b3: {  	v50 =	vmul.f32 v60, v60;
	v34 =	vadd.f32 v61, v34;
	v61 =	vmul.f32 v62, v57  }
0x3b4: {  	vm5 =	vmmov vm5;
	v62 =	vmul.f32 v62, v12;
	v57 =	vmul.f32 v51, v12  }
0x3b5: {  	vm4 =	vlt.f32 v3, v35;
	v35 =	vpop (erf);
	(erf) = vrcp.f32 v32;
	v32 =	vmul.f32 v32, v32  }
0x3b6: {  	v46 =	vmul.f32 v45, v45;
	v60 =	vmovc v3;
	v3 =	vsub.f32 v5, v16;
	v16 =	vmul.f32 v35, v36  }
0x3b7: {  	vm2 =	vmmov vm2;
	(erf) = vrcp.f32 v45;
	v35 =	vmul.f32 v30, v42  }
0x3b8: {  	vm4 =	vmand vm4, vm9;
	v36 =	vmul.f32 v47, v37;
	v45 =	vmul.f32 v33, v33  }
0x3b9: {  	vm1 =	vmand vm14, vm12;
	(erf) = vrcp.f32 v50;
	v50 =	vmul.f32 v40, v19  }
0x3ba: {  	v5 =	vsub.f32 v60, v41;
	v41 =	vmul.f32 v63, v40;
	v60 =	vmul.f32 v39, v22  }
0x3bb: {  	vm14 =	vmand vm3, vm8;
	v63 =	vmul.f32 v58, v59;
	v59 =	vmul.f32 v56, v14  }
0x3bc: {  	vm15 =	vmand vm15, vm10;
	(erf) = vrcp.f32 v32;
	v36 =	vmul.f32 v36, v47  }
0x3bd: {  	v4 =	vadd.f32 v4, v11;
	v3 =	vmul.f32 v19, v3;
	(erf) = vrcp.f32 v46  }
0x3be: {  	v16 =	vsel vm13, v31, v16;
	v32 =	vmul.f32 v50, v40;
	v40 =	vmul.f32 v39, v52  }
0x3bf: {  	v16 =	vsel vm1, v30, v16;
	v50 =	vmul.f32 v58, v13;
	v41 =	vadd.f32 v62, v41  }
0x3c0: {  	v31 =	vmul.f32 v60, v39;
	v60 =	vmul.f32 v57, v51;
	v30 =	vadd.f32 v61, v32  }
0x3c1: {  	[tilespmem:s10+$0x1F020] =	vst v26;
	v58 =	vmul.f32 v54, v13;
	v62 =	vpop (erf);
	v36 =	vadd.f32 v50, v36;
	v41 =	vmul.f32 v41, v48  }
0x3c2: {  	[tilespmem:s9+$0x1E420] =	vst v24;
	v20 =	vadd.f32 v63, v20;
	v40 =	vmul.f32 v40, v39;
	v63 =	vpop (erf);
	v30 =	vadd.f32 v30, v60  }
0x3c3: {  	[tilespmem:s8+$0x1E420] =	vst v18;
	v38 =	vadd.f32 v38, v49;
	v36 =	vmul.f32 v36, v53;
	v46 =	vpop (erf);
	v50 =	vmul.f32 v63, v41  }
0x3c4: {  	[tilespmem:s10+$0x1E420] =	vst v27;
	v3 =	vadd.f32 v3, v9;
	v53 =	vmul.f32 v12, v28;
	v49 =	vpop (erf);
	v51 =	vmul.f32 v30, v45  }
0x3c5: {  	[tilespmem:s8+$0x1F020] =	vst v15;
	v39 =	vmul.f32 v58, v54;
	v48 =	vmul.f32 v52, v52;
	v52 =	vadd.f32 v50, v6;
	v54 =	vpop (erf)  }
0x3c6: {  	[tilespmem:s9+$0x1F020] =	vst v23;
	v47 =	vmul.f32 v37, v37;
	v6 =	vadd.f32 v53, v6;
	v23 =	vmul.f32 v54, v51  }
0x3c7: {  	[tilespmem:s3+$0x1E420] =	vst v17;
	v61 =	vmul.f32 v59, v56;
	v2 =	vadd.f32 v2, v31;
	v3 =	vsel vm6, v3, v52  }
0x3c8: {  	[tilespmem:s11+$0x1F020] =	vst v16;
	v0 =	vadd.f32 v0, v40;
	v59 =	vsel vm6, v19, v23;
	v3 =	vsel vm14, v6, v3  }
0x3c9: {  	v5 =	vmul.f32 v21, v5;
	v20 =	vadd.f32 v20, v39;
	v60 =	vsel vm14, v12, v59;
	[tilespmem:s13+$0x1E420] =	vst v3  }
0x3ca: {  	v2 =	vadd.f32 v2, v61;
	v0 =	vmul.f32 v0, v55;
	v33 =	vmul.f32 v46, v36;
	[tilespmem:s13+$0x1F020] =	vst v60  }
0x3cb: {  	v1 =	vmul.f32 v38, v1;
	v5 =	vadd.f32 v5, v10;
	v20 =	vmul.f32 v20, v47;
	v6 =	vld [tilespmem:$0x1FC00]  }
0x3cc: {  	v2 =	vmul.f32 v2, v48;
	v0 =	vmul.f32 v49, v0;
	v55 =	vadd.f32 v33, v7;
	v56 =	vpop (erf)  }
0x3cd: {  	v1 =	vmul.f32 v62, v1;
	v7 =	vadd.f32 v29, v7;
	v57 =	vpop (erf);
	v58 =	vmul.f32 v56, v20  }
0x3ce: {  	v0 =	vadd.f32 v0, v8;
	v2 =	vmul.f32 v57, v2;
	v5 =	vsel vm5, v5, v55  }
0x3cf: {  	v3 =	vadd.f32 v25, v8;
	v61 =	vsel vm5, v21, v58;
	v5 =	vsel vm4, v7, v5  }
0x3d0: {  	v0 =	vsel vm2, v4, v0;
	v62 =	vsel vm4, v13, v61;
	[tilespmem:s14+$0x1E420] =	vst v5;
	v1 =	vadd.f32 v1, v6  }
0x3d1: {  	s2 =	sadd.s32 $0x1, s2;
	v2 =	vsel vm2, v22, v2;
	v0 =	vsel vm15, v3, v0;
	[tilespmem:s14+$0x1F020] =	vst v62;
	v63 =	vadd.f32 v35, v6  }
0x3d2: {  	p0 =	sne.s32 s2, $0x20;
	v2 =	vsel vm15, v14, v2;
	[tilespmem:s15+$0x1E420] =	vst v0;
	v1 =	vsel vm13, v34, v1  }
.Ltmp2:
0x3d3: {  	[tilespmem:s15+$0x1F020] =	vst v2;
	v0 =	vsel vm1, v63, v1;
	(pc) =	sbr.rel @p0 .LBB2_2-.Ltmp2, $4  }
0x3d4: {  	s1 =	sadd.s32 s6, s0;
	s26 =	simm.s32 $0x1E420;
	[tilespmem:s11+$0x1E420] =	vst v0  }
0x3d5: {  	[hbm4b:s1+s18] =	stream.strided.scatter [tilespmem:s26], [sflag:$0x4], $0x600, s19, s18, $0x38;
	[tilespmem:$0x1F620] =	vst v63  }
0x3d6: {  	s28 =	sadd.s32 s7, s0;
	s31 =	simm.s32 $0x1F020  }
0x3d7: {  	v1 =	vimm.s32 $0x0;
	[hbm4b:s28+s18] =	stream.strided.scatter [tilespmem:s31], [sflag:$0x4], $0x600, s19, s18, $0x38;
	[tilespmem:$0x1F620] =	vst v63  }
0x3d8: {  	s0 =	simm.s32 $0x3  }
0x3d9: {  	_ =	swait.ge [sflag:s0], $0x600  }
0x3da: {  	[sflag:s0] =	ssyncset.done $0x0  }
0x3db: {  	[sflag:s0] =	ssyncadd.s32 $0xFFFFFA00  }
0x3dc: {  	_ =	swait.ge [sflag:s0], $0x600  }
0x3dd: {  	[sflag:s0] =	ssyncset.done $0x0  }
0x3de: {  	[sflag:s0] =	ssyncadd.s32 $0xFFFFFA00  }
0x3df: {  	_ =	swait.ge [sflag:s30], $0x600  }
0x3e0: {  	[sflag:s30] =	ssyncset.done $0x0  }
0x3e1: {  	[sflag:s30] =	ssyncadd.s32 $0xFFFFFA00  }
0x3e2: {  	_ =	swait.ge [sflag:s30], $0x600  }
0x3e3: {  	s1 =	rddreg [dreg:$0xa]  }
0x3e4: {  	s31 =	rddreg [dreg:$0x9];
	s1 =	sadd.s32 $0x1, s1  }
0x3e5: {  	p0 =	sne.s32 s1, s31  }
.Ltmp3:
0x3e6: {  	_ = 	snop;
	(pc) =	sbr.rel @p0 .LBB2_1-.Ltmp3, $3  }
0x3e7: {  	_ =	sdelay $0x1  }
0x3e8: {  	[sflag:s30] =	ssyncset.done $0x0  }
0x3e9: {  	[sflag:s30] =	ssyncadd.s32 $0xFFFFFA00  }
0x3ea: {  	_ =	sfence.sel $0x180000  }
0x3eb: {  	[bflag:$0x0] =	sbarrier.arrive $0xFFFF  }
0x3ec: {  	_ =	strace $0x90000047  }
0x3ed: {  	s0 =	stileid.u32;
	[bflag:$0x2] =	sbarrier.arrive $0xFFFF  }
0x3ee: {  	p0 =	sne.s32 s0, $0x0;
	s0 =	rddreg [dreg:$0x3]  }
0x3ef: {  	s0 =	sadd.s32 @!p0 $0x100000, s0  }
0x3f0: {  	[sflag:s0] =	ssyncadd.tile.s32 @!p0 $0x1;
	_ =	shalt  }
.Lfunc_end2:
_tile_overlayer_lowered:
.L_overlay_start_2:
0x3f1: {  	(tag) =	ssettag $0x2  }
0x3f2: {  	s0 =	rddreg [dreg:$0x0];
	s2 =	stileid.u32  }
0x3f3: {  	s1 =	rddreg [dreg:$0x1];
	p0 =	sne.s32 s2, $0x0  }
0x3f4: {  	s3 =	rddreg [dreg:$0x2];
	[bflag:$0x3] =	sbarrier.arrive $0xFFFF;
	s2 =	simm.s32 @!p0 $0x1C05  }
0x3f5: {  	[timem:s3], [sflag:s2] =	dma.local @!p0 [hbm:s0], s1  }
0x3f6: {  	s0 =	simm.s32 @!p0 $0x5  }
0x3f7: {  	_ =	swait.ge @!p0 [sflag:s0], s1  }
0x3f8: {  	s1 =	ssub.s32 @!p0 $0x0, s1;
	[sflag:s0] =	ssyncset.done @!p0 $0x0  }
0x3f9: {  	[sflag:s0] =	ssyncadd.s32 @!p0 s1  }
0x3fa: {  	[bflag:$0x3] =	sbarrier.arrive $0xFFFF  }
0x3fb: {  	_ =	shalt  }

</sc_bundles>
